<compile_context>
chip_gen: v7x
topology: tpu7x:2x2x1
jax: 0.10.2.dev20260603
libtpu: 0.0.44.dev20260713+nightly
codegen_flags: <defaults>
</compile_context>

<pallas_src>
import functools

import jax
import jax.numpy as jnp
from jax import lax
from jax.experimental import pallas as pl
from jax.experimental.pallas import tpu as pltpu
from jax.experimental.pallas import tpu_sc as plsc

N = 10000
D = 128
DP = 160
E = 320000
NC, NS = 2, 16
NW = NC * NS
EPW = E // NW
CH = 80
NCHUNK = EPW // CH
RPT = N // NS
PROB_ATTR = 0.5
TEMP = 0.5

BR = 400
GR = N // BR
BL = 2000
GL = N // BL

_F32 = jnp.float32
_BF = jnp.bfloat16


def _sc_agg_body(xp, zrs, ei, w, out,
                 srcv, wv, dstage0, dstage1, rows0, rows1, acc,
                 sem0, sem1, semd0, semd1, sems0, sems1):
    c = lax.axis_index("c")
    s = lax.axis_index("s")
    base = (c * NS + s) * EPW
    pltpu.sync_copy(ei.at[0, pl.ds(base, EPW)], srcv)
    pltpu.sync_copy(w.at[pl.ds(base, EPW)], wv)
    pltpu.sync_copy(zrs, acc.at[pl.ds(s * RPT, RPT)])
    plsc.subcore_barrier()

    rows = (rows0, rows1)
    sems = (sem0, sem1)
    dstage = (dstage0, dstage1)
    semsd = (semd0, semd1)
    semss = (sems0, sems1)

    def scale(i, rbuf):
        @plsc.parallel_loop(0, CH, unroll=4)
        def _(r):
            wr = plsc.load_gather(wv, [jnp.full((16,), i * CH, jnp.int32) + r])
            wrb = plsc.pack(wr, wr, format=plsc.PackFormat.INTERLEAVED)
            for k in range(D // 32):
                rbuf[r, pl.ds(k * 32, 32)] = rbuf[r, pl.ds(k * 32, 32)] * wrb

    def fetch(i, b):
        pltpu.async_copy(xp.at[srcv.at[pl.ds(i * CH, CH)]], rows[b], sems[b])
        pltpu.async_copy(ei.at[1, pl.ds(base + i * CH, CH)], dstage[b],
                         semsd[b])

    def await_chunk(i, b):
        pltpu.make_async_copy(xp.at[srcv.at[pl.ds(i * CH, CH)]],
                              rows[b], sems[b]).wait()
        pltpu.make_async_copy(ei.at[1, pl.ds(base + i * CH, CH)], dstage[b],
                              semsd[b]).wait()

    def await_scatter(b):
        pltpu.make_async_copy(rows[b], acc.at[dstage[b]], semss[b]).wait()

    fetch(0, 0)

    def pair(p, carry):
        for b in range(2):
            i = p * 2 + b
            await_chunk(i, b)

            @pl.when(i > 0)
            def _():
                await_scatter(1 - b)

            fetch(i + 1, 1 - b)
            scale(i, rows[b])
            pltpu.async_copy(rows[b], acc.at[dstage[b]], semss[b], add=True)
        return carry

    lax.fori_loop(0, NCHUNK // 2, pair, 0)
    last = NCHUNK - 1
    await_chunk(last, 0)
    await_scatter(1)
    scale(last, rows0)
    pltpu.async_copy(rows0, acc.at[dstage0], semss[0], add=True)
    await_scatter(0)
    plsc.subcore_barrier()
    pltpu.sync_copy(acc.at[pl.ds(s * RPT, RPT)],
                    out.at[pl.ds(c * N + s * RPT, RPT)])


def _sc_agg(xp, zrs, ei, w):
    fn = pl.kernel(
        _sc_agg_body,
        mesh=plsc.VectorSubcoreMesh(core_axis_name="c", subcore_axis_name="s",
                                    num_cores=NC, num_subcores=NS),
        out_type=jax.ShapeDtypeStruct((NC * N, DP), _BF),
        scratch_types=[
            pltpu.VMEM((EPW,), jnp.int32),
            pltpu.VMEM((EPW,), _F32),
            pltpu.VMEM((CH,), jnp.int32),
            pltpu.VMEM((CH,), jnp.int32),
            pltpu.VMEM((CH, DP), _BF),
            pltpu.VMEM((CH, DP), _BF),
            pltpu.VMEM_SHARED((N, DP), _BF),
            pltpu.SemaphoreType.DMA,
            pltpu.SemaphoreType.DMA,
            pltpu.SemaphoreType.DMA,
            pltpu.SemaphoreType.DMA,
            pltpu.SemaphoreType.DMA,
            pltpu.SemaphoreType.DMA,
        ],
        compiler_params=pltpu.CompilerParams(use_tc_tiling_on_sc=False,
                                             needs_layout_passes=False),
    )
    return fn(xp, zrs, ei, w)


def _prep_body(feat, mask, out):
    m = (mask[...] < PROB_ATTR).astype(_F32)
    x = feat[...] * m
    pad = jnp.concatenate(
        [jnp.ones((BR, 1), _F32), jnp.zeros((BR, DP - D - 1), _F32)], axis=1)
    out[...] = jnp.concatenate([x, pad], axis=1).astype(_BF)


def _prep(feat1, mask2):
    return pl.pallas_call(
        _prep_body,
        grid=(GR,),
        in_specs=[
            pl.BlockSpec((BR, D), lambda i: (i, 0)),
            pl.BlockSpec((1, D), lambda i: (0, 0)),
        ],
        out_specs=pl.BlockSpec((BR, DP), lambda i: (i, 0)),
        out_shape=jax.ShapeDtypeStruct((N, DP), _BF),
    )(feat1, mask2)


BS = 1000
GS = N // BS


def _sage_body(accr, xp, ws, wn, b, out, a0v, a1v, s0, s1):
    i = pl.program_id(0)
    c0 = pltpu.async_copy(accr.at[pl.ds(i * BS, BS)], a0v, s0)
    c1 = pltpu.async_copy(accr.at[pl.ds(N + i * BS, BS)], a1v, s1)
    c0.wait()
    c1.wait()
    acc = a0v[...].astype(_F32) + a1v[...].astype(_F32)
    deg = jnp.maximum(acc[:, D:D + 1], 1.0)
    agg = acc[:, :D] / deg
    x = xp[:, :D].astype(_F32)
    h = jnp.dot(x, ws[...], preferred_element_type=_F32)
    h = h + jnp.dot(agg, wn[...], preferred_element_type=_F32)
    h = jnp.maximum(h + b[...], 0.0)
    pad = jnp.concatenate(
        [jnp.ones((BS, 1), _F32), jnp.zeros((BS, DP - D - 1), _F32)], axis=1)
    out[...] = jnp.concatenate([h, pad], axis=1).astype(_BF)


def _sage(acc, xp, ws, wn, b2):
    return pl.pallas_call(
        _sage_body,
        grid=(GS,),
        in_specs=[
            pl.BlockSpec(memory_space=pltpu.HBM),
            pl.BlockSpec((BS, DP), lambda i: (i, 0)),
            pl.BlockSpec((D, D), lambda i: (0, 0)),
            pl.BlockSpec((D, D), lambda i: (0, 0)),
            pl.BlockSpec((1, D), lambda i: (0, 0)),
        ],
        out_specs=pl.BlockSpec((BS, DP), lambda i: (i, 0)),
        out_shape=jax.ShapeDtypeStruct((N, DP), _BF),
        scratch_shapes=[
            pltpu.VMEM((BS, DP), _BF),
            pltpu.VMEM((BS, DP), _BF),
            pltpu.SemaphoreType.DMA,
            pltpu.SemaphoreType.DMA,
        ],
    )(acc, xp, ws, wn, b2)


def _proj_norm(x, wpv, bpv):
    z = jnp.dot(x, wpv, preferred_element_type=_F32) + bpv
    z = jnp.where(z > 0, z, jnp.exp(jnp.minimum(z, 0.0)) - 1.0)
    n = jnp.sqrt(jnp.sum(z * z, axis=1, keepdims=True))
    return ((z / jnp.maximum(n, 1e-12)) * (TEMP ** -0.5)).astype(_BF)


def _sage_proj_body(accr, xp, ws, wn, b, wp, bp, z1o, a0v, a1v, s0, s1):
    i = pl.program_id(0)
    c0 = pltpu.async_copy(accr.at[pl.ds(i * BS, BS)], a0v, s0)
    c1 = pltpu.async_copy(accr.at[pl.ds(N + i * BS, BS)], a1v, s1)
    c0.wait()
    c1.wait()
    acc = a0v[...].astype(_F32) + a1v[...].astype(_F32)
    deg = jnp.maximum(acc[:, D:D + 1], 1.0)
    agg = acc[:, :D] / deg
    x = xp[:, :D].astype(_F32)
    h = jnp.dot(x, ws[...], preferred_element_type=_F32)
    h = h + jnp.dot(agg, wn[...], preferred_element_type=_F32)
    h = jnp.maximum(h + b[...], 0.0)
    z1o[...] = _proj_norm(h, wp[...], bp[...])


def _sage_proj(acc, xp, ws, wn, b2, wp, bp2):
    return pl.pallas_call(
        _sage_proj_body,
        grid=(GS,),
        in_specs=[
            pl.BlockSpec(memory_space=pltpu.HBM),
            pl.BlockSpec((BS, DP), lambda i: (i, 0)),
            pl.BlockSpec((D, D), lambda i: (0, 0)),
            pl.BlockSpec((D, D), lambda i: (0, 0)),
            pl.BlockSpec((1, D), lambda i: (0, 0)),
            pl.BlockSpec((D, D), lambda i: (0, 0)),
            pl.BlockSpec((1, D), lambda i: (0, 0)),
        ],
        out_specs=pl.BlockSpec((BS, D), lambda i: (i, 0)),
        out_shape=jax.ShapeDtypeStruct((N, D), _BF),
        scratch_shapes=[
            pltpu.VMEM((BS, DP), _BF),
            pltpu.VMEM((BS, DP), _BF),
            pltpu.SemaphoreType.DMA,
            pltpu.SemaphoreType.DMA,
        ],
    )(acc, xp, ws, wn, b2, wp, bp2)


def _proj_e_body(emb, wp, bp, z2o):
    z2o[...] = _proj_norm(emb[...], wp[...], bp[...])


def _proj(x, wp, bp2):
    return pl.pallas_call(
        _proj_e_body,
        grid=(GR,),
        in_specs=[
            pl.BlockSpec((BR, D), lambda i: (i, 0)),
            pl.BlockSpec((D, D), lambda i: (0, 0)),
            pl.BlockSpec((1, D), lambda i: (0, 0)),
        ],
        out_specs=pl.BlockSpec((BR, D), lambda i: (i, 0)),
        out_shape=jax.ShapeDtypeStruct((N, D), _BF),
    )(x, wp, bp2)


_DN = (((1,), (1,)), ((), ()))
_INV_T = 1.0 / TEMP


def _exp_sim(x, y):
    return jnp.exp(lax.dot_general(x, y, _DN, preferred_element_type=_F32))


def _mxu_rowsum(s):
    ones = jnp.ones((BL, 8), _F32)
    return lax.dot_general(s, ones, (((1,), (0,)), ((), ())),
                           preferred_element_type=_F32)[:, :1]


def _vpu_colsum(s):
    return s.sum(axis=0).reshape(1, BL)


def _oh_col(i):
    return (lax.broadcasted_iota(jnp.int32, (1, GL), 1) == i).astype(_F32)


def _oh_row(j):
    return (lax.broadcasted_iota(jnp.int32, (GL, 1), 0) == j).astype(_F32)


def _loss22_body(bi_r, bj_r, r22o, d22o, r22s_, d22s_):
    i = pl.program_id(0)
    j = pl.program_id(1)
    bi = bi_r[...]

    @pl.when((i == 0) & (j == 0))
    def _():
        r22s_[...] = jnp.zeros_like(r22s_)
        d22s_[...] = jnp.zeros_like(d22s_)

    s22 = _exp_sim(bi, bj_r[...])
    r22s_[...] += _mxu_rowsum(s22) * _oh_col(i)

    @pl.when(j == 0)
    def _():
        bi32 = bi.astype(_F32)
        d22 = jnp.exp(jnp.sum(bi32 * bi32, axis=1, keepdims=True))
        d22s_[...] += d22 * _oh_col(i)

    @pl.when((i == GL - 1) & (j == GL - 1))
    def _():
        r22o[...] = r22s_[...]
        d22o[...] = d22s_[...]


def _loss22(z2n):
    return pl.pallas_call(
        _loss22_body,
        grid=(GL, GL),
        in_specs=[
            pl.BlockSpec((BL, D), lambda i, j: (i, 0)),
            pl.BlockSpec((BL, D), lambda i, j: (j, 0)),
        ],
        out_specs=[
            pl.BlockSpec((BL, GL), lambda i, j: (0, 0)),
            pl.BlockSpec((BL, GL), lambda i, j: (0, 0)),
        ],
        out_shape=[
            jax.ShapeDtypeStruct((BL, GL), _F32),
            jax.ShapeDtypeStruct((BL, GL), _F32),
        ],
        scratch_shapes=[pltpu.VMEM((BL, GL), _F32) for _ in range(2)],
    )(z2n, z2n)


def _loss_body(ai_r, bi_r, aj_r, bj_r, r22_r, d22_r, out, r11r, r11c, r12r,
               c12c, d11, ld12):
    i = pl.program_id(0)
    j = pl.program_id(1)
    ai = ai_r[...]
    bi = bi_r[...]
    aj = aj_r[...]
    bj = bj_r[...]

    @pl.when((i == 0) & (j == 0))
    def _():
        r11r[...] = jnp.zeros_like(r11r)
        r11c[...] = jnp.zeros_like(r11c)
        r12r[...] = jnp.zeros_like(r12r)
        c12c[...] = jnp.zeros_like(c12c)
        d11[...] = jnp.zeros_like(d11)
        ld12[...] = jnp.zeros_like(ld12)

    s12 = _exp_sim(ai, bj)
    r12r[...] += _mxu_rowsum(s12) * _oh_col(i)
    c12c[...] += _oh_row(j) * _vpu_colsum(s12)

    @pl.when(j == i)
    def _():
        s11 = _exp_sim(ai, aj)
        r11r[...] += _mxu_rowsum(s11) * _oh_col(i)

    @pl.when(j > i)
    def _():
        s11 = _exp_sim(ai, aj)
        r11r[...] += _mxu_rowsum(s11) * _oh_col(i)
        r11c[...] += _oh_row(j) * _vpu_colsum(s11)

    @pl.when(j == 0)
    def _():
        ai32 = ai.astype(_F32)
        bi32 = bi.astype(_F32)
        oh = _oh_col(i)
        d11[...] += jnp.exp(jnp.sum(ai32 * ai32, axis=1, keepdims=True)) * oh
        ld12[...] += jnp.sum(ai32 * bi32, axis=1, keepdims=True) * oh

    @pl.when((i == GL - 1) & (j == GL - 1))
    def _():
        x1 = r11r[...] + r11c[...].T - d11[...] + r12r[...]
        x2 = r22_r[...] - d22_r[...] + c12c[...].T
        l1 = jnp.log(x1) - ld12[...]
        l2 = jnp.log(x2) - ld12[...]
        out[0, 0] = jnp.sum(l1 + l2) / (2.0 * N)


def _loss(z1n, z2n, r22, d22):
    return pl.pallas_call(
        _loss_body,
        grid=(GL, GL),
        in_specs=[
            pl.BlockSpec((BL, D), lambda i, j: (i, 0)),
            pl.BlockSpec((BL, D), lambda i, j: (i, 0)),
            pl.BlockSpec((BL, D), lambda i, j: (j, 0)),
            pl.BlockSpec((BL, D), lambda i, j: (j, 0)),
            pl.BlockSpec((BL, GL), lambda i, j: (0, 0)),
            pl.BlockSpec((BL, GL), lambda i, j: (0, 0)),
        ],
        out_specs=pl.BlockSpec((1, 1), lambda i, j: (0, 0),
                               memory_space=pltpu.SMEM),
        out_shape=jax.ShapeDtypeStruct((1, 1), _F32),
        scratch_shapes=[
            pltpu.VMEM((BL, GL), _F32),
            pltpu.VMEM((GL, BL), _F32),
            pltpu.VMEM((BL, GL), _F32),
            pltpu.VMEM((GL, BL), _F32),
            pltpu.VMEM((BL, GL), _F32),
            pltpu.VMEM((BL, GL), _F32),
        ],
    )(z1n, z2n, z1n, z2n, r22, d22)


def kernel(feat1, embds, edge_index, edge_weight, mask_rand,
           W_self0, W_neigh0, b0, W_self1, W_neigh1, b1, W_proj, b_proj):
    ei = edge_index.astype(jnp.int32)
    mask2 = mask_rand.reshape(1, D)
    b0r = b0.reshape(1, D)
    b1r = b1.reshape(1, D)
    bpr = b_proj.reshape(1, D)
    zrs = jnp.zeros((RPT, DP), _BF)

    z2n = _proj(embds, W_proj, bpr)
    r22, d22 = _loss22(z2n)

    xp = _prep(feat1, mask2)
    acc1 = _sc_agg(xp, zrs, ei, edge_weight)
    h1p = _sage(acc1, xp, W_self0, W_neigh0, b0r)
    acc2 = _sc_agg(h1p, zrs, ei, edge_weight)
    z1n = _sage_proj(acc2, h1p, W_self1, W_neigh1, b1r, W_proj, bpr)
    out = _loss(z1n, z2n, r22, d22)
    return out.reshape(())

# --- scband reference (transcript-rebuilt; emitter-appended) ---
"""Pipeline reference for scband-model-66898410602748 (READ-ONLY COPY).

The authoritative reference and input builder live on the scoring server;
editing this copy changes nothing except your own understanding.
"""

import jax, jax.numpy as jnp
import numpy as np

N_NODES = 10000
N_EDGES = 320000
IN_DIM = 128
HID = 128
OUT_DIM = 128
PROB_ATTR = 0.5
TEMP = 0.5


def setup_inputs(seed: int = 0) -> dict:
    key = jax.random.key(seed)
    ks = jax.random.split(key, 16)
    inp = {}
    inp['feat1'] = jax.random.normal(ks[0], (N_NODES, IN_DIM), dtype=jnp.float32)
    inp['embds'] = jax.random.normal(ks[1], (N_NODES, OUT_DIM), dtype=jnp.float32)
    inp['edge_index'] = jax.random.randint(ks[2], (2, N_EDGES), 0, N_NODES, dtype=jnp.int64)
    inp['edge_weight'] = jax.random.uniform(ks[3], (N_EDGES,), dtype=jnp.float32)
    inp['mask_rand'] = jax.random.uniform(ks[4], (IN_DIM,), dtype=jnp.float32)
    s0 = 1.0 / np.sqrt(IN_DIM)
    s1 = 1.0 / np.sqrt(HID)
    inp['W_self0'] = jax.random.uniform(ks[5], (IN_DIM, HID), dtype=jnp.float32, minval=-s0, maxval=s0)
    inp['W_neigh0'] = jax.random.uniform(ks[6], (IN_DIM, HID), dtype=jnp.float32, minval=-s0, maxval=s0)
    inp['b0'] = jnp.zeros((HID,), dtype=jnp.float32)
    inp['W_self1'] = jax.random.uniform(ks[7], (HID, OUT_DIM), dtype=jnp.float32, minval=-s1, maxval=s1)
    inp['W_neigh1'] = jax.random.uniform(ks[8], (HID, OUT_DIM), dtype=jnp.float32, minval=-s1, maxval=s1)
    inp['b1'] = jnp.zeros((OUT_DIM,), dtype=jnp.float32)
    sp = 1.0 / np.sqrt(OUT_DIM)
    inp['W_proj'] = jax.random.uniform(ks[9], (OUT_DIM, 128), dtype=jnp.float32, minval=-sp, maxval=sp)
    inp['b_proj'] = jax.random.uniform(ks[10], (128,), dtype=jnp.float32, minval=-sp, maxval=sp)
    return inp


def reference(feat1, embds, edge_index, edge_weight, mask_rand,
              W_self0, W_neigh0, b0, W_self1, W_neigh1, b1, W_proj, b_proj):
    N = feat1.shape[0]
    src = edge_index[0]
    dst = edge_index[1]
    # attrMask: per-feature random mask (rand < prob_attr)
    mask = (mask_rand < PROB_ATTR).astype(feat1.dtype)
    x = feat1 * mask
    # in-degree for mean aggregation
    deg = jnp.zeros((N,), dtype=jnp.float32).at[dst].add(1.0)
    deg = jnp.maximum(deg, 1.0)

    def sage_layer(h, Ws, Wn, b):
        m = h[src] * edge_weight[:, None]
        agg = jnp.zeros((N, h.shape[1]), dtype=h.dtype).at[dst].add(m)
        agg = agg / deg[:, None]
        return h @ Ws + agg @ Wn + b

    h = jax.nn.relu(sage_layer(x, W_self0, W_neigh0, b0))
    h = jax.nn.relu(sage_layer(h, W_self1, W_neigh1, b1))
    # projection MLP (elu)
    z1 = jax.nn.elu(h @ W_proj + b_proj)
    z2 = jax.nn.elu(embds @ W_proj + b_proj)

    def normalize(z):
        n = jnp.linalg.norm(z, axis=1, keepdims=True)
        return z / jnp.maximum(n, 1e-12)

    def get_loss(a, b):
        an = normalize(a)
        bn = normalize(b)
        refl = jnp.exp((an @ an.T) / TEMP)
        betw = jnp.exp((an @ bn.T) / TEMP)
        x1 = refl.sum(1) + betw.sum(1) - jnp.diag(refl)
        return -jnp.log(jnp.diag(betw) / x1)

    l1 = get_loss(z1, z2)
    l2 = get_loss(z2, z1)
    ret = (l1 + l2) / 2.0
    return ret.mean()

if __name__ == "__main__":
    import jax
    _d = setup_inputs()
    print(jax.jit(kernel)(*tuple(_d.values())))

</pallas_src>

<mosaic_0001>
#map = affine_map<(d0, d1) -> (0, 0)>
#map1 = affine_map<(d0, d1) -> (0)>
module attributes {stable_mosaic.version = 14 : i64} {
  func.func @_sc_agg_body(%arg0: i32, %arg1: i32, %arg2: memref<10000x160xbf16, #tpu.memory_space<hbm>>, %arg3: memref<625x160xbf16, #tpu.memory_space<hbm>>, %arg4: memref<2x320000xi32, #tpu.memory_space<hbm>>, %arg5: memref<320000xf32, #tpu.memory_space<hbm>>, %arg6: memref<20000x160xbf16, #tpu.memory_space<hbm>>, %arg7: memref<10000xi32, #tpu.memory_space<vmem>>, %arg8: memref<10000xf32, #tpu.memory_space<vmem>>, %arg9: memref<80xi32, #tpu.memory_space<vmem>>, %arg10: memref<80xi32, #tpu.memory_space<vmem>>, %arg11: memref<80x160xbf16, #tpu.memory_space<vmem>>, %arg12: memref<80x160xbf16, #tpu.memory_space<vmem>>, %arg13: memref<10000x160xbf16, #tpu.memory_space<vmem_shared>>, %arg14: memref<!tpu.dma_semaphore, #tpu.memory_space<semaphore_mem>>, %arg15: memref<!tpu.dma_semaphore, #tpu.memory_space<semaphore_mem>>, %arg16: memref<!tpu.dma_semaphore, #tpu.memory_space<semaphore_mem>>, %arg17: memref<!tpu.dma_semaphore, #tpu.memory_space<semaphore_mem>>, %arg18: memref<!tpu.dma_semaphore, #tpu.memory_space<semaphore_mem>>, %arg19: memref<!tpu.dma_semaphore, #tpu.memory_space<semaphore_mem>>) attributes {dimension_semantics = [#tpu.dimension_semantics<core_parallel>, #tpu.dimension_semantics<subcore_parallel>], iteration_bounds = array<i64: 2, 16>, scalar_prefetch = 0 : i64, scratch_operands = 13 : i64, tpu.core_type = #tpu.core_type<sc_vector_subcore>, window_params = [{transform_indices = #map}, {transform_indices = #map}, {transform_indices = #map}, {transform_indices = #map1}, {transform_indices = #map}]} {
    %mul3A = arith.constant 16 : i32
    %mul3A_0 = arith.muli %arg0, %mul3A : i32
    %add3A = arith.addi %mul3A_0, %arg1 : i32
    %mul3A_1 = arith.constant 10000 : i32
    %mul3A_2 = arith.muli %add3A, %mul3A_1 : i32
    %run_scoped3A = arith.constant 0 : i32
    "tpu.region"() ({
      %run_scoped3A_51 = tpu.sem_alloc : memref<!tpu.dma_semaphore, #tpu.memory_space<semaphore_mem>>
      %dma_start3A_52 = tpu.memref_slice %arg4[%run_scoped3A, %mul3A_2] : memref<2x320000xi32, #tpu.memory_space<hbm>> -> memref<1x10000xi32, #tpu.memory_space<hbm>>
      %dma_start3A_53 = tpu.memref_squeeze %dma_start3A_52 : memref<1x10000xi32, #tpu.memory_space<hbm>> -> memref<10000xi32, #tpu.memory_space<hbm>>
      %dma_start3A_54 = tpu.memref_slice %arg4[%run_scoped3A, %mul3A_2] : memref<2x320000xi32, #tpu.memory_space<hbm>> -> memref<1x10000xi32, #tpu.memory_space<hbm>>
      %dma_start3A_55 = tpu.memref_squeeze %dma_start3A_54 : memref<1x10000xi32, #tpu.memory_space<hbm>> -> memref<10000xi32, #tpu.memory_space<hbm>>
      tpu.enqueue_dma source(%dma_start3A_55 : memref<10000xi32, #tpu.memory_space<hbm>>) target(%arg7 : memref<10000xi32, #tpu.memory_space<vmem>>) target_semaphore(%run_scoped3A_51 : memref<!tpu.dma_semaphore, #tpu.memory_space<semaphore_mem>>)
      %dma_wait3A_56 = tpu.memref_slice %arg4[%run_scoped3A, %mul3A_2] : memref<2x320000xi32, #tpu.memory_space<hbm>> -> memref<1x10000xi32, #tpu.memory_space<hbm>>
      %dma_wait3A_57 = tpu.memref_squeeze %dma_wait3A_56 : memref<1x10000xi32, #tpu.memory_space<hbm>> -> memref<10000xi32, #tpu.memory_space<hbm>>
      %dma_wait3A_58 = tpu.memref_slice %arg4[%run_scoped3A, %mul3A_2] : memref<2x320000xi32, #tpu.memory_space<hbm>> -> memref<1x10000xi32, #tpu.memory_space<hbm>>
      %dma_wait3A_59 = tpu.memref_squeeze %dma_wait3A_58 : memref<1x10000xi32, #tpu.memory_space<hbm>> -> memref<10000xi32, #tpu.memory_space<hbm>>
      tpu.wait_dma2 semaphore(%run_scoped3A_51 : memref<!tpu.dma_semaphore, #tpu.memory_space<semaphore_mem>>) src(%dma_wait3A_59 : memref<10000xi32, #tpu.memory_space<hbm>>) dst(%arg7 : memref<10000xi32, #tpu.memory_space<vmem>>)
      tpu.yield
    }) : () -> ()
    "tpu.region"() ({
      %run_scoped3A_51 = tpu.sem_alloc : memref<!tpu.dma_semaphore, #tpu.memory_space<semaphore_mem>>
      %dma_start3A_52 = tpu.memref_slice %arg5[%mul3A_2] : memref<320000xf32, #tpu.memory_space<hbm>> -> memref<10000xf32, #tpu.memory_space<hbm>>
      %dma_start3A_53 = tpu.memref_slice %arg5[%mul3A_2] : memref<320000xf32, #tpu.memory_space<hbm>> -> memref<10000xf32, #tpu.memory_space<hbm>>
      tpu.enqueue_dma source(%dma_start3A_53 : memref<10000xf32, #tpu.memory_space<hbm>>) target(%arg8 : memref<10000xf32, #tpu.memory_space<vmem>>) target_semaphore(%run_scoped3A_51 : memref<!tpu.dma_semaphore, #tpu.memory_space<semaphore_mem>>)
      %dma_wait3A_54 = tpu.memref_slice %arg5[%mul3A_2] : memref<320000xf32, #tpu.memory_space<hbm>> -> memref<10000xf32, #tpu.memory_space<hbm>>
      %dma_wait3A_55 = tpu.memref_slice %arg5[%mul3A_2] : memref<320000xf32, #tpu.memory_space<hbm>> -> memref<10000xf32, #tpu.memory_space<hbm>>
      tpu.wait_dma2 semaphore(%run_scoped3A_51 : memref<!tpu.dma_semaphore, #tpu.memory_space<semaphore_mem>>) src(%dma_wait3A_55 : memref<10000xf32, #tpu.memory_space<hbm>>) dst(%arg8 : memref<10000xf32, #tpu.memory_space<vmem>>)
      tpu.yield
    }) : () -> ()
    %mul3A_3 = arith.constant 625 : i32
    %mul3A_4 = arith.muli %arg1, %mul3A_3 : i32
    "tpu.region"() ({
      %run_scoped3A_51 = tpu.sem_alloc : memref<!tpu.dma_semaphore, #tpu.memory_space<semaphore_mem>>
      %dma_start3A_52 = arith.constant 0 : i32
      %dma_start3A_53 = tpu.memref_slice %arg13[%mul3A_4, %dma_start3A_52] : memref<10000x160xbf16, #tpu.memory_space<vmem_shared>> -> memref<625x160xbf16, #tpu.memory_space<vmem_shared>>
      tpu.enqueue_dma source(%arg3 : memref<625x160xbf16, #tpu.memory_space<hbm>>) target(%dma_start3A_53 : memref<625x160xbf16, #tpu.memory_space<vmem_shared>>) target_semaphore(%run_scoped3A_51 : memref<!tpu.dma_semaphore, #tpu.memory_space<semaphore_mem>>)
      %dma_wait3A_54 = arith.constant 0 : i32
      %dma_wait3A_55 = tpu.memref_slice %arg13[%mul3A_4, %dma_wait3A_54] : memref<10000x160xbf16, #tpu.memory_space<vmem_shared>> -> memref<625x160xbf16, #tpu.memory_space<vmem_shared>>
      tpu.wait_dma2 semaphore(%run_scoped3A_51 : memref<!tpu.dma_semaphore, #tpu.memory_space<semaphore_mem>>) src(%arg3 : memref<625x160xbf16, #tpu.memory_space<hbm>>) dst(%dma_wait3A_55 : memref<625x160xbf16, #tpu.memory_space<vmem_shared>>)
      tpu.yield
    }) : () -> ()
    %barrier3A = arith.constant 0 : index
    tpu.barrier barrier_id(%barrier3A)
    %dma_start3A = arith.constant 0 : i32
    %dma_start3A_5 = tpu.memref_slice %arg7[%dma_start3A] : memref<10000xi32, #tpu.memory_space<vmem>> -> memref<80xi32, #tpu.memory_space<vmem>>
    %dma_start3A_6 = arith.constant 0 : i32
    %dma_start3A_7 = arith.constant 0 : i32
    %dma_start3A_8 = tpu.memref_slice %arg2[%dma_start3A_6, %dma_start3A_7] : memref<10000x160xbf16, #tpu.memory_space<hbm>> -> memref<10000x160xbf16, #tpu.memory_space<hbm>>
    tpu.enqueue_indirect_dma source(%dma_start3A_8 : memref<10000x160xbf16, #tpu.memory_space<hbm>>) target(%arg11 : memref<80x160xbf16, #tpu.memory_space<vmem>>) offsets(%dma_start3A_5 : memref<80xi32, #tpu.memory_space<vmem>>) semaphore(%arg14 : memref<!tpu.dma_semaphore, #tpu.memory_space<semaphore_mem>>)
    %add3A_9 = arith.constant 0 : i32
    %add3A_10 = arith.addi %mul3A_2, %add3A_9 : i32
    %dma_start3A_11 = arith.constant 1 : i32
    %dma_start3A_12 = tpu.memref_slice %arg4[%dma_start3A_11, %add3A_10] : memref<2x320000xi32, #tpu.memory_space<hbm>> -> memref<1x80xi32, #tpu.memory_space<hbm>>
    %dma_start3A_13 = tpu.memref_squeeze %dma_start3A_12 : memref<1x80xi32, #tpu.memory_space<hbm>> -> memref<80xi32, #tpu.memory_space<hbm>>
    %dma_start3A_14 = tpu.memref_slice %arg4[%dma_start3A_11, %add3A_10] : memref<2x320000xi32, #tpu.memory_space<hbm>> -> memref<1x80xi32, #tpu.memory_space<hbm>>
    %dma_start3A_15 = tpu.memref_squeeze %dma_start3A_14 : memref<1x80xi32, #tpu.memory_space<hbm>> -> memref<80xi32, #tpu.memory_space<hbm>>
    tpu.enqueue_dma source(%dma_start3A_15 : memref<80xi32, #tpu.memory_space<hbm>>) target(%arg9 : memref<80xi32, #tpu.memory_space<vmem>>) target_semaphore(%arg16 : memref<!tpu.dma_semaphore, #tpu.memory_space<semaphore_mem>>)
    %scan3A = arith.constant 0 : i32
    %scan3A_16 = arith.constant 0 : i32
    %scan3A_17 = arith.constant 62 : i32
    %scan3A_18 = arith.addi %scan3A_16, %scan3A_17 : i32
    %scan3A_19 = arith.constant 1 : i32
    scf.for %scan3A_51 = %scan3A_16 to %scan3A_18 step %scan3A_19  : i32 {
      %mul3A_52 = arith.constant 2 : i32
      %mul3A_53 = arith.muli %scan3A_51, %mul3A_52 : i32
      %add3A_54 = arith.constant 0 : i32
      %add3A_55 = arith.addi %mul3A_53, %add3A_54 : i32
      %mul3A_56 = arith.constant 80 : i32
      %mul3A_57 = arith.muli %add3A_55, %mul3A_56 : i32
      %dma_wait3A_58 = tpu.memref_slice %arg7[%mul3A_57] : memref<10000xi32, #tpu.memory_space<vmem>> -> memref<80xi32, #tpu.memory_space<vmem>>
      %dma_wait3A_59 = arith.constant 0 : i32
      %dma_wait3A_60 = arith.constant 0 : i32
      %dma_wait3A_61 = tpu.memref_slice %arg2[%dma_wait3A_59, %dma_wait3A_60] : memref<10000x160xbf16, #tpu.memory_space<hbm>> -> memref<10000x160xbf16, #tpu.memory_space<hbm>>
      tpu.wait_indirect_dma semaphore(%arg14 : memref<!tpu.dma_semaphore, #tpu.memory_space<semaphore_mem>>) src(%dma_wait3A_61 : memref<10000x160xbf16, #tpu.memory_space<hbm>>) dst(%arg11 : memref<80x160xbf16, #tpu.memory_space<vmem>>)
      %mul3A_62 = arith.constant 80 : i32
      %mul3A_63 = arith.muli %add3A_55, %mul3A_62 : i32
      %add3A_64 = arith.addi %mul3A_2, %mul3A_63 : i32
      %dma_wait3A_65 = arith.constant 1 : i32
      %dma_wait3A_66 = tpu.memref_slice %arg4[%dma_wait3A_65, %add3A_64] : memref<2x320000xi32, #tpu.memory_space<hbm>> -> memref<1x80xi32, #tpu.memory_space<hbm>>
      %dma_wait3A_67 = tpu.memref_squeeze %dma_wait3A_66 : memref<1x80xi32, #tpu.memory_space<hbm>> -> memref<80xi32, #tpu.memory_space<hbm>>
      %dma_wait3A_68 = tpu.memref_slice %arg4[%dma_wait3A_65, %add3A_64] : memref<2x320000xi32, #tpu.memory_space<hbm>> -> memref<1x80xi32, #tpu.memory_space<hbm>>
      %dma_wait3A_69 = tpu.memref_squeeze %dma_wait3A_68 : memref<1x80xi32, #tpu.memory_space<hbm>> -> memref<80xi32, #tpu.memory_space<hbm>>
      tpu.wait_dma2 semaphore(%arg16 : memref<!tpu.dma_semaphore, #tpu.memory_space<semaphore_mem>>) src(%dma_wait3A_69 : memref<80xi32, #tpu.memory_space<hbm>>) dst(%arg9 : memref<80xi32, #tpu.memory_space<vmem>>)
      %gt3A = arith.constant 0 : i32
      %gt3A_70 = arith.cmpi sgt, %add3A_55, %gt3A : i32
      %convert_element_type3A = arith.extui %gt3A_70 : i1 to i32
      %cond3A = arith.constant 0 : i32
      %cond3A_71 = arith.cmpi ne, %convert_element_type3A, %cond3A : i32
      scf.if %cond3A_71 {
        %dma_wait3A_139 = arith.constant 0 : i32
        %dma_wait3A_140 = arith.constant 0 : i32
        %dma_wait3A_141 = tpu.memref_slice %arg13[%dma_wait3A_139, %dma_wait3A_140] : memref<10000x160xbf16, #tpu.memory_space<vmem_shared>> -> memref<10000x160xbf16, #tpu.memory_space<vmem_shared>>
        tpu.wait_indirect_dma semaphore(%arg19 : memref<!tpu.dma_semaphore, #tpu.memory_space<semaphore_mem>>) src(%arg12 : memref<80x160xbf16, #tpu.memory_space<vmem>>) dst(%dma_wait3A_141 : memref<10000x160xbf16, #tpu.memory_space<vmem_shared>>)
      } else {
      }
      %add3A_72 = arith.constant 1 : i32
      %add3A_73 = arith.addi %add3A_55, %add3A_72 : i32
      %mul3A_74 = arith.constant 80 : i32
      %mul3A_75 = arith.muli %add3A_73, %mul3A_74 : i32
      %dma_start3A_76 = tpu.memref_slice %arg7[%mul3A_75] : memref<10000xi32, #tpu.memory_space<vmem>> -> memref<80xi32, #tpu.memory_space<vmem>>
      %dma_start3A_77 = arith.constant 0 : i32
      %dma_start3A_78 = arith.constant 0 : i32
      %dma_start3A_79 = tpu.memref_slice %arg2[%dma_start3A_77, %dma_start3A_78] : memref<10000x160xbf16, #tpu.memory_space<hbm>> -> memref<10000x160xbf16, #tpu.memory_space<hbm>>
      tpu.enqueue_indirect_dma source(%dma_start3A_79 : memref<10000x160xbf16, #tpu.memory_space<hbm>>) target(%arg12 : memref<80x160xbf16, #tpu.memory_space<vmem>>) offsets(%dma_start3A_76 : memref<80xi32, #tpu.memory_space<vmem>>) semaphore(%arg15 : memref<!tpu.dma_semaphore, #tpu.memory_space<semaphore_mem>>)
      %mul3A_80 = arith.constant 80 : i32
      %mul3A_81 = arith.muli %add3A_73, %mul3A_80 : i32
      %add3A_82 = arith.addi %mul3A_2, %mul3A_81 : i32
      %dma_start3A_83 = arith.constant 1 : i32
      %dma_start3A_84 = tpu.memref_slice %arg4[%dma_start3A_83, %add3A_82] : memref<2x320000xi32, #tpu.memory_space<hbm>> -> memref<1x80xi32, #tpu.memory_space<hbm>>
      %dma_start3A_85 = tpu.memref_squeeze %dma_start3A_84 : memref<1x80xi32, #tpu.memory_space<hbm>> -> memref<80xi32, #tpu.memory_space<hbm>>
      %dma_start3A_86 = tpu.memref_slice %arg4[%dma_start3A_83, %add3A_82] : memref<2x320000xi32, #tpu.memory_space<hbm>> -> memref<1x80xi32, #tpu.memory_space<hbm>>
      %dma_start3A_87 = tpu.memref_squeeze %dma_start3A_86 : memref<1x80xi32, #tpu.memory_space<hbm>> -> memref<80xi32, #tpu.memory_space<hbm>>
      tpu.enqueue_dma source(%dma_start3A_87 : memref<80xi32, #tpu.memory_space<hbm>>) target(%arg10 : memref<80xi32, #tpu.memory_space<vmem>>) target_semaphore(%arg17 : memref<!tpu.dma_semaphore, #tpu.memory_space<semaphore_mem>>)
      %parallel_loop3A_88 = arith.constant 0 : i32
      %parallel_loop3A_89 = arith.constant 80 : i32
      %parallel_loop3A_90 = arith.constant 1 : i32
      scf.for %parallel_loop3A_139 = %parallel_loop3A_88 to %parallel_loop3A_89 step %parallel_loop3A_90  : i32 {
        %parallel_loop3A_140 = arith.constant 80 : i32
        %parallel_loop3A_141 = arith.muli %add3A_55, %parallel_loop3A_140 : i32
        %parallel_loop3A_142 = vector.broadcast %parallel_loop3A_141 : i32 to vector<16xi32>
        %parallel_loop3A_143 = vector.broadcast %parallel_loop3A_139 : i32 to vector<16xi32>
        %parallel_loop3A_144 = arith.addi %parallel_loop3A_142, %parallel_loop3A_143 : vector<16xi32>
        %parallel_loop3A_145 = tpu.vector_load_idx %arg8[%parallel_loop3A_144] : memref<10000xf32, #tpu.memory_space<vmem>>[vector<16xi32>], vector<16xf32>,
        %parallel_loop3A_146 = tpu.pack_subelements %parallel_loop3A_145, %parallel_loop3A_145 {pack_format = #tpu.pack_format<interleaved>, positions = array<i32: 0, 1>} : vector<16xf32>, vector<16xf32> -> vector<32xbf16>
        %parallel_loop3A_147 = arith.index_cast %parallel_loop3A_139 : i32 to index
        %parallel_loop3A_148 = arith.constant 0 : index
        %parallel_loop3A_149 = tpu.vector_load %arg11[%parallel_loop3A_147, %parallel_loop3A_148] {strides = array<i32>} : memref<80x160xbf16, #tpu.memory_space<vmem>>, vector<32xbf16>,
        %parallel_loop3A_150 = arith.mulf %parallel_loop3A_149, %parallel_loop3A_146 : vector<32xbf16>
        %parallel_loop3A_151 = arith.index_cast %parallel_loop3A_139 : i32 to index
        %parallel_loop3A_152 = arith.constant 0 : index
        %parallel_loop3A_153 = tpu.vector_load %arg11[%parallel_loop3A_151, %parallel_loop3A_152] {strides = array<i32>} : memref<80x160xbf16, #tpu.memory_space<vmem>>, vector<32xbf16>,
        tpu.vector_store %arg11[%parallel_loop3A_151, %parallel_loop3A_152], %parallel_loop3A_150 {strides = array<i32>} : memref<80x160xbf16, #tpu.memory_space<vmem>>, vector<32xbf16>,
        %parallel_loop3A_154 = arith.index_cast %parallel_loop3A_139 : i32 to index
        %parallel_loop3A_155 = arith.constant 32 : index
        %parallel_loop3A_156 = tpu.vector_load %arg11[%parallel_loop3A_154, %parallel_loop3A_155] {strides = array<i32>} : memref<80x160xbf16, #tpu.memory_space<vmem>>, vector<32xbf16>,
        %parallel_loop3A_157 = arith.mulf %parallel_loop3A_156, %parallel_loop3A_146 : vector<32xbf16>
        %parallel_loop3A_158 = arith.index_cast %parallel_loop3A_139 : i32 to index
        %parallel_loop3A_159 = arith.constant 32 : index
        %parallel_loop3A_160 = tpu.vector_load %arg11[%parallel_loop3A_158, %parallel_loop3A_159] {strides = array<i32>} : memref<80x160xbf16, #tpu.memory_space<vmem>>, vector<32xbf16>,
        tpu.vector_store %arg11[%parallel_loop3A_158, %parallel_loop3A_159], %parallel_loop3A_157 {strides = array<i32>} : memref<80x160xbf16, #tpu.memory_space<vmem>>, vector<32xbf16>,
        %parallel_loop3A_161 = arith.index_cast %parallel_loop3A_139 : i32 to index
        %parallel_loop3A_162 = arith.constant 64 : index
        %parallel_loop3A_163 = tpu.vector_load %arg11[%parallel_loop3A_161, %parallel_loop3A_162] {strides = array<i32>} : memref<80x160xbf16, #tpu.memory_space<vmem>>, vector<32xbf16>,
        %parallel_loop3A_164 = arith.mulf %parallel_loop3A_163, %parallel_loop3A_146 : vector<32xbf16>
        %parallel_loop3A_165 = arith.index_cast %parallel_loop3A_139 : i32 to index
        %parallel_loop3A_166 = arith.constant 64 : index
        %parallel_loop3A_167 = tpu.vector_load %arg11[%parallel_loop3A_165, %parallel_loop3A_166] {strides = array<i32>} : memref<80x160xbf16, #tpu.memory_space<vmem>>, vector<32xbf16>,
        tpu.vector_store %arg11[%parallel_loop3A_165, %parallel_loop3A_166], %parallel_loop3A_164 {strides = array<i32>} : memref<80x160xbf16, #tpu.memory_space<vmem>>, vector<32xbf16>,
        %parallel_loop3A_168 = arith.index_cast %parallel_loop3A_139 : i32 to index
        %parallel_loop3A_169 = arith.constant 96 : index
        %parallel_loop3A_170 = tpu.vector_load %arg11[%parallel_loop3A_168, %parallel_loop3A_169] {strides = array<i32>} : memref<80x160xbf16, #tpu.memory_space<vmem>>, vector<32xbf16>,
        %parallel_loop3A_171 = arith.mulf %parallel_loop3A_170, %parallel_loop3A_146 : vector<32xbf16>
        %parallel_loop3A_172 = arith.index_cast %parallel_loop3A_139 : i32 to index
        %parallel_loop3A_173 = arith.constant 96 : index
        %parallel_loop3A_174 = tpu.vector_load %arg11[%parallel_loop3A_172, %parallel_loop3A_173] {strides = array<i32>} : memref<80x160xbf16, #tpu.memory_space<vmem>>, vector<32xbf16>,
        tpu.vector_store %arg11[%parallel_loop3A_172, %parallel_loop3A_173], %parallel_loop3A_171 {strides = array<i32>} : memref<80x160xbf16, #tpu.memory_space<vmem>>, vector<32xbf16>,
      } {sc.loop_unroll_factor = 4 : i64, sc.parallel_access}
      %dma_start3A_91 = arith.constant 0 : i32
      %dma_start3A_92 = arith.constant 0 : i32
      %dma_start3A_93 = tpu.memref_slice %arg13[%dma_start3A_91, %dma_start3A_92] : memref<10000x160xbf16, #tpu.memory_space<vmem_shared>> -> memref<10000x160xbf16, #tpu.memory_space<vmem_shared>>
      tpu.enqueue_indirect_dma source(%arg11 : memref<80x160xbf16, #tpu.memory_space<vmem>>) target(%dma_start3A_93 : memref<10000x160xbf16, #tpu.memory_space<vmem_shared>>) offsets(%arg9 : memref<80xi32, #tpu.memory_space<vmem>>) semaphore(%arg18 : memref<!tpu.dma_semaphore, #tpu.memory_space<semaphore_mem>>) {add = true}
      %mul3A_94 = arith.constant 2 : i32
      %mul3A_95 = arith.muli %scan3A_51, %mul3A_94 : i32
      %add3A_96 = arith.constant 1 : i32
      %add3A_97 = arith.addi %mul3A_95, %add3A_96 : i32
      %mul3A_98 = arith.constant 80 : i32
      %mul3A_99 = arith.muli %add3A_97, %mul3A_98 : i32
      %dma_wait3A_100 = tpu.memref_slice %arg7[%mul3A_99] : memref<10000xi32, #tpu.memory_space<vmem>> -> memref<80xi32, #tpu.memory_space<vmem>>
      %dma_wait3A_101 = arith.constant 0 : i32
      %dma_wait3A_102 = arith.constant 0 : i32
      %dma_wait3A_103 = tpu.memref_slice %arg2[%dma_wait3A_101, %dma_wait3A_102] : memref<10000x160xbf16, #tpu.memory_space<hbm>> -> memref<10000x160xbf16, #tpu.memory_space<hbm>>
      tpu.wait_indirect_dma semaphore(%arg15 : memref<!tpu.dma_semaphore, #tpu.memory_space<semaphore_mem>>) src(%dma_wait3A_103 : memref<10000x160xbf16, #tpu.memory_space<hbm>>) dst(%arg12 : memref<80x160xbf16, #tpu.memory_space<vmem>>)
      %mul3A_104 = arith.constant 80 : i32
      %mul3A_105 = arith.muli %add3A_97, %mul3A_104 : i32
      %add3A_106 = arith.addi %mul3A_2, %mul3A_105 : i32
      %dma_wait3A_107 = arith.constant 1 : i32
      %dma_wait3A_108 = tpu.memref_slice %arg4[%dma_wait3A_107, %add3A_106] : memref<2x320000xi32, #tpu.memory_space<hbm>> -> memref<1x80xi32, #tpu.memory_space<hbm>>
      %dma_wait3A_109 = tpu.memref_squeeze %dma_wait3A_108 : memref<1x80xi32, #tpu.memory_space<hbm>> -> memref<80xi32, #tpu.memory_space<hbm>>
      %dma_wait3A_110 = tpu.memref_slice %arg4[%dma_wait3A_107, %add3A_106] : memref<2x320000xi32, #tpu.memory_space<hbm>> -> memref<1x80xi32, #tpu.memory_space<hbm>>
      %dma_wait3A_111 = tpu.memref_squeeze %dma_wait3A_110 : memref<1x80xi32, #tpu.memory_space<hbm>> -> memref<80xi32, #tpu.memory_space<hbm>>
      tpu.wait_dma2 semaphore(%arg17 : memref<!tpu.dma_semaphore, #tpu.memory_space<semaphore_mem>>) src(%dma_wait3A_111 : memref<80xi32, #tpu.memory_space<hbm>>) dst(%arg10 : memref<80xi32, #tpu.memory_space<vmem>>)
      %gt3A_112 = arith.constant 0 : i32
      %gt3A_113 = arith.cmpi sgt, %add3A_97, %gt3A_112 : i32
      %convert_element_type3A_114 = arith.extui %gt3A_113 : i1 to i32
      %cond3A_115 = arith.constant 0 : i32
      %cond3A_116 = arith.cmpi ne, %convert_element_type3A_114, %cond3A_115 : i32
      scf.if %cond3A_116 {
        %dma_wait3A_139 = arith.constant 0 : i32
        %dma_wait3A_140 = arith.constant 0 : i32
        %dma_wait3A_141 = tpu.memref_slice %arg13[%dma_wait3A_139, %dma_wait3A_140] : memref<10000x160xbf16, #tpu.memory_space<vmem_shared>> -> memref<10000x160xbf16, #tpu.memory_space<vmem_shared>>
        tpu.wait_indirect_dma semaphore(%arg18 : memref<!tpu.dma_semaphore, #tpu.memory_space<semaphore_mem>>) src(%arg11 : memref<80x160xbf16, #tpu.memory_space<vmem>>) dst(%dma_wait3A_141 : memref<10000x160xbf16, #tpu.memory_space<vmem_shared>>)
      } else {
      }
      %add3A_117 = arith.constant 1 : i32
      %add3A_118 = arith.addi %add3A_97, %add3A_117 : i32
      %mul3A_119 = arith.constant 80 : i32
      %mul3A_120 = arith.muli %add3A_118, %mul3A_119 : i32
      %dma_start3A_121 = tpu.memref_slice %arg7[%mul3A_120] : memref<10000xi32, #tpu.memory_space<vmem>> -> memref<80xi32, #tpu.memory_space<vmem>>
      %dma_start3A_122 = arith.constant 0 : i32
      %dma_start3A_123 = arith.constant 0 : i32
      %dma_start3A_124 = tpu.memref_slice %arg2[%dma_start3A_122, %dma_start3A_123] : memref<10000x160xbf16, #tpu.memory_space<hbm>> -> memref<10000x160xbf16, #tpu.memory_space<hbm>>
      tpu.enqueue_indirect_dma source(%dma_start3A_124 : memref<10000x160xbf16, #tpu.memory_space<hbm>>) target(%arg11 : memref<80x160xbf16, #tpu.memory_space<vmem>>) offsets(%dma_start3A_121 : memref<80xi32, #tpu.memory_space<vmem>>) semaphore(%arg14 : memref<!tpu.dma_semaphore, #tpu.memory_space<semaphore_mem>>)
      %mul3A_125 = arith.constant 80 : i32
      %mul3A_126 = arith.muli %add3A_118, %mul3A_125 : i32
      %add3A_127 = arith.addi %mul3A_2, %mul3A_126 : i32
      %dma_start3A_128 = arith.constant 1 : i32
      %dma_start3A_129 = tpu.memref_slice %arg4[%dma_start3A_128, %add3A_127] : memref<2x320000xi32, #tpu.memory_space<hbm>> -> memref<1x80xi32, #tpu.memory_space<hbm>>
      %dma_start3A_130 = tpu.memref_squeeze %dma_start3A_129 : memref<1x80xi32, #tpu.memory_space<hbm>> -> memref<80xi32, #tpu.memory_space<hbm>>
      %dma_start3A_131 = tpu.memref_slice %arg4[%dma_start3A_128, %add3A_127] : memref<2x320000xi32, #tpu.memory_space<hbm>> -> memref<1x80xi32, #tpu.memory_space<hbm>>
      %dma_start3A_132 = tpu.memref_squeeze %dma_start3A_131 : memref<1x80xi32, #tpu.memory_space<hbm>> -> memref<80xi32, #tpu.memory_space<hbm>>
      tpu.enqueue_dma source(%dma_start3A_132 : memref<80xi32, #tpu.memory_space<hbm>>) target(%arg9 : memref<80xi32, #tpu.memory_space<vmem>>) target_semaphore(%arg16 : memref<!tpu.dma_semaphore, #tpu.memory_space<semaphore_mem>>)
      %parallel_loop3A_133 = arith.constant 0 : i32
      %parallel_loop3A_134 = arith.constant 80 : i32
      %parallel_loop3A_135 = arith.constant 1 : i32
      scf.for %parallel_loop3A_139 = %parallel_loop3A_133 to %parallel_loop3A_134 step %parallel_loop3A_135  : i32 {
        %parallel_loop3A_140 = arith.constant 80 : i32
        %parallel_loop3A_141 = arith.muli %add3A_97, %parallel_loop3A_140 : i32
        %parallel_loop3A_142 = vector.broadcast %parallel_loop3A_141 : i32 to vector<16xi32>
        %parallel_loop3A_143 = vector.broadcast %parallel_loop3A_139 : i32 to vector<16xi32>
        %parallel_loop3A_144 = arith.addi %parallel_loop3A_142, %parallel_loop3A_143 : vector<16xi32>
        %parallel_loop3A_145 = tpu.vector_load_idx %arg8[%parallel_loop3A_144] : memref<10000xf32, #tpu.memory_space<vmem>>[vector<16xi32>], vector<16xf32>,
        %parallel_loop3A_146 = tpu.pack_subelements %parallel_loop3A_145, %parallel_loop3A_145 {pack_format = #tpu.pack_format<interleaved>, positions = array<i32: 0, 1>} : vector<16xf32>, vector<16xf32> -> vector<32xbf16>
        %parallel_loop3A_147 = arith.index_cast %parallel_loop3A_139 : i32 to index
        %parallel_loop3A_148 = arith.constant 0 : index
        %parallel_loop3A_149 = tpu.vector_load %arg12[%parallel_loop3A_147, %parallel_loop3A_148] {strides = array<i32>} : memref<80x160xbf16, #tpu.memory_space<vmem>>, vector<32xbf16>,
        %parallel_loop3A_150 = arith.mulf %parallel_loop3A_149, %parallel_loop3A_146 : vector<32xbf16>
        %parallel_loop3A_151 = arith.index_cast %parallel_loop3A_139 : i32 to index
        %parallel_loop3A_152 = arith.constant 0 : index
        %parallel_loop3A_153 = tpu.vector_load %arg12[%parallel_loop3A_151, %parallel_loop3A_152] {strides = array<i32>} : memref<80x160xbf16, #tpu.memory_space<vmem>>, vector<32xbf16>,
        tpu.vector_store %arg12[%parallel_loop3A_151, %parallel_loop3A_152], %parallel_loop3A_150 {strides = array<i32>} : memref<80x160xbf16, #tpu.memory_space<vmem>>, vector<32xbf16>,
        %parallel_loop3A_154 = arith.index_cast %parallel_loop3A_139 : i32 to index
        %parallel_loop3A_155 = arith.constant 32 : index
        %parallel_loop3A_156 = tpu.vector_load %arg12[%parallel_loop3A_154, %parallel_loop3A_155] {strides = array<i32>} : memref<80x160xbf16, #tpu.memory_space<vmem>>, vector<32xbf16>,
        %parallel_loop3A_157 = arith.mulf %parallel_loop3A_156, %parallel_loop3A_146 : vector<32xbf16>
        %parallel_loop3A_158 = arith.index_cast %parallel_loop3A_139 : i32 to index
        %parallel_loop3A_159 = arith.constant 32 : index
        %parallel_loop3A_160 = tpu.vector_load %arg12[%parallel_loop3A_158, %parallel_loop3A_159] {strides = array<i32>} : memref<80x160xbf16, #tpu.memory_space<vmem>>, vector<32xbf16>,
        tpu.vector_store %arg12[%parallel_loop3A_158, %parallel_loop3A_159], %parallel_loop3A_157 {strides = array<i32>} : memref<80x160xbf16, #tpu.memory_space<vmem>>, vector<32xbf16>,
        %parallel_loop3A_161 = arith.index_cast %parallel_loop3A_139 : i32 to index
        %parallel_loop3A_162 = arith.constant 64 : index
        %parallel_loop3A_163 = tpu.vector_load %arg12[%parallel_loop3A_161, %parallel_loop3A_162] {strides = array<i32>} : memref<80x160xbf16, #tpu.memory_space<vmem>>, vector<32xbf16>,
        %parallel_loop3A_164 = arith.mulf %parallel_loop3A_163, %parallel_loop3A_146 : vector<32xbf16>
        %parallel_loop3A_165 = arith.index_cast %parallel_loop3A_139 : i32 to index
        %parallel_loop3A_166 = arith.constant 64 : index
        %parallel_loop3A_167 = tpu.vector_load %arg12[%parallel_loop3A_165, %parallel_loop3A_166] {strides = array<i32>} : memref<80x160xbf16, #tpu.memory_space<vmem>>, vector<32xbf16>,
        tpu.vector_store %arg12[%parallel_loop3A_165, %parallel_loop3A_166], %parallel_loop3A_164 {strides = array<i32>} : memref<80x160xbf16, #tpu.memory_space<vmem>>, vector<32xbf16>,
        %parallel_loop3A_168 = arith.index_cast %parallel_loop3A_139 : i32 to index
        %parallel_loop3A_169 = arith.constant 96 : index
        %parallel_loop3A_170 = tpu.vector_load %arg12[%parallel_loop3A_168, %parallel_loop3A_169] {strides = array<i32>} : memref<80x160xbf16, #tpu.memory_space<vmem>>, vector<32xbf16>,
        %parallel_loop3A_171 = arith.mulf %parallel_loop3A_170, %parallel_loop3A_146 : vector<32xbf16>
        %parallel_loop3A_172 = arith.index_cast %parallel_loop3A_139 : i32 to index
        %parallel_loop3A_173 = arith.constant 96 : index
        %parallel_loop3A_174 = tpu.vector_load %arg12[%parallel_loop3A_172, %parallel_loop3A_173] {strides = array<i32>} : memref<80x160xbf16, #tpu.memory_space<vmem>>, vector<32xbf16>,
        tpu.vector_store %arg12[%parallel_loop3A_172, %parallel_loop3A_173], %parallel_loop3A_171 {strides = array<i32>} : memref<80x160xbf16, #tpu.memory_space<vmem>>, vector<32xbf16>,
      } {sc.loop_unroll_factor = 4 : i64, sc.parallel_access}
      %dma_start3A_136 = arith.constant 0 : i32
      %dma_start3A_137 = arith.constant 0 : i32
      %dma_start3A_138 = tpu.memref_slice %arg13[%dma_start3A_136, %dma_start3A_137] : memref<10000x160xbf16, #tpu.memory_space<vmem_shared>> -> memref<10000x160xbf16, #tpu.memory_space<vmem_shared>>
      tpu.enqueue_indirect_dma source(%arg12 : memref<80x160xbf16, #tpu.memory_space<vmem>>) target(%dma_start3A_138 : memref<10000x160xbf16, #tpu.memory_space<vmem_shared>>) offsets(%arg10 : memref<80xi32, #tpu.memory_space<vmem>>) semaphore(%arg19 : memref<!tpu.dma_semaphore, #tpu.memory_space<semaphore_mem>>) {add = true}
    }
    %scan3A_20 = arith.constant 62 : i32
    %dma_wait3A = arith.constant 9920 : i32
    %dma_wait3A_21 = tpu.memref_slice %arg7[%dma_wait3A] : memref<10000xi32, #tpu.memory_space<vmem>> -> memref<80xi32, #tpu.memory_space<vmem>>
    %dma_wait3A_22 = arith.constant 0 : i32
    %dma_wait3A_23 = arith.constant 0 : i32
    %dma_wait3A_24 = tpu.memref_slice %arg2[%dma_wait3A_22, %dma_wait3A_23] : memref<10000x160xbf16, #tpu.memory_space<hbm>> -> memref<10000x160xbf16, #tpu.memory_space<hbm>>
    tpu.wait_indirect_dma semaphore(%arg14 : memref<!tpu.dma_semaphore, #tpu.memory_space<semaphore_mem>>) src(%dma_wait3A_24 : memref<10000x160xbf16, #tpu.memory_space<hbm>>) dst(%arg11 : memref<80x160xbf16, #tpu.memory_space<vmem>>)
    %add3A_25 = arith.constant 9920 : i32
    %add3A_26 = arith.addi %mul3A_2, %add3A_25 : i32
    %dma_wait3A_27 = arith.constant 1 : i32
    %dma_wait3A_28 = tpu.memref_slice %arg4[%dma_wait3A_27, %add3A_26] : memref<2x320000xi32, #tpu.memory_space<hbm>> -> memref<1x80xi32, #tpu.memory_space<hbm>>
    %dma_wait3A_29 = tpu.memref_squeeze %dma_wait3A_28 : memref<1x80xi32, #tpu.memory_space<hbm>> -> memref<80xi32, #tpu.memory_space<hbm>>
    %dma_wait3A_30 = tpu.memref_slice %arg4[%dma_wait3A_27, %add3A_26] : memref<2x320000xi32, #tpu.memory_space<hbm>> -> memref<1x80xi32, #tpu.memory_space<hbm>>
    %dma_wait3A_31 = tpu.memref_squeeze %dma_wait3A_30 : memref<1x80xi32, #tpu.memory_space<hbm>> -> memref<80xi32, #tpu.memory_space<hbm>>
    tpu.wait_dma2 semaphore(%arg16 : memref<!tpu.dma_semaphore, #tpu.memory_space<semaphore_mem>>) src(%dma_wait3A_31 : memref<80xi32, #tpu.memory_space<hbm>>) dst(%arg9 : memref<80xi32, #tpu.memory_space<vmem>>)
    %dma_wait3A_32 = arith.constant 0 : i32
    %dma_wait3A_33 = arith.constant 0 : i32
    %dma_wait3A_34 = tpu.memref_slice %arg13[%dma_wait3A_32, %dma_wait3A_33] : memref<10000x160xbf16, #tpu.memory_space<vmem_shared>> -> memref<10000x160xbf16, #tpu.memory_space<vmem_shared>>
    tpu.wait_indirect_dma semaphore(%arg19 : memref<!tpu.dma_semaphore, #tpu.memory_space<semaphore_mem>>) src(%arg12 : memref<80x160xbf16, #tpu.memory_space<vmem>>) dst(%dma_wait3A_34 : memref<10000x160xbf16, #tpu.memory_space<vmem_shared>>)
    %parallel_loop3A = arith.constant 0 : i32
    %parallel_loop3A_35 = arith.constant 80 : i32
    %parallel_loop3A_36 = arith.constant 1 : i32
    scf.for %parallel_loop3A_51 = %parallel_loop3A to %parallel_loop3A_35 step %parallel_loop3A_36  : i32 {
      %parallel_loop3A_52 = arith.constant 9920 : i32
      %parallel_loop3A_53 = vector.broadcast %parallel_loop3A_52 : i32 to vector<16xi32>
      %parallel_loop3A_54 = vector.broadcast %parallel_loop3A_51 : i32 to vector<16xi32>
      %parallel_loop3A_55 = arith.addi %parallel_loop3A_53, %parallel_loop3A_54 : vector<16xi32>
      %parallel_loop3A_56 = tpu.vector_load_idx %arg8[%parallel_loop3A_55] : memref<10000xf32, #tpu.memory_space<vmem>>[vector<16xi32>], vector<16xf32>,
      %parallel_loop3A_57 = tpu.pack_subelements %parallel_loop3A_56, %parallel_loop3A_56 {pack_format = #tpu.pack_format<interleaved>, positions = array<i32: 0, 1>} : vector<16xf32>, vector<16xf32> -> vector<32xbf16>
      %parallel_loop3A_58 = arith.index_cast %parallel_loop3A_51 : i32 to index
      %parallel_loop3A_59 = arith.constant 0 : index
      %parallel_loop3A_60 = tpu.vector_load %arg11[%parallel_loop3A_58, %parallel_loop3A_59] {strides = array<i32>} : memref<80x160xbf16, #tpu.memory_space<vmem>>, vector<32xbf16>,
      %parallel_loop3A_61 = arith.mulf %parallel_loop3A_60, %parallel_loop3A_57 : vector<32xbf16>
      %parallel_loop3A_62 = arith.index_cast %parallel_loop3A_51 : i32 to index
      %parallel_loop3A_63 = arith.constant 0 : index
      %parallel_loop3A_64 = tpu.vector_load %arg11[%parallel_loop3A_62, %parallel_loop3A_63] {strides = array<i32>} : memref<80x160xbf16, #tpu.memory_space<vmem>>, vector<32xbf16>,
      tpu.vector_store %arg11[%parallel_loop3A_62, %parallel_loop3A_63], %parallel_loop3A_61 {strides = array<i32>} : memref<80x160xbf16, #tpu.memory_space<vmem>>, vector<32xbf16>,
      %parallel_loop3A_65 = arith.index_cast %parallel_loop3A_51 : i32 to index
      %parallel_loop3A_66 = arith.constant 32 : index
      %parallel_loop3A_67 = tpu.vector_load %arg11[%parallel_loop3A_65, %parallel_loop3A_66] {strides = array<i32>} : memref<80x160xbf16, #tpu.memory_space<vmem>>, vector<32xbf16>,
      %parallel_loop3A_68 = arith.mulf %parallel_loop3A_67, %parallel_loop3A_57 : vector<32xbf16>
      %parallel_loop3A_69 = arith.index_cast %parallel_loop3A_51 : i32 to index
      %parallel_loop3A_70 = arith.constant 32 : index
      %parallel_loop3A_71 = tpu.vector_load %arg11[%parallel_loop3A_69, %parallel_loop3A_70] {strides = array<i32>} : memref<80x160xbf16, #tpu.memory_space<vmem>>, vector<32xbf16>,
      tpu.vector_store %arg11[%parallel_loop3A_69, %parallel_loop3A_70], %parallel_loop3A_68 {strides = array<i32>} : memref<80x160xbf16, #tpu.memory_space<vmem>>, vector<32xbf16>,
      %parallel_loop3A_72 = arith.index_cast %parallel_loop3A_51 : i32 to index
      %parallel_loop3A_73 = arith.constant 64 : index
      %parallel_loop3A_74 = tpu.vector_load %arg11[%parallel_loop3A_72, %parallel_loop3A_73] {strides = array<i32>} : memref<80x160xbf16, #tpu.memory_space<vmem>>, vector<32xbf16>,
      %parallel_loop3A_75 = arith.mulf %parallel_loop3A_74, %parallel_loop3A_57 : vector<32xbf16>
      %parallel_loop3A_76 = arith.index_cast %parallel_loop3A_51 : i32 to index
      %parallel_loop3A_77 = arith.constant 64 : index
      %parallel_loop3A_78 = tpu.vector_load %arg11[%parallel_loop3A_76, %parallel_loop3A_77] {strides = array<i32>} : memref<80x160xbf16, #tpu.memory_space<vmem>>, vector<32xbf16>,
      tpu.vector_store %arg11[%parallel_loop3A_76, %parallel_loop3A_77], %parallel_loop3A_75 {strides = array<i32>} : memref<80x160xbf16, #tpu.memory_space<vmem>>, vector<32xbf16>,
      %parallel_loop3A_79 = arith.index_cast %parallel_loop3A_51 : i32 to index
      %parallel_loop3A_80 = arith.constant 96 : index
      %parallel_loop3A_81 = tpu.vector_load %arg11[%parallel_loop3A_79, %parallel_loop3A_80] {strides = array<i32>} : memref<80x160xbf16, #tpu.memory_space<vmem>>, vector<32xbf16>,
      %parallel_loop3A_82 = arith.mulf %parallel_loop3A_81, %parallel_loop3A_57 : vector<32xbf16>
      %parallel_loop3A_83 = arith.index_cast %parallel_loop3A_51 : i32 to index
      %parallel_loop3A_84 = arith.constant 96 : index
      %parallel_loop3A_85 = tpu.vector_load %arg11[%parallel_loop3A_83, %parallel_loop3A_84] {strides = array<i32>} : memref<80x160xbf16, #tpu.memory_space<vmem>>, vector<32xbf16>,
      tpu.vector_store %arg11[%parallel_loop3A_83, %parallel_loop3A_84], %parallel_loop3A_82 {strides = array<i32>} : memref<80x160xbf16, #tpu.memory_space<vmem>>, vector<32xbf16>,
    } {sc.loop_unroll_factor = 4 : i64, sc.parallel_access}
    %dma_start3A_37 = arith.constant 0 : i32
    %dma_start3A_38 = arith.constant 0 : i32
    %dma_start3A_39 = tpu.memref_slice %arg13[%dma_start3A_37, %dma_start3A_38] : memref<10000x160xbf16, #tpu.memory_space<vmem_shared>> -> memref<10000x160xbf16, #tpu.memory_space<vmem_shared>>
    tpu.enqueue_indirect_dma source(%arg11 : memref<80x160xbf16, #tpu.memory_space<vmem>>) target(%dma_start3A_39 : memref<10000x160xbf16, #tpu.memory_space<vmem_shared>>) offsets(%arg9 : memref<80xi32, #tpu.memory_space<vmem>>) semaphore(%arg18 : memref<!tpu.dma_semaphore, #tpu.memory_space<semaphore_mem>>) {add = true}
    %dma_wait3A_40 = arith.constant 0 : i32
    %dma_wait3A_41 = arith.constant 0 : i32
    %dma_wait3A_42 = tpu.memref_slice %arg13[%dma_wait3A_40, %dma_wait3A_41] : memref<10000x160xbf16, #tpu.memory_space<vmem_shared>> -> memref<10000x160xbf16, #tpu.memory_space<vmem_shared>>
    tpu.wait_indirect_dma semaphore(%arg18 : memref<!tpu.dma_semaphore, #tpu.memory_space<semaphore_mem>>) src(%arg11 : memref<80x160xbf16, #tpu.memory_space<vmem>>) dst(%dma_wait3A_42 : memref<10000x160xbf16, #tpu.memory_space<vmem_shared>>)
    %barrier3A_43 = arith.constant 0 : index
    tpu.barrier barrier_id(%barrier3A_43)
    %mul3A_44 = arith.constant 625 : i32
    %mul3A_45 = arith.muli %arg1, %mul3A_44 : i32
    %mul3A_46 = arith.constant 10000 : i32
    %mul3A_47 = arith.muli %arg0, %mul3A_46 : i32
    %mul3A_48 = arith.constant 625 : i32
    %mul3A_49 = arith.muli %arg1, %mul3A_48 : i32
    %add3A_50 = arith.addi %mul3A_47, %mul3A_49 : i32
    "tpu.region"() ({
      %run_scoped3A_51 = tpu.sem_alloc : memref<!tpu.dma_semaphore, #tpu.memory_space<semaphore_mem>>
      %dma_start3A_52 = arith.constant 0 : i32
      %dma_start3A_53 = tpu.memref_slice %arg6[%add3A_50, %dma_start3A_52] : memref<20000x160xbf16, #tpu.memory_space<hbm>> -> memref<625x160xbf16, #tpu.memory_space<hbm>>
      %dma_start3A_54 = arith.constant 0 : i32
      %dma_start3A_55 = tpu.memref_slice %arg13[%mul3A_45, %dma_start3A_54] : memref<10000x160xbf16, #tpu.memory_space<vmem_shared>> -> memref<625x160xbf16, #tpu.memory_space<vmem_shared>>
      tpu.enqueue_dma source(%dma_start3A_55 : memref<625x160xbf16, #tpu.memory_space<vmem_shared>>) target(%dma_start3A_53 : memref<625x160xbf16, #tpu.memory_space<hbm>>) target_semaphore(%run_scoped3A_51 : memref<!tpu.dma_semaphore, #tpu.memory_space<semaphore_mem>>)
      %dma_wait3A_56 = arith.constant 0 : i32
      %dma_wait3A_57 = tpu.memref_slice %arg6[%add3A_50, %dma_wait3A_56] : memref<20000x160xbf16, #tpu.memory_space<hbm>> -> memref<625x160xbf16, #tpu.memory_space<hbm>>
      %dma_wait3A_58 = arith.constant 0 : i32
      %dma_wait3A_59 = tpu.memref_slice %arg13[%mul3A_45, %dma_wait3A_58] : memref<10000x160xbf16, #tpu.memory_space<vmem_shared>> -> memref<625x160xbf16, #tpu.memory_space<vmem_shared>>
      tpu.wait_dma2 semaphore(%run_scoped3A_51 : memref<!tpu.dma_semaphore, #tpu.memory_space<semaphore_mem>>) src(%dma_wait3A_59 : memref<625x160xbf16, #tpu.memory_space<vmem_shared>>) dst(%dma_wait3A_57 : memref<625x160xbf16, #tpu.memory_space<hbm>>)
      tpu.yield
    }) : () -> ()
    return
  }
}

#map = affine_map<(d0, d1) -> (0, 0)>
#map1 = affine_map<(d0, d1) -> (0)>
module attributes {stable_mosaic.version = 14 : i64} {
  func.func @_sc_agg_body(%arg0: i32, %arg1: i32, %arg2: memref<10000x160xbf16, #tpu.memory_space<hbm>>, %arg3: memref<625x160xbf16, #tpu.memory_space<hbm>>, %arg4: memref<2x320000xi32, #tpu.memory_space<hbm>>, %arg5: memref<320000xf32, #tpu.memory_space<hbm>>, %arg6: memref<20000x160xbf16, #tpu.memory_space<hbm>>, %arg7: memref<10000xi32, #tpu.memory_space<vmem>>, %arg8: memref<10000xf32, #tpu.memory_space<vmem>>, %arg9: memref<80xi32, #tpu.memory_space<vmem>>, %arg10: memref<80xi32, #tpu.memory_space<vmem>>, %arg11: memref<80x160xbf16, #tpu.memory_space<vmem>>, %arg12: memref<80x160xbf16, #tpu.memory_space<vmem>>, %arg13: memref<10000x160xbf16, #tpu.memory_space<vmem_shared>>, %arg14: memref<!tpu.dma_semaphore, #tpu.memory_space<semaphore_mem>>, %arg15: memref<!tpu.dma_semaphore, #tpu.memory_space<semaphore_mem>>, %arg16: memref<!tpu.dma_semaphore, #tpu.memory_space<semaphore_mem>>, %arg17: memref<!tpu.dma_semaphore, #tpu.memory_space<semaphore_mem>>, %arg18: memref<!tpu.dma_semaphore, #tpu.memory_space<semaphore_mem>>, %arg19: memref<!tpu.dma_semaphore, #tpu.memory_space<semaphore_mem>>) attributes {dimension_semantics = [#tpu.dimension_semantics<core_parallel>, #tpu.dimension_semantics<subcore_parallel>], iteration_bounds = array<i64: 2, 16>, scalar_prefetch = 0 : i64, scratch_operands = 13 : i64, tpu.core_type = #tpu.core_type<sc_vector_subcore>, window_params = [{transform_indices = #map}, {transform_indices = #map}, {transform_indices = #map}, {transform_indices = #map1}, {transform_indices = #map}]} {
    %mul3A = arith.constant 16 : i32
    %mul3A_0 = arith.muli %arg0, %mul3A : i32
    %add3A = arith.addi %mul3A_0, %arg1 : i32
    %mul3A_1 = arith.constant 10000 : i32
    %mul3A_2 = arith.muli %add3A, %mul3A_1 : i32
    %run_scoped3A = arith.constant 0 : i32
    "tpu.region"() ({
      %run_scoped3A_51 = tpu.sem_alloc : memref<!tpu.dma_semaphore, #tpu.memory_space<semaphore_mem>>
      %dma_start3A_52 = tpu.memref_slice %arg4[%run_scoped3A, %mul3A_2] : memref<2x320000xi32, #tpu.memory_space<hbm>> -> memref<1x10000xi32, #tpu.memory_space<hbm>>
      %dma_start3A_53 = tpu.memref_squeeze %dma_start3A_52 : memref<1x10000xi32, #tpu.memory_space<hbm>> -> memref<10000xi32, #tpu.memory_space<hbm>>
      %dma_start3A_54 = tpu.memref_slice %arg4[%run_scoped3A, %mul3A_2] : memref<2x320000xi32, #tpu.memory_space<hbm>> -> memref<1x10000xi32, #tpu.memory_space<hbm>>
      %dma_start3A_55 = tpu.memref_squeeze %dma_start3A_54 : memref<1x10000xi32, #tpu.memory_space<hbm>> -> memref<10000xi32, #tpu.memory_space<hbm>>
      tpu.enqueue_dma source(%dma_start3A_55 : memref<10000xi32, #tpu.memory_space<hbm>>) target(%arg7 : memref<10000xi32, #tpu.memory_space<vmem>>) target_semaphore(%run_scoped3A_51 : memref<!tpu.dma_semaphore, #tpu.memory_space<semaphore_mem>>)
      %dma_wait3A_56 = tpu.memref_slice %arg4[%run_scoped3A, %mul3A_2] : memref<2x320000xi32, #tpu.memory_space<hbm>> -> memref<1x10000xi32, #tpu.memory_space<hbm>>
      %dma_wait3A_57 = tpu.memref_squeeze %dma_wait3A_56 : memref<1x10000xi32, #tpu.memory_space<hbm>> -> memref<10000xi32, #tpu.memory_space<hbm>>
      %dma_wait3A_58 = tpu.memref_slice %arg4[%run_scoped3A, %mul3A_2] : memref<2x320000xi32, #tpu.memory_space<hbm>> -> memref<1x10000xi32, #tpu.memory_space<hbm>>
      %dma_wait3A_59 = tpu.memref_squeeze %dma_wait3A_58 : memref<1x10000xi32, #tpu.memory_space<hbm>> -> memref<10000xi32, #tpu.memory_space<hbm>>
      tpu.wait_dma2 semaphore(%run_scoped3A_51 : memref<!tpu.dma_semaphore, #tpu.memory_space<semaphore_mem>>) src(%dma_wait3A_59 : memref<10000xi32, #tpu.memory_space<hbm>>) dst(%arg7 : memref<10000xi32, #tpu.memory_space<vmem>>)
      tpu.yield
    }) : () -> ()
    "tpu.region"() ({
      %run_scoped3A_51 = tpu.sem_alloc : memref<!tpu.dma_semaphore, #tpu.memory_space<semaphore_mem>>
      %dma_start3A_52 = tpu.memref_slice %arg5[%mul3A_2] : memref<320000xf32, #tpu.memory_space<hbm>> -> memref<10000xf32, #tpu.memory_space<hbm>>
      %dma_start3A_53 = tpu.memref_slice %arg5[%mul3A_2] : memref<320000xf32, #tpu.memory_space<hbm>> -> memref<10000xf32, #tpu.memory_space<hbm>>
      tpu.enqueue_dma source(%dma_start3A_53 : memref<10000xf32, #tpu.memory_space<hbm>>) target(%arg8 : memref<10000xf32, #tpu.memory_space<vmem>>) target_semaphore(%run_scoped3A_51 : memref<!tpu.dma_semaphore, #tpu.memory_space<semaphore_mem>>)
      %dma_wait3A_54 = tpu.memref_slice %arg5[%mul3A_2] : memref<320000xf32, #tpu.memory_space<hbm>> -> memref<10000xf32, #tpu.memory_space<hbm>>
      %dma_wait3A_55 = tpu.memref_slice %arg5[%mul3A_2] : memref<320000xf32, #tpu.memory_space<hbm>> -> memref<10000xf32, #tpu.memory_space<hbm>>
      tpu.wait_dma2 semaphore(%run_scoped3A_51 : memref<!tpu.dma_semaphore, #tpu.memory_space<semaphore_mem>>) src(%dma_wait3A_55 : memref<10000xf32, #tpu.memory_space<hbm>>) dst(%arg8 : memref<10000xf32, #tpu.memory_space<vmem>>)
      tpu.yield
    }) : () -> ()
    %mul3A_3 = arith.constant 625 : i32
    %mul3A_4 = arith.muli %arg1, %mul3A_3 : i32
    "tpu.region"() ({
      %run_scoped3A_51 = tpu.sem_alloc : memref<!tpu.dma_semaphore, #tpu.memory_space<semaphore_mem>>
      %dma_start3A_52 = arith.constant 0 : i32
      %dma_start3A_53 = tpu.memref_slice %arg13[%mul3A_4, %dma_start3A_52] : memref<10000x160xbf16, #tpu.memory_space<vmem_shared>> -> memref<625x160xbf16, #tpu.memory_space<vmem_shared>>
      tpu.enqueue_dma source(%arg3 : memref<625x160xbf16, #tpu.memory_space<hbm>>) target(%dma_start3A_53 : memref<625x160xbf16, #tpu.memory_space<vmem_shared>>) target_semaphore(%run_scoped3A_51 : memref<!tpu.dma_semaphore, #tpu.memory_space<semaphore_mem>>)
      %dma_wait3A_54 = arith.constant 0 : i32
      %dma_wait3A_55 = tpu.memref_slice %arg13[%mul3A_4, %dma_wait3A_54] : memref<10000x160xbf16, #tpu.memory_space<vmem_shared>> -> memref<625x160xbf16, #tpu.memory_space<vmem_shared>>
      tpu.wait_dma2 semaphore(%run_scoped3A_51 : memref<!tpu.dma_semaphore, #tpu.memory_space<semaphore_mem>>) src(%arg3 : memref<625x160xbf16, #tpu.memory_space<hbm>>) dst(%dma_wait3A_55 : memref<625x160xbf16, #tpu.memory_space<vmem_shared>>)
      tpu.yield
    }) : () -> ()
    %barrier3A = arith.constant 0 : index
    tpu.barrier barrier_id(%barrier3A)
    %dma_start3A = arith.constant 0 : i32
    %dma_start3A_5 = tpu.memref_slice %arg7[%dma_start3A] : memref<10000xi32, #tpu.memory_space<vmem>> -> memref<80xi32, #tpu.memory_space<vmem>>
    %dma_start3A_6 = arith.constant 0 : i32
    %dma_start3A_7 = arith.constant 0 : i32
    %dma_start3A_8 = tpu.memref_slice %arg2[%dma_start3A_6, %dma_start3A_7] : memref<10000x160xbf16, #tpu.memory_space<hbm>> -> memref<10000x160xbf16, #tpu.memory_space<hbm>>
    tpu.enqueue_indirect_dma source(%dma_start3A_8 : memref<10000x160xbf16, #tpu.memory_space<hbm>>) target(%arg11 : memref<80x160xbf16, #tpu.memory_space<vmem>>) offsets(%dma_start3A_5 : memref<80xi32, #tpu.memory_space<vmem>>) semaphore(%arg14 : memref<!tpu.dma_semaphore, #tpu.memory_space<semaphore_mem>>)
    %add3A_9 = arith.constant 0 : i32
    %add3A_10 = arith.addi %mul3A_2, %add3A_9 : i32
    %dma_start3A_11 = arith.constant 1 : i32
    %dma_start3A_12 = tpu.memref_slice %arg4[%dma_start3A_11, %add3A_10] : memref<2x320000xi32, #tpu.memory_space<hbm>> -> memref<1x80xi32, #tpu.memory_space<hbm>>
    %dma_start3A_13 = tpu.memref_squeeze %dma_start3A_12 : memref<1x80xi32, #tpu.memory_space<hbm>> -> memref<80xi32, #tpu.memory_space<hbm>>
    %dma_start3A_14 = tpu.memref_slice %arg4[%dma_start3A_11, %add3A_10] : memref<2x320000xi32, #tpu.memory_space<hbm>> -> memref<1x80xi32, #tpu.memory_space<hbm>>
    %dma_start3A_15 = tpu.memref_squeeze %dma_start3A_14 : memref<1x80xi32, #tpu.memory_space<hbm>> -> memref<80xi32, #tpu.memory_space<hbm>>
    tpu.enqueue_dma source(%dma_start3A_15 : memref<80xi32, #tpu.memory_space<hbm>>) target(%arg9 : memref<80xi32, #tpu.memory_space<vmem>>) target_semaphore(%arg16 : memref<!tpu.dma_semaphore, #tpu.memory_space<semaphore_mem>>)
    %scan3A = arith.constant 0 : i32
    %scan3A_16 = arith.constant 0 : i32
    %scan3A_17 = arith.constant 62 : i32
    %scan3A_18 = arith.addi %scan3A_16, %scan3A_17 : i32
    %scan3A_19 = arith.constant 1 : i32
    scf.for %scan3A_51 = %scan3A_16 to %scan3A_18 step %scan3A_19  : i32 {
      %mul3A_52 = arith.constant 2 : i32
      %mul3A_53 = arith.muli %scan3A_51, %mul3A_52 : i32
      %add3A_54 = arith.constant 0 : i32
      %add3A_55 = arith.addi %mul3A_53, %add3A_54 : i32
      %mul3A_56 = arith.constant 80 : i32
      %mul3A_57 = arith.muli %add3A_55, %mul3A_56 : i32
      %dma_wait3A_58 = tpu.memref_slice %arg7[%mul3A_57] : memref<10000xi32, #tpu.memory_space<vmem>> -> memref<80xi32, #tpu.memory_space<vmem>>
      %dma_wait3A_59 = arith.constant 0 : i32
      %dma_wait3A_60 = arith.constant 0 : i32
      %dma_wait3A_61 = tpu.memref_slice %arg2[%dma_wait3A_59, %dma_wait3A_60] : memref<10000x160xbf16, #tpu.memory_space<hbm>> -> memref<10000x160xbf16, #tpu.memory_space<hbm>>
      tpu.wait_indirect_dma semaphore(%arg14 : memref<!tpu.dma_semaphore, #tpu.memory_space<semaphore_mem>>) src(%dma_wait3A_61 : memref<10000x160xbf16, #tpu.memory_space<hbm>>) dst(%arg11 : memref<80x160xbf16, #tpu.memory_space<vmem>>)
      %mul3A_62 = arith.constant 80 : i32
      %mul3A_63 = arith.muli %add3A_55, %mul3A_62 : i32
      %add3A_64 = arith.addi %mul3A_2, %mul3A_63 : i32
      %dma_wait3A_65 = arith.constant 1 : i32
      %dma_wait3A_66 = tpu.memref_slice %arg4[%dma_wait3A_65, %add3A_64] : memref<2x320000xi32, #tpu.memory_space<hbm>> -> memref<1x80xi32, #tpu.memory_space<hbm>>
      %dma_wait3A_67 = tpu.memref_squeeze %dma_wait3A_66 : memref<1x80xi32, #tpu.memory_space<hbm>> -> memref<80xi32, #tpu.memory_space<hbm>>
      %dma_wait3A_68 = tpu.memref_slice %arg4[%dma_wait3A_65, %add3A_64] : memref<2x320000xi32, #tpu.memory_space<hbm>> -> memref<1x80xi32, #tpu.memory_space<hbm>>
      %dma_wait3A_69 = tpu.memref_squeeze %dma_wait3A_68 : memref<1x80xi32, #tpu.memory_space<hbm>> -> memref<80xi32, #tpu.memory_space<hbm>>
      tpu.wait_dma2 semaphore(%arg16 : memref<!tpu.dma_semaphore, #tpu.memory_space<semaphore_mem>>) src(%dma_wait3A_69 : memref<80xi32, #tpu.memory_space<hbm>>) dst(%arg9 : memref<80xi32, #tpu.memory_space<vmem>>)
      %gt3A = arith.constant 0 : i32
      %gt3A_70 = arith.cmpi sgt, %add3A_55, %gt3A : i32
      %convert_element_type3A = arith.extui %gt3A_70 : i1 to i32
      %cond3A = arith.constant 0 : i32
      %cond3A_71 = arith.cmpi ne, %convert_element_type3A, %cond3A : i32
      scf.if %cond3A_71 {
        %dma_wait3A_139 = arith.constant 0 : i32
        %dma_wait3A_140 = arith.constant 0 : i32
        %dma_wait3A_141 = tpu.memref_slice %arg13[%dma_wait3A_139, %dma_wait3A_140] : memref<10000x160xbf16, #tpu.memory_space<vmem_shared>> -> memref<10000x160xbf16, #tpu.memory_space<vmem_shared>>
        tpu.wait_indirect_dma semaphore(%arg19 : memref<!tpu.dma_semaphore, #tpu.memory_space<semaphore_mem>>) src(%arg12 : memref<80x160xbf16, #tpu.memory_space<vmem>>) dst(%dma_wait3A_141 : memref<10000x160xbf16, #tpu.memory_space<vmem_shared>>)
      } else {
      }
      %add3A_72 = arith.constant 1 : i32
      %add3A_73 = arith.addi %add3A_55, %add3A_72 : i32
      %mul3A_74 = arith.constant 80 : i32
      %mul3A_75 = arith.muli %add3A_73, %mul3A_74 : i32
      %dma_start3A_76 = tpu.memref_slice %arg7[%mul3A_75] : memref<10000xi32, #tpu.memory_space<vmem>> -> memref<80xi32, #tpu.memory_space<vmem>>
      %dma_start3A_77 = arith.constant 0 : i32
      %dma_start3A_78 = arith.constant 0 : i32
      %dma_start3A_79 = tpu.memref_slice %arg2[%dma_start3A_77, %dma_start3A_78] : memref<10000x160xbf16, #tpu.memory_space<hbm>> -> memref<10000x160xbf16, #tpu.memory_space<hbm>>
      tpu.enqueue_indirect_dma source(%dma_start3A_79 : memref<10000x160xbf16, #tpu.memory_space<hbm>>) target(%arg12 : memref<80x160xbf16, #tpu.memory_space<vmem>>) offsets(%dma_start3A_76 : memref<80xi32, #tpu.memory_space<vmem>>) semaphore(%arg15 : memref<!tpu.dma_semaphore, #tpu.memory_space<semaphore_mem>>)
      %mul3A_80 = arith.constant 80 : i32
      %mul3A_81 = arith.muli %add3A_73, %mul3A_80 : i32
      %add3A_82 = arith.addi %mul3A_2, %mul3A_81 : i32
      %dma_start3A_83 = arith.constant 1 : i32
      %dma_start3A_84 = tpu.memref_slice %arg4[%dma_start3A_83, %add3A_82] : memref<2x320000xi32, #tpu.memory_space<hbm>> -> memref<1x80xi32, #tpu.memory_space<hbm>>
      %dma_start3A_85 = tpu.memref_squeeze %dma_start3A_84 : memref<1x80xi32, #tpu.memory_space<hbm>> -> memref<80xi32, #tpu.memory_space<hbm>>
      %dma_start3A_86 = tpu.memref_slice %arg4[%dma_start3A_83, %add3A_82] : memref<2x320000xi32, #tpu.memory_space<hbm>> -> memref<1x80xi32, #tpu.memory_space<hbm>>
      %dma_start3A_87 = tpu.memref_squeeze %dma_start3A_86 : memref<1x80xi32, #tpu.memory_space<hbm>> -> memref<80xi32, #tpu.memory_space<hbm>>
      tpu.enqueue_dma source(%dma_start3A_87 : memref<80xi32, #tpu.memory_space<hbm>>) target(%arg10 : memref<80xi32, #tpu.memory_space<vmem>>) target_semaphore(%arg17 : memref<!tpu.dma_semaphore, #tpu.memory_space<semaphore_mem>>)
      %parallel_loop3A_88 = arith.constant 0 : i32
      %parallel_loop3A_89 = arith.constant 80 : i32
      %parallel_loop3A_90 = arith.constant 1 : i32
      scf.for %parallel_loop3A_139 = %parallel_loop3A_88 to %parallel_loop3A_89 step %parallel_loop3A_90  : i32 {
        %parallel_loop3A_140 = arith.constant 80 : i32
        %parallel_loop3A_141 = arith.muli %add3A_55, %parallel_loop3A_140 : i32
        %parallel_loop3A_142 = vector.broadcast %parallel_loop3A_141 : i32 to vector<16xi32>
        %parallel_loop3A_143 = vector.broadcast %parallel_loop3A_139 : i32 to vector<16xi32>
        %parallel_loop3A_144 = arith.addi %parallel_loop3A_142, %parallel_loop3A_143 : vector<16xi32>
        %parallel_loop3A_145 = tpu.vector_load_idx %arg8[%parallel_loop3A_144] : memref<10000xf32, #tpu.memory_space<vmem>>[vector<16xi32>], vector<16xf32>,
        %parallel_loop3A_146 = tpu.pack_subelements %parallel_loop3A_145, %parallel_loop3A_145 {pack_format = #tpu.pack_format<interleaved>, positions = array<i32: 0, 1>} : vector<16xf32>, vector<16xf32> -> vector<32xbf16>
        %parallel_loop3A_147 = arith.index_cast %parallel_loop3A_139 : i32 to index
        %parallel_loop3A_148 = arith.constant 0 : index
        %parallel_loop3A_149 = tpu.vector_load %arg11[%parallel_loop3A_147, %parallel_loop3A_148] {strides = array<i32>} : memref<80x160xbf16, #tpu.memory_space<vmem>>, vector<32xbf16>,
        %parallel_loop3A_150 = arith.mulf %parallel_loop3A_149, %parallel_loop3A_146 : vector<32xbf16>
        %parallel_loop3A_151 = arith.index_cast %parallel_loop3A_139 : i32 to index
        %parallel_loop3A_152 = arith.constant 0 : index
        %parallel_loop3A_153 = tpu.vector_load %arg11[%parallel_loop3A_151, %parallel_loop3A_152] {strides = array<i32>} : memref<80x160xbf16, #tpu.memory_space<vmem>>, vector<32xbf16>,
        tpu.vector_store %arg11[%parallel_loop3A_151, %parallel_loop3A_152], %parallel_loop3A_150 {strides = array<i32>} : memref<80x160xbf16, #tpu.memory_space<vmem>>, vector<32xbf16>,
        %parallel_loop3A_154 = arith.index_cast %parallel_loop3A_139 : i32 to index
        %parallel_loop3A_155 = arith.constant 32 : index
        %parallel_loop3A_156 = tpu.vector_load %arg11[%parallel_loop3A_154, %parallel_loop3A_155] {strides = array<i32>} : memref<80x160xbf16, #tpu.memory_space<vmem>>, vector<32xbf16>,
        %parallel_loop3A_157 = arith.mulf %parallel_loop3A_156, %parallel_loop3A_146 : vector<32xbf16>
        %parallel_loop3A_158 = arith.index_cast %parallel_loop3A_139 : i32 to index
        %parallel_loop3A_159 = arith.constant 32 : index
        %parallel_loop3A_160 = tpu.vector_load %arg11[%parallel_loop3A_158, %parallel_loop3A_159] {strides = array<i32>} : memref<80x160xbf16, #tpu.memory_space<vmem>>, vector<32xbf16>,
        tpu.vector_store %arg11[%parallel_loop3A_158, %parallel_loop3A_159], %parallel_loop3A_157 {strides = array<i32>} : memref<80x160xbf16, #tpu.memory_space<vmem>>, vector<32xbf16>,
        %parallel_loop3A_161 = arith.index_cast %parallel_loop3A_139 : i32 to index
        %parallel_loop3A_162 = arith.constant 64 : index
        %parallel_loop3A_163 = tpu.vector_load %arg11[%parallel_loop3A_161, %parallel_loop3A_162] {strides = array<i32>} : memref<80x160xbf16, #tpu.memory_space<vmem>>, vector<32xbf16>,
        %parallel_loop3A_164 = arith.mulf %parallel_loop3A_163, %parallel_loop3A_146 : vector<32xbf16>
        %parallel_loop3A_165 = arith.index_cast %parallel_loop3A_139 : i32 to index
        %parallel_loop3A_166 = arith.constant 64 : index
        %parallel_loop3A_167 = tpu.vector_load %arg11[%parallel_loop3A_165, %parallel_loop3A_166] {strides = array<i32>} : memref<80x160xbf16, #tpu.memory_space<vmem>>, vector<32xbf16>,
        tpu.vector_store %arg11[%parallel_loop3A_165, %parallel_loop3A_166], %parallel_loop3A_164 {strides = array<i32>} : memref<80x160xbf16, #tpu.memory_space<vmem>>, vector<32xbf16>,
        %parallel_loop3A_168 = arith.index_cast %parallel_loop3A_139 : i32 to index
        %parallel_loop3A_169 = arith.constant 96 : index
        %parallel_loop3A_170 = tpu.vector_load %arg11[%parallel_loop3A_168, %parallel_loop3A_169] {strides = array<i32>} : memref<80x160xbf16, #tpu.memory_space<vmem>>, vector<32xbf16>,
        %parallel_loop3A_171 = arith.mulf %parallel_loop3A_170, %parallel_loop3A_146 : vector<32xbf16>
        %parallel_loop3A_172 = arith.index_cast %parallel_loop3A_139 : i32 to index
        %parallel_loop3A_173 = arith.constant 96 : index
        %parallel_loop3A_174 = tpu.vector_load %arg11[%parallel_loop3A_172, %parallel_loop3A_173] {strides = array<i32>} : memref<80x160xbf16, #tpu.memory_space<vmem>>, vector<32xbf16>,
        tpu.vector_store %arg11[%parallel_loop3A_172, %parallel_loop3A_173], %parallel_loop3A_171 {strides = array<i32>} : memref<80x160xbf16, #tpu.memory_space<vmem>>, vector<32xbf16>,
      } {sc.loop_unroll_factor = 4 : i64, sc.parallel_access}
      %dma_start3A_91 = arith.constant 0 : i32
      %dma_start3A_92 = arith.constant 0 : i32
      %dma_start3A_93 = tpu.memref_slice %arg13[%dma_start3A_91, %dma_start3A_92] : memref<10000x160xbf16, #tpu.memory_space<vmem_shared>> -> memref<10000x160xbf16, #tpu.memory_space<vmem_shared>>
      tpu.enqueue_indirect_dma source(%arg11 : memref<80x160xbf16, #tpu.memory_space<vmem>>) target(%dma_start3A_93 : memref<10000x160xbf16, #tpu.memory_space<vmem_shared>>) offsets(%arg9 : memref<80xi32, #tpu.memory_space<vmem>>) semaphore(%arg18 : memref<!tpu.dma_semaphore, #tpu.memory_space<semaphore_mem>>) {add = true}
      %mul3A_94 = arith.constant 2 : i32
      %mul3A_95 = arith.muli %scan3A_51, %mul3A_94 : i32
      %add3A_96 = arith.constant 1 : i32
      %add3A_97 = arith.addi %mul3A_95, %add3A_96 : i32
      %mul3A_98 = arith.constant 80 : i32
      %mul3A_99 = arith.muli %add3A_97, %mul3A_98 : i32
      %dma_wait3A_100 = tpu.memref_slice %arg7[%mul3A_99] : memref<10000xi32, #tpu.memory_space<vmem>> -> memref<80xi32, #tpu.memory_space<vmem>>
      %dma_wait3A_101 = arith.constant 0 : i32
      %dma_wait3A_102 = arith.constant 0 : i32
      %dma_wait3A_103 = tpu.memref_slice %arg2[%dma_wait3A_101, %dma_wait3A_102] : memref<10000x160xbf16, #tpu.memory_space<hbm>> -> memref<10000x160xbf16, #tpu.memory_space<hbm>>
      tpu.wait_indirect_dma semaphore(%arg15 : memref<!tpu.dma_semaphore, #tpu.memory_space<semaphore_mem>>) src(%dma_wait3A_103 : memref<10000x160xbf16, #tpu.memory_space<hbm>>) dst(%arg12 : memref<80x160xbf16, #tpu.memory_space<vmem>>)
      %mul3A_104 = arith.constant 80 : i32
      %mul3A_105 = arith.muli %add3A_97, %mul3A_104 : i32
      %add3A_106 = arith.addi %mul3A_2, %mul3A_105 : i32
      %dma_wait3A_107 = arith.constant 1 : i32
      %dma_wait3A_108 = tpu.memref_slice %arg4[%dma_wait3A_107, %add3A_106] : memref<2x320000xi32, #tpu.memory_space<hbm>> -> memref<1x80xi32, #tpu.memory_space<hbm>>
      %dma_wait3A_109 = tpu.memref_squeeze %dma_wait3A_108 : memref<1x80xi32, #tpu.memory_space<hbm>> -> memref<80xi32, #tpu.memory_space<hbm>>
      %dma_wait3A_110 = tpu.memref_slice %arg4[%dma_wait3A_107, %add3A_106] : memref<2x320000xi32, #tpu.memory_space<hbm>> -> memref<1x80xi32, #tpu.memory_space<hbm>>
      %dma_wait3A_111 = tpu.memref_squeeze %dma_wait3A_110 : memref<1x80xi32, #tpu.memory_space<hbm>> -> memref<80xi32, #tpu.memory_space<hbm>>
      tpu.wait_dma2 semaphore(%arg17 : memref<!tpu.dma_semaphore, #tpu.memory_space<semaphore_mem>>) src(%dma_wait3A_111 : memref<80xi32, #tpu.memory_space<hbm>>) dst(%arg10 : memref<80xi32, #tpu.memory_space<vmem>>)
      %gt3A_112 = arith.constant 0 : i32
      %gt3A_113 = arith.cmpi sgt, %add3A_97, %gt3A_112 : i32
      %convert_element_type3A_114 = arith.extui %gt3A_113 : i1 to i32
      %cond3A_115 = arith.constant 0 : i32
      %cond3A_116 = arith.cmpi ne, %convert_element_type3A_114, %cond3A_115 : i32
      scf.if %cond3A_116 {
        %dma_wait3A_139 = arith.constant 0 : i32
        %dma_wait3A_140 = arith.constant 0 : i32
        %dma_wait3A_141 = tpu.memref_slice %arg13[%dma_wait3A_139, %dma_wait3A_140] : memref<10000x160xbf16, #tpu.memory_space<vmem_shared>> -> memref<10000x160xbf16, #tpu.memory_space<vmem_shared>>
        tpu.wait_indirect_dma semaphore(%arg18 : memref<!tpu.dma_semaphore, #tpu.memory_space<semaphore_mem>>) src(%arg11 : memref<80x160xbf16, #tpu.memory_space<vmem>>) dst(%dma_wait3A_141 : memref<10000x160xbf16, #tpu.memory_space<vmem_shared>>)
      } else {
      }
      %add3A_117 = arith.constant 1 : i32
      %add3A_118 = arith.addi %add3A_97, %add3A_117 : i32
      %mul3A_119 = arith.constant 80 : i32
      %mul3A_120 = arith.muli %add3A_118, %mul3A_119 : i32
      %dma_start3A_121 = tpu.memref_slice %arg7[%mul3A_120] : memref<10000xi32, #tpu.memory_space<vmem>> -> memref<80xi32, #tpu.memory_space<vmem>>
      %dma_start3A_122 = arith.constant 0 : i32
      %dma_start3A_123 = arith.constant 0 : i32
      %dma_start3A_124 = tpu.memref_slice %arg2[%dma_start3A_122, %dma_start3A_123] : memref<10000x160xbf16, #tpu.memory_space<hbm>> -> memref<10000x160xbf16, #tpu.memory_space<hbm>>
      tpu.enqueue_indirect_dma source(%dma_start3A_124 : memref<10000x160xbf16, #tpu.memory_space<hbm>>) target(%arg11 : memref<80x160xbf16, #tpu.memory_space<vmem>>) offsets(%dma_start3A_121 : memref<80xi32, #tpu.memory_space<vmem>>) semaphore(%arg14 : memref<!tpu.dma_semaphore, #tpu.memory_space<semaphore_mem>>)
      %mul3A_125 = arith.constant 80 : i32
      %mul3A_126 = arith.muli %add3A_118, %mul3A_125 : i32
      %add3A_127 = arith.addi %mul3A_2, %mul3A_126 : i32
      %dma_start3A_128 = arith.constant 1 : i32
      %dma_start3A_129 = tpu.memref_slice %arg4[%dma_start3A_128, %add3A_127] : memref<2x320000xi32, #tpu.memory_space<hbm>> -> memref<1x80xi32, #tpu.memory_space<hbm>>
      %dma_start3A_130 = tpu.memref_squeeze %dma_start3A_129 : memref<1x80xi32, #tpu.memory_space<hbm>> -> memref<80xi32, #tpu.memory_space<hbm>>
      %dma_start3A_131 = tpu.memref_slice %arg4[%dma_start3A_128, %add3A_127] : memref<2x320000xi32, #tpu.memory_space<hbm>> -> memref<1x80xi32, #tpu.memory_space<hbm>>
      %dma_start3A_132 = tpu.memref_squeeze %dma_start3A_131 : memref<1x80xi32, #tpu.memory_space<hbm>> -> memref<80xi32, #tpu.memory_space<hbm>>
      tpu.enqueue_dma source(%dma_start3A_132 : memref<80xi32, #tpu.memory_space<hbm>>) target(%arg9 : memref<80xi32, #tpu.memory_space<vmem>>) target_semaphore(%arg16 : memref<!tpu.dma_semaphore, #tpu.memory_space<semaphore_mem>>)
      %parallel_loop3A_133 = arith.constant 0 : i32
      %parallel_loop3A_134 = arith.constant 80 : i32
      %parallel_loop3A_135 = arith.constant 1 : i32
      scf.for %parallel_loop3A_139 = %parallel_loop3A_133 to %parallel_loop3A_134 step %parallel_loop3A_135  : i32 {
        %parallel_loop3A_140 = arith.constant 80 : i32
        %parallel_loop3A_141 = arith.muli %add3A_97, %parallel_loop3A_140 : i32
        %parallel_loop3A_142 = vector.broadcast %parallel_loop3A_141 : i32 to vector<16xi32>
        %parallel_loop3A_143 = vector.broadcast %parallel_loop3A_139 : i32 to vector<16xi32>
        %parallel_loop3A_144 = arith.addi %parallel_loop3A_142, %parallel_loop3A_143 : vector<16xi32>
        %parallel_loop3A_145 = tpu.vector_load_idx %arg8[%parallel_loop3A_144] : memref<10000xf32, #tpu.memory_space<vmem>>[vector<16xi32>], vector<16xf32>,
        %parallel_loop3A_146 = tpu.pack_subelements %parallel_loop3A_145, %parallel_loop3A_145 {pack_format = #tpu.pack_format<interleaved>, positions = array<i32: 0, 1>} : vector<16xf32>, vector<16xf32> -> vector<32xbf16>
        %parallel_loop3A_147 = arith.index_cast %parallel_loop3A_139 : i32 to index
        %parallel_loop3A_148 = arith.constant 0 : index
        %parallel_loop3A_149 = tpu.vector_load %arg12[%parallel_loop3A_147, %parallel_loop3A_148] {strides = array<i32>} : memref<80x160xbf16, #tpu.memory_space<vmem>>, vector<32xbf16>,
        %parallel_loop3A_150 = arith.mulf %parallel_loop3A_149, %parallel_loop3A_146 : vector<32xbf16>
        %parallel_loop3A_151 = arith.index_cast %parallel_loop3A_139 : i32 to index
        %parallel_loop3A_152 = arith.constant 0 : index
        %parallel_loop3A_153 = tpu.vector_load %arg12[%parallel_loop3A_151, %parallel_loop3A_152] {strides = array<i32>} : memref<80x160xbf16, #tpu.memory_space<vmem>>, vector<32xbf16>,
        tpu.vector_store %arg12[%parallel_loop3A_151, %parallel_loop3A_152], %parallel_loop3A_150 {strides = array<i32>} : memref<80x160xbf16, #tpu.memory_space<vmem>>, vector<32xbf16>,
        %parallel_loop3A_154 = arith.index_cast %parallel_loop3A_139 : i32 to index
        %parallel_loop3A_155 = arith.constant 32 : index
        %parallel_loop3A_156 = tpu.vector_load %arg12[%parallel_loop3A_154, %parallel_loop3A_155] {strides = array<i32>} : memref<80x160xbf16, #tpu.memory_space<vmem>>, vector<32xbf16>,
        %parallel_loop3A_157 = arith.mulf %parallel_loop3A_156, %parallel_loop3A_146 : vector<32xbf16>
        %parallel_loop3A_158 = arith.index_cast %parallel_loop3A_139 : i32 to index
        %parallel_loop3A_159 = arith.constant 32 : index
        %parallel_loop3A_160 = tpu.vector_load %arg12[%parallel_loop3A_158, %parallel_loop3A_159] {strides = array<i32>} : memref<80x160xbf16, #tpu.memory_space<vmem>>, vector<32xbf16>,
        tpu.vector_store %arg12[%parallel_loop3A_158, %parallel_loop3A_159], %parallel_loop3A_157 {strides = array<i32>} : memref<80x160xbf16, #tpu.memory_space<vmem>>, vector<32xbf16>,
        %parallel_loop3A_161 = arith.index_cast %parallel_loop3A_139 : i32 to index
        %parallel_loop3A_162 = arith.constant 64 : index
        %parallel_loop3A_163 = tpu.vector_load %arg12[%parallel_loop3A_161, %parallel_loop3A_162] {strides = array<i32>} : memref<80x160xbf16, #tpu.memory_space<vmem>>, vector<32xbf16>,
        %parallel_loop3A_164 = arith.mulf %parallel_loop3A_163, %parallel_loop3A_146 : vector<32xbf16>
        %parallel_loop3A_165 = arith.index_cast %parallel_loop3A_139 : i32 to index
        %parallel_loop3A_166 = arith.constant 64 : index
        %parallel_loop3A_167 = tpu.vector_load %arg12[%parallel_loop3A_165, %parallel_loop3A_166] {strides = array<i32>} : memref<80x160xbf16, #tpu.memory_space<vmem>>, vector<32xbf16>,
        tpu.vector_store %arg12[%parallel_loop3A_165, %parallel_loop3A_166], %parallel_loop3A_164 {strides = array<i32>} : memref<80x160xbf16, #tpu.memory_space<vmem>>, vector<32xbf16>,
        %parallel_loop3A_168 = arith.index_cast %parallel_loop3A_139 : i32 to index
        %parallel_loop3A_169 = arith.constant 96 : index
        %parallel_loop3A_170 = tpu.vector_load %arg12[%parallel_loop3A_168, %parallel_loop3A_169] {strides = array<i32>} : memref<80x160xbf16, #tpu.memory_space<vmem>>, vector<32xbf16>,
        %parallel_loop3A_171 = arith.mulf %parallel_loop3A_170, %parallel_loop3A_146 : vector<32xbf16>
        %parallel_loop3A_172 = arith.index_cast %parallel_loop3A_139 : i32 to index
        %parallel_loop3A_173 = arith.constant 96 : index
        %parallel_loop3A_174 = tpu.vector_load %arg12[%parallel_loop3A_172, %parallel_loop3A_173] {strides = array<i32>} : memref<80x160xbf16, #tpu.memory_space<vmem>>, vector<32xbf16>,
        tpu.vector_store %arg12[%parallel_loop3A_172, %parallel_loop3A_173], %parallel_loop3A_171 {strides = array<i32>} : memref<80x160xbf16, #tpu.memory_space<vmem>>, vector<32xbf16>,
      } {sc.loop_unroll_factor = 4 : i64, sc.parallel_access}
      %dma_start3A_136 = arith.constant 0 : i32
      %dma_start3A_137 = arith.constant 0 : i32
      %dma_start3A_138 = tpu.memref_slice %arg13[%dma_start3A_136, %dma_start3A_137] : memref<10000x160xbf16, #tpu.memory_space<vmem_shared>> -> memref<10000x160xbf16, #tpu.memory_space<vmem_shared>>
      tpu.enqueue_indirect_dma source(%arg12 : memref<80x160xbf16, #tpu.memory_space<vmem>>) target(%dma_start3A_138 : memref<10000x160xbf16, #tpu.memory_space<vmem_shared>>) offsets(%arg10 : memref<80xi32, #tpu.memory_space<vmem>>) semaphore(%arg19 : memref<!tpu.dma_semaphore, #tpu.memory_space<semaphore_mem>>) {add = true}
    }
    %scan3A_20 = arith.constant 62 : i32
    %dma_wait3A = arith.constant 9920 : i32
    %dma_wait3A_21 = tpu.memref_slice %arg7[%dma_wait3A] : memref<10000xi32, #tpu.memory_space<vmem>> -> memref<80xi32, #tpu.memory_space<vmem>>
    %dma_wait3A_22 = arith.constant 0 : i32
    %dma_wait3A_23 = arith.constant 0 : i32
    %dma_wait3A_24 = tpu.memref_slice %arg2[%dma_wait3A_22, %dma_wait3A_23] : memref<10000x160xbf16, #tpu.memory_space<hbm>> -> memref<10000x160xbf16, #tpu.memory_space<hbm>>
    tpu.wait_indirect_dma semaphore(%arg14 : memref<!tpu.dma_semaphore, #tpu.memory_space<semaphore_mem>>) src(%dma_wait3A_24 : memref<10000x160xbf16, #tpu.memory_space<hbm>>) dst(%arg11 : memref<80x160xbf16, #tpu.memory_space<vmem>>)
    %add3A_25 = arith.constant 9920 : i32
    %add3A_26 = arith.addi %mul3A_2, %add3A_25 : i32
    %dma_wait3A_27 = arith.constant 1 : i32
    %dma_wait3A_28 = tpu.memref_slice %arg4[%dma_wait3A_27, %add3A_26] : memref<2x320000xi32, #tpu.memory_space<hbm>> -> memref<1x80xi32, #tpu.memory_space<hbm>>
    %dma_wait3A_29 = tpu.memref_squeeze %dma_wait3A_28 : memref<1x80xi32, #tpu.memory_space<hbm>> -> memref<80xi32, #tpu.memory_space<hbm>>
    %dma_wait3A_30 = tpu.memref_slice %arg4[%dma_wait3A_27, %add3A_26] : memref<2x320000xi32, #tpu.memory_space<hbm>> -> memref<1x80xi32, #tpu.memory_space<hbm>>
    %dma_wait3A_31 = tpu.memref_squeeze %dma_wait3A_30 : memref<1x80xi32, #tpu.memory_space<hbm>> -> memref<80xi32, #tpu.memory_space<hbm>>
    tpu.wait_dma2 semaphore(%arg16 : memref<!tpu.dma_semaphore, #tpu.memory_space<semaphore_mem>>) src(%dma_wait3A_31 : memref<80xi32, #tpu.memory_space<hbm>>) dst(%arg9 : memref<80xi32, #tpu.memory_space<vmem>>)
    %dma_wait3A_32 = arith.constant 0 : i32
    %dma_wait3A_33 = arith.constant 0 : i32
    %dma_wait3A_34 = tpu.memref_slice %arg13[%dma_wait3A_32, %dma_wait3A_33] : memref<10000x160xbf16, #tpu.memory_space<vmem_shared>> -> memref<10000x160xbf16, #tpu.memory_space<vmem_shared>>
    tpu.wait_indirect_dma semaphore(%arg19 : memref<!tpu.dma_semaphore, #tpu.memory_space<semaphore_mem>>) src(%arg12 : memref<80x160xbf16, #tpu.memory_space<vmem>>) dst(%dma_wait3A_34 : memref<10000x160xbf16, #tpu.memory_space<vmem_shared>>)
    %parallel_loop3A = arith.constant 0 : i32
    %parallel_loop3A_35 = arith.constant 80 : i32
    %parallel_loop3A_36 = arith.constant 1 : i32
    scf.for %parallel_loop3A_51 = %parallel_loop3A to %parallel_loop3A_35 step %parallel_loop3A_36  : i32 {
      %parallel_loop3A_52 = arith.constant 9920 : i32
      %parallel_loop3A_53 = vector.broadcast %parallel_loop3A_52 : i32 to vector<16xi32>
      %parallel_loop3A_54 = vector.broadcast %parallel_loop3A_51 : i32 to vector<16xi32>
      %parallel_loop3A_55 = arith.addi %parallel_loop3A_53, %parallel_loop3A_54 : vector<16xi32>
      %parallel_loop3A_56 = tpu.vector_load_idx %arg8[%parallel_loop3A_55] : memref<10000xf32, #tpu.memory_space<vmem>>[vector<16xi32>], vector<16xf32>,
      %parallel_loop3A_57 = tpu.pack_subelements %parallel_loop3A_56, %parallel_loop3A_56 {pack_format = #tpu.pack_format<interleaved>, positions = array<i32: 0, 1>} : vector<16xf32>, vector<16xf32> -> vector<32xbf16>
      %parallel_loop3A_58 = arith.index_cast %parallel_loop3A_51 : i32 to index
      %parallel_loop3A_59 = arith.constant 0 : index
      %parallel_loop3A_60 = tpu.vector_load %arg11[%parallel_loop3A_58, %parallel_loop3A_59] {strides = array<i32>} : memref<80x160xbf16, #tpu.memory_space<vmem>>, vector<32xbf16>,
      %parallel_loop3A_61 = arith.mulf %parallel_loop3A_60, %parallel_loop3A_57 : vector<32xbf16>
      %parallel_loop3A_62 = arith.index_cast %parallel_loop3A_51 : i32 to index
      %parallel_loop3A_63 = arith.constant 0 : index
      %parallel_loop3A_64 = tpu.vector_load %arg11[%parallel_loop3A_62, %parallel_loop3A_63] {strides = array<i32>} : memref<80x160xbf16, #tpu.memory_space<vmem>>, vector<32xbf16>,
      tpu.vector_store %arg11[%parallel_loop3A_62, %parallel_loop3A_63], %parallel_loop3A_61 {strides = array<i32>} : memref<80x160xbf16, #tpu.memory_space<vmem>>, vector<32xbf16>,
      %parallel_loop3A_65 = arith.index_cast %parallel_loop3A_51 : i32 to index
      %parallel_loop3A_66 = arith.constant 32 : index
      %parallel_loop3A_67 = tpu.vector_load %arg11[%parallel_loop3A_65, %parallel_loop3A_66] {strides = array<i32>} : memref<80x160xbf16, #tpu.memory_space<vmem>>, vector<32xbf16>,
      %parallel_loop3A_68 = arith.mulf %parallel_loop3A_67, %parallel_loop3A_57 : vector<32xbf16>
      %parallel_loop3A_69 = arith.index_cast %parallel_loop3A_51 : i32 to index
      %parallel_loop3A_70 = arith.constant 32 : index
      %parallel_loop3A_71 = tpu.vector_load %arg11[%parallel_loop3A_69, %parallel_loop3A_70] {strides = array<i32>} : memref<80x160xbf16, #tpu.memory_space<vmem>>, vector<32xbf16>,
      tpu.vector_store %arg11[%parallel_loop3A_69, %parallel_loop3A_70], %parallel_loop3A_68 {strides = array<i32>} : memref<80x160xbf16, #tpu.memory_space<vmem>>, vector<32xbf16>,
      %parallel_loop3A_72 = arith.index_cast %parallel_loop3A_51 : i32 to index
      %parallel_loop3A_73 = arith.constant 64 : index
      %parallel_loop3A_74 = tpu.vector_load %arg11[%parallel_loop3A_72, %parallel_loop3A_73] {strides = array<i32>} : memref<80x160xbf16, #tpu.memory_space<vmem>>, vector<32xbf16>,
      %parallel_loop3A_75 = arith.mulf %parallel_loop3A_74, %parallel_loop3A_57 : vector<32xbf16>
      %parallel_loop3A_76 = arith.index_cast %parallel_loop3A_51 : i32 to index
      %parallel_loop3A_77 = arith.constant 64 : index
      %parallel_loop3A_78 = tpu.vector_load %arg11[%parallel_loop3A_76, %parallel_loop3A_77] {strides = array<i32>} : memref<80x160xbf16, #tpu.memory_space<vmem>>, vector<32xbf16>,
      tpu.vector_store %arg11[%parallel_loop3A_76, %parallel_loop3A_77], %parallel_loop3A_75 {strides = array<i32>} : memref<80x160xbf16, #tpu.memory_space<vmem>>, vector<32xbf16>,
      %parallel_loop3A_79 = arith.index_cast %parallel_loop3A_51 : i32 to index
      %parallel_loop3A_80 = arith.constant 96 : index
      %parallel_loop3A_81 = tpu.vector_load %arg11[%parallel_loop3A_79, %parallel_loop3A_80] {strides = array<i32>} : memref<80x160xbf16, #tpu.memory_space<vmem>>, vector<32xbf16>,
      %parallel_loop3A_82 = arith.mulf %parallel_loop3A_81, %parallel_loop3A_57 : vector<32xbf16>
      %parallel_loop3A_83 = arith.index_cast %parallel_loop3A_51 : i32 to index
      %parallel_loop3A_84 = arith.constant 96 : index
      %parallel_loop3A_85 = tpu.vector_load %arg11[%parallel_loop3A_83, %parallel_loop3A_84] {strides = array<i32>} : memref<80x160xbf16, #tpu.memory_space<vmem>>, vector<32xbf16>,
      tpu.vector_store %arg11[%parallel_loop3A_83, %parallel_loop3A_84], %parallel_loop3A_82 {strides = array<i32>} : memref<80x160xbf16, #tpu.memory_space<vmem>>, vector<32xbf16>,
    } {sc.loop_unroll_factor = 4 : i64, sc.parallel_access}
    %dma_start3A_37 = arith.constant 0 : i32
    %dma_start3A_38 = arith.constant 0 : i32
    %dma_start3A_39 = tpu.memref_slice %arg13[%dma_start3A_37, %dma_start3A_38] : memref<10000x160xbf16, #tpu.memory_space<vmem_shared>> -> memref<10000x160xbf16, #tpu.memory_space<vmem_shared>>
    tpu.enqueue_indirect_dma source(%arg11 : memref<80x160xbf16, #tpu.memory_space<vmem>>) target(%dma_start3A_39 : memref<10000x160xbf16, #tpu.memory_space<vmem_shared>>) offsets(%arg9 : memref<80xi32, #tpu.memory_space<vmem>>) semaphore(%arg18 : memref<!tpu.dma_semaphore, #tpu.memory_space<semaphore_mem>>) {add = true}
    %dma_wait3A_40 = arith.constant 0 : i32
    %dma_wait3A_41 = arith.constant 0 : i32
    %dma_wait3A_42 = tpu.memref_slice %arg13[%dma_wait3A_40, %dma_wait3A_41] : memref<10000x160xbf16, #tpu.memory_space<vmem_shared>> -> memref<10000x160xbf16, #tpu.memory_space<vmem_shared>>
    tpu.wait_indirect_dma semaphore(%arg18 : memref<!tpu.dma_semaphore, #tpu.memory_space<semaphore_mem>>) src(%arg11 : memref<80x160xbf16, #tpu.memory_space<vmem>>) dst(%dma_wait3A_42 : memref<10000x160xbf16, #tpu.memory_space<vmem_shared>>)
    %barrier3A_43 = arith.constant 0 : index
    tpu.barrier barrier_id(%barrier3A_43)
    %mul3A_44 = arith.constant 625 : i32
    %mul3A_45 = arith.muli %arg1, %mul3A_44 : i32
    %mul3A_46 = arith.constant 10000 : i32
    %mul3A_47 = arith.muli %arg0, %mul3A_46 : i32
    %mul3A_48 = arith.constant 625 : i32
    %mul3A_49 = arith.muli %arg1, %mul3A_48 : i32
    %add3A_50 = arith.addi %mul3A_47, %mul3A_49 : i32
    "tpu.region"() ({
      %run_scoped3A_51 = tpu.sem_alloc : memref<!tpu.dma_semaphore, #tpu.memory_space<semaphore_mem>>
      %dma_start3A_52 = arith.constant 0 : i32
      %dma_start3A_53 = tpu.memref_slice %arg6[%add3A_50, %dma_start3A_52] : memref<20000x160xbf16, #tpu.memory_space<hbm>> -> memref<625x160xbf16, #tpu.memory_space<hbm>>
      %dma_start3A_54 = arith.constant 0 : i32
      %dma_start3A_55 = tpu.memref_slice %arg13[%mul3A_45, %dma_start3A_54] : memref<10000x160xbf16, #tpu.memory_space<vmem_shared>> -> memref<625x160xbf16, #tpu.memory_space<vmem_shared>>
      tpu.enqueue_dma source(%dma_start3A_55 : memref<625x160xbf16, #tpu.memory_space<vmem_shared>>) target(%dma_start3A_53 : memref<625x160xbf16, #tpu.memory_space<hbm>>) target_semaphore(%run_scoped3A_51 : memref<!tpu.dma_semaphore, #tpu.memory_space<semaphore_mem>>)
      %dma_wait3A_56 = arith.constant 0 : i32
      %dma_wait3A_57 = tpu.memref_slice %arg6[%add3A_50, %dma_wait3A_56] : memref<20000x160xbf16, #tpu.memory_space<hbm>> -> memref<625x160xbf16, #tpu.memory_space<hbm>>
      %dma_wait3A_58 = arith.constant 0 : i32
      %dma_wait3A_59 = tpu.memref_slice %arg13[%mul3A_45, %dma_wait3A_58] : memref<10000x160xbf16, #tpu.memory_space<vmem_shared>> -> memref<625x160xbf16, #tpu.memory_space<vmem_shared>>
      tpu.wait_dma2 semaphore(%run_scoped3A_51 : memref<!tpu.dma_semaphore, #tpu.memory_space<semaphore_mem>>) src(%dma_wait3A_59 : memref<625x160xbf16, #tpu.memory_space<vmem_shared>>) dst(%dma_wait3A_57 : memref<625x160xbf16, #tpu.memory_space<hbm>>)
      tpu.yield
    }) : () -> ()
    return
  }
}

module attributes {stable_mosaic.version = 14 : i64} {
  func.func @_prep_body(%arg0: i32, %arg1: memref<400x128xf32, #tpu.memory_space<vmem>>, %arg2: memref<1x128xf32, #tpu.memory_space<vmem>>, %arg3: memref<400x160xbf16, #tpu.memory_space<vmem>>) attributes {dimension_semantics = [#tpu.dimension_semantics<arbitrary>], iteration_bounds = array<i64: 25>, scalar_prefetch = 0 : i64, scratch_operands = 0 : i64, tpu.core_type = #tpu.core_type<tc>, window_params = [{transform_indices = @transform_0, window_bounds = array<i64: 400, 128>}, {pipeline_mode = #tpu.pipeline_mode<synchronous>, transform_indices = @transform_1, window_bounds = array<i64: 1, 128>}, {transform_indices = @transform_2, window_bounds = array<i64: 400, 160>}]} {
    %get3A = arith.constant 0 : index
    %get3A_0 = arith.constant 0 : index
    %get3A_1 = vector.load %arg2[%get3A, %get3A_0] : memref<1x128xf32, #tpu.memory_space<vmem>>, vector<1x128xf32>
    %lt3A = arith.constant 5.000000e-01 : f32
    %lt3A_2 = vector.broadcast %lt3A : f32 to vector<1x128xf32>
    %lt3A_3 = arith.cmpf olt, %get3A_1, %lt3A_2 : vector<1x128xf32>
    %convert_element_type3A = arith.extui %lt3A_3 : vector<1x128xi1> to vector<1x128xi32>
    %convert_element_type3A_4 = arith.sitofp %convert_element_type3A : vector<1x128xi32> to vector<1x128xf32>
    %get3A_5 = arith.constant 0 : index
    %get3A_6 = arith.constant 0 : index
    %get3A_7 = vector.load %arg1[%get3A_5, %get3A_6] : memref<400x128xf32, #tpu.memory_space<vmem>>, vector<400x128xf32>
    %mul3A = vector.broadcast %convert_element_type3A_4 : vector<1x128xf32> to vector<400x128xf32>
    %mul3A_8 = arith.mulf %get3A_7, %mul3A : vector<400x128xf32>
    %broadcast_in_dim3A = arith.constant 1.000000e+00 : f32
    %broadcast_in_dim3A_9 = vector.broadcast %broadcast_in_dim3A : f32 to vector<400x1xf32>
    %broadcast_in_dim3A_10 = arith.constant 0.000000e+00 : f32
    %broadcast_in_dim3A_11 = vector.broadcast %broadcast_in_dim3A_10 : f32 to vector<400x31xf32>
    %concatenate3A = tpu.concatenate %broadcast_in_dim3A_9, %broadcast_in_dim3A_11 in 1 : vector<400x1xf32>, vector<400x31xf32> -> vector<400x32xf32>
    %concatenate3A_12 = tpu.concatenate %mul3A_8, %concatenate3A in 1 : vector<400x128xf32>, vector<400x32xf32> -> vector<400x160xf32>
    %convert_element_type3A_13 = arith.truncf %concatenate3A_12 : vector<400x160xf32> to vector<400x160xbf16>
    %swap3A = arith.constant 0 : index
    %swap3A_14 = arith.constant 0 : index
    %swap3A_15 = vector.load %arg3[%swap3A, %swap3A_14] : memref<400x160xbf16, #tpu.memory_space<vmem>>, vector<400x160xbf16>
    tpu.vector_store %arg3[%swap3A, %swap3A_14], %convert_element_type3A_13 {strides = array<i32>} : memref<400x160xbf16, #tpu.memory_space<vmem>>, vector<400x160xbf16>,
    return
  }
  func.func @transform_0(%arg0: i32) -> (i32, i32) {
    %c0_i32 = arith.constant 0 : i32
    %c0_i32_0 = arith.constant 0 : i32
    return %arg0, %c0_i32 : i32, i32
  }
  func.func @transform_1(%arg0: i32) -> (i32, i32) {
    %c0_i32 = arith.constant 0 : i32
    %c0_i32_0 = arith.constant 0 : i32
    %c0_i32_1 = arith.constant 0 : i32
    return %c0_i32, %c0_i32_0 : i32, i32
  }
  func.func @transform_2(%arg0: i32) -> (i32, i32) {
    %c0_i32 = arith.constant 0 : i32
    %c0_i32_0 = arith.constant 0 : i32
    return %arg0, %c0_i32 : i32, i32
  }
}

module attributes {stable_mosaic.version = 14 : i64} {
  func.func @_sage_body(%arg0: i32, %arg1: memref<20000x160xbf16, #tpu.memory_space<hbm>>, %arg2: memref<1000x160xbf16, #tpu.memory_space<vmem>>, %arg3: memref<128x128xf32, #tpu.memory_space<vmem>>, %arg4: memref<128x128xf32, #tpu.memory_space<vmem>>, %arg5: memref<1x128xf32, #tpu.memory_space<vmem>>, %arg6: memref<1000x160xbf16, #tpu.memory_space<vmem>>, %arg7: memref<1000x160xbf16, #tpu.memory_space<vmem>>, %arg8: memref<1000x160xbf16, #tpu.memory_space<vmem>>, %arg9: memref<!tpu.dma_semaphore, #tpu.memory_space<semaphore_mem>>, %arg10: memref<!tpu.dma_semaphore, #tpu.memory_space<semaphore_mem>>) attributes {dimension_semantics = [#tpu.dimension_semantics<arbitrary>], iteration_bounds = array<i64: 10>, scalar_prefetch = 0 : i64, scratch_operands = 4 : i64, tpu.core_type = #tpu.core_type<tc>, window_params = [{}, {transform_indices = @transform_1, window_bounds = array<i64: 1000, 160>}, {pipeline_mode = #tpu.pipeline_mode<synchronous>, transform_indices = @transform_2, window_bounds = array<i64: 128, 128>}, {pipeline_mode = #tpu.pipeline_mode<synchronous>, transform_indices = @transform_3, window_bounds = array<i64: 128, 128>}, {pipeline_mode = #tpu.pipeline_mode<synchronous>, transform_indices = @transform_4, window_bounds = array<i64: 1, 128>}, {transform_indices = @transform_5, window_bounds = array<i64: 1000, 160>}]} {
    %mul3A = arith.constant 1000 : i32
    %mul3A_0 = arith.muli %arg0, %mul3A : i32
    %dma_start3A = arith.constant 0 : i32
    %dma_start3A_1 = tpu.memref_slice %arg1[%mul3A_0, %dma_start3A] : memref<20000x160xbf16, #tpu.memory_space<hbm>> -> memref<1000x160xbf16, #tpu.memory_space<hbm>>
    tpu.enqueue_dma source(%dma_start3A_1 : memref<1000x160xbf16, #tpu.memory_space<hbm>>) target(%arg7 : memref<1000x160xbf16, #tpu.memory_space<vmem>>) target_semaphore(%arg9 : memref<!tpu.dma_semaphore, #tpu.memory_space<semaphore_mem>>)
    %mul3A_2 = arith.constant 1000 : i32
    %mul3A_3 = arith.muli %arg0, %mul3A_2 : i32
    %add3A = arith.constant 10000 : i32
    %add3A_4 = arith.addi %add3A, %mul3A_3 : i32
    %dma_start3A_5 = arith.constant 0 : i32
    %dma_start3A_6 = tpu.memref_slice %arg1[%add3A_4, %dma_start3A_5] : memref<20000x160xbf16, #tpu.memory_space<hbm>> -> memref<1000x160xbf16, #tpu.memory_space<hbm>>
    tpu.enqueue_dma source(%dma_start3A_6 : memref<1000x160xbf16, #tpu.memory_space<hbm>>) target(%arg8 : memref<1000x160xbf16, #tpu.memory_space<vmem>>) target_semaphore(%arg10 : memref<!tpu.dma_semaphore, #tpu.memory_space<semaphore_mem>>)
    %dma_wait3A = arith.constant 0 : i32
    %dma_wait3A_7 = tpu.memref_slice %arg1[%mul3A_0, %dma_wait3A] : memref<20000x160xbf16, #tpu.memory_space<hbm>> -> memref<1000x160xbf16, #tpu.memory_space<hbm>>
    tpu.wait_dma2 semaphore(%arg9 : memref<!tpu.dma_semaphore, #tpu.memory_space<semaphore_mem>>) src(%dma_wait3A_7 : memref<1000x160xbf16, #tpu.memory_space<hbm>>) dst(%arg7 : memref<1000x160xbf16, #tpu.memory_space<vmem>>)
    %dma_wait3A_8 = arith.constant 0 : i32
    %dma_wait3A_9 = tpu.memref_slice %arg1[%add3A_4, %dma_wait3A_8] : memref<20000x160xbf16, #tpu.memory_space<hbm>> -> memref<1000x160xbf16, #tpu.memory_space<hbm>>
    tpu.wait_dma2 semaphore(%arg10 : memref<!tpu.dma_semaphore, #tpu.memory_space<semaphore_mem>>) src(%dma_wait3A_9 : memref<1000x160xbf16, #tpu.memory_space<hbm>>) dst(%arg8 : memref<1000x160xbf16, #tpu.memory_space<vmem>>)
    %get3A = arith.constant 0 : index
    %get3A_10 = arith.constant 0 : index
    %get3A_11 = vector.load %arg7[%get3A, %get3A_10] : memref<1000x160xbf16, #tpu.memory_space<vmem>>, vector<1000x160xbf16>
    %convert_element_type3A = arith.extf %get3A_11 : vector<1000x160xbf16> to vector<1000x160xf32>
    %get3A_12 = arith.constant 0 : index
    %get3A_13 = arith.constant 0 : index
    %get3A_14 = vector.load %arg8[%get3A_12, %get3A_13] : memref<1000x160xbf16, #tpu.memory_space<vmem>>, vector<1000x160xbf16>
    %convert_element_type3A_15 = arith.extf %get3A_14 : vector<1000x160xbf16> to vector<1000x160xf32>
    %add3A_16 = arith.addf %convert_element_type3A, %convert_element_type3A_15 : vector<1000x160xf32>
    %slice3A = vector.extract_strided_slice %add3A_16 {offsets = [0, 128], sizes = [1000, 1], strides = [1, 1]} : vector<1000x160xf32> to vector<1000x1xf32>
    %max3A = arith.constant 1.000000e+00 : f32
    %max3A_17 = vector.broadcast %max3A : f32 to vector<1000x1xf32>
    %max3A_18 = arith.maximumf %slice3A, %max3A_17 : vector<1000x1xf32>
    %slice3A_19 = vector.extract_strided_slice %add3A_16 {offsets = [0, 0], sizes = [1000, 128], strides = [1, 1]} : vector<1000x160xf32> to vector<1000x128xf32>
    %div3A = vector.broadcast %max3A_18 : vector<1000x1xf32> to vector<1000x128xf32>
    %div3A_20 = arith.divf %slice3A_19, %div3A : vector<1000x128xf32>
    %get3A_21 = arith.constant 0 : index
    %get3A_22 = arith.constant 0 : index
    %get3A_23 = vector.load %arg2[%get3A_21, %get3A_22] : memref<1000x160xbf16, #tpu.memory_space<vmem>>, vector<1000x128xbf16>
    %convert_element_type3A_24 = arith.extf %get3A_23 : vector<1000x128xbf16> to vector<1000x128xf32>
    %get3A_25 = arith.constant 0 : index
    %get3A_26 = arith.constant 0 : index
    %get3A_27 = vector.load %arg3[%get3A_25, %get3A_26] : memref<128x128xf32, #tpu.memory_space<vmem>>, vector<128x128xf32>
    %dot_general3A = arith.constant dense<0.000000e+00> : vector<1000x128xf32>
    %dot_general3A_28 = tpu.matmul %convert_element_type3A_24, %get3A_27, %dot_general3A {dimension_numbers = #tpu.dot_dimension_numbers<[1], [0], [0], [1], [0, 0, 1, 1], [], []>, transpose_lhs_hint = false} : vector<1000x128xf32>, vector<128x128xf32>, vector<1000x128xf32> -> vector<1000x128xf32>
    %get3A_29 = arith.constant 0 : index
    %get3A_30 = arith.constant 0 : index
    %get3A_31 = vector.load %arg4[%get3A_29, %get3A_30] : memref<128x128xf32, #tpu.memory_space<vmem>>, vector<128x128xf32>
    %dot_general3A_32 = arith.constant dense<0.000000e+00> : vector<1000x128xf32>
    %dot_general3A_33 = tpu.matmul %div3A_20, %get3A_31, %dot_general3A_32 {dimension_numbers = #tpu.dot_dimension_numbers<[1], [0], [0], [1], [0, 0, 1, 1], [], []>, transpose_lhs_hint = false} : vector<1000x128xf32>, vector<128x128xf32>, vector<1000x128xf32> -> vector<1000x128xf32>
    %add3A_34 = arith.addf %dot_general3A_28, %dot_general3A_33 : vector<1000x128xf32>
    %get3A_35 = arith.constant 0 : index
    %get3A_36 = arith.constant 0 : index
    %get3A_37 = vector.load %arg5[%get3A_35, %get3A_36] : memref<1x128xf32, #tpu.memory_space<vmem>>, vector<1x128xf32>
    %add3A_38 = vector.broadcast %get3A_37 : vector<1x128xf32> to vector<1000x128xf32>
    %add3A_39 = arith.addf %add3A_34, %add3A_38 : vector<1000x128xf32>
    %max3A_40 = arith.constant 0.000000e+00 : f32
    %max3A_41 = vector.broadcast %max3A_40 : f32 to vector<1000x128xf32>
    %max3A_42 = arith.maximumf %add3A_39, %max3A_41 : vector<1000x128xf32>
    %broadcast_in_dim3A = arith.constant 1.000000e+00 : f32
    %broadcast_in_dim3A_43 = vector.broadcast %broadcast_in_dim3A : f32 to vector<1000x1xf32>
    %broadcast_in_dim3A_44 = arith.constant 0.000000e+00 : f32
    %broadcast_in_dim3A_45 = vector.broadcast %broadcast_in_dim3A_44 : f32 to vector<1000x31xf32>
    %concatenate3A = tpu.concatenate %broadcast_in_dim3A_43, %broadcast_in_dim3A_45 in 1 : vector<1000x1xf32>, vector<1000x31xf32> -> vector<1000x32xf32>
    %concatenate3A_46 = tpu.concatenate %max3A_42, %concatenate3A in 1 : vector<1000x128xf32>, vector<1000x32xf32> -> vector<1000x160xf32>
    %convert_element_type3A_47 = arith.truncf %concatenate3A_46 : vector<1000x160xf32> to vector<1000x160xbf16>
    %swap3A = arith.constant 0 : index
    %swap3A_48 = arith.constant 0 : index
    %swap3A_49 = vector.load %arg6[%swap3A, %swap3A_48] : memref<1000x160xbf16, #tpu.memory_space<vmem>>, vector<1000x160xbf16>
    tpu.vector_store %arg6[%swap3A, %swap3A_48], %convert_element_type3A_47 {strides = array<i32>} : memref<1000x160xbf16, #tpu.memory_space<vmem>>, vector<1000x160xbf16>,
    return
  }
  func.func @transform_1(%arg0: i32) -> (i32, i32) {
    %c0_i32 = arith.constant 0 : i32
    %c0_i32_0 = arith.constant 0 : i32
    return %arg0, %c0_i32 : i32, i32
  }
  func.func @transform_2(%arg0: i32) -> (i32, i32) {
    %c0_i32 = arith.constant 0 : i32
    %c0_i32_0 = arith.constant 0 : i32
    %c0_i32_1 = arith.constant 0 : i32
    return %c0_i32, %c0_i32_0 : i32, i32
  }
  func.func @transform_3(%arg0: i32) -> (i32, i32) {
    %c0_i32 = arith.constant 0 : i32
    %c0_i32_0 = arith.constant 0 : i32
    %c0_i32_1 = arith.constant 0 : i32
    return %c0_i32, %c0_i32_0 : i32, i32
  }
  func.func @transform_4(%arg0: i32) -> (i32, i32) {
    %c0_i32 = arith.constant 0 : i32
    %c0_i32_0 = arith.constant 0 : i32
    %c0_i32_1 = arith.constant 0 : i32
    return %c0_i32, %c0_i32_0 : i32, i32
  }
  func.func @transform_5(%arg0: i32) -> (i32, i32) {
    %c0_i32 = arith.constant 0 : i32
    %c0_i32_0 = arith.constant 0 : i32
    return %arg0, %c0_i32 : i32, i32
  }
}

module attributes {stable_mosaic.version = 14 : i64} {
  func.func @_proj_e_body(%arg0: i32, %arg1: memref<400x128xf32, #tpu.memory_space<vmem>>, %arg2: memref<128x128xf32, #tpu.memory_space<vmem>>, %arg3: memref<1x128xf32, #tpu.memory_space<vmem>>, %arg4: memref<400x128xbf16, #tpu.memory_space<vmem>>) attributes {dimension_semantics = [#tpu.dimension_semantics<arbitrary>], iteration_bounds = array<i64: 25>, scalar_prefetch = 0 : i64, scratch_operands = 0 : i64, tpu.core_type = #tpu.core_type<tc>, window_params = [{transform_indices = @transform_0, window_bounds = array<i64: 400, 128>}, {pipeline_mode = #tpu.pipeline_mode<synchronous>, transform_indices = @transform_1, window_bounds = array<i64: 128, 128>}, {pipeline_mode = #tpu.pipeline_mode<synchronous>, transform_indices = @transform_2, window_bounds = array<i64: 1, 128>}, {transform_indices = @transform_3, window_bounds = array<i64: 400, 128>}]} {
    %get3A = arith.constant 0 : index
    %get3A_0 = arith.constant 0 : index
    %get3A_1 = vector.load %arg1[%get3A, %get3A_0] : memref<400x128xf32, #tpu.memory_space<vmem>>, vector<400x128xf32>
    %get3A_2 = arith.constant 0 : index
    %get3A_3 = arith.constant 0 : index
    %get3A_4 = vector.load %arg2[%get3A_2, %get3A_3] : memref<128x128xf32, #tpu.memory_space<vmem>>, vector<128x128xf32>
    %get3A_5 = arith.constant 0 : index
    %get3A_6 = arith.constant 0 : index
    %get3A_7 = vector.load %arg3[%get3A_5, %get3A_6] : memref<1x128xf32, #tpu.memory_space<vmem>>, vector<1x128xf32>
    %dot_general3A = arith.constant dense<0.000000e+00> : vector<400x128xf32>
    %dot_general3A_8 = tpu.matmul %get3A_1, %get3A_4, %dot_general3A {dimension_numbers = #tpu.dot_dimension_numbers<[1], [0], [0], [1], [0, 0, 1, 1], [], []>, transpose_lhs_hint = false} : vector<400x128xf32>, vector<128x128xf32>, vector<400x128xf32> -> vector<400x128xf32>
    %add3A = vector.broadcast %get3A_7 : vector<1x128xf32> to vector<400x128xf32>
    %add3A_9 = arith.addf %dot_general3A_8, %add3A : vector<400x128xf32>
    %gt3A = arith.constant 0.000000e+00 : f32
    %gt3A_10 = vector.broadcast %gt3A : f32 to vector<400x128xf32>
    %gt3A_11 = arith.cmpf ogt, %add3A_9, %gt3A_10 : vector<400x128xf32>
    %min3A = arith.constant 0.000000e+00 : f32
    %min3A_12 = vector.broadcast %min3A : f32 to vector<400x128xf32>
    %min3A_13 = arith.minimumf %add3A_9, %min3A_12 : vector<400x128xf32>
    %exp3A = math.exp %min3A_13 : vector<400x128xf32>
    %sub3A = arith.constant 1.000000e+00 : f32
    %sub3A_14 = vector.broadcast %sub3A : f32 to vector<400x128xf32>
    %sub3A_15 = arith.subf %exp3A, %sub3A_14 : vector<400x128xf32>
    %select_n3A = arith.select %gt3A_11, %add3A_9, %sub3A_15 : vector<400x128xi1>, vector<400x128xf32>
    %mul3A = arith.mulf %select_n3A, %select_n3A : vector<400x128xf32>
    %reduce_sum3A = arith.constant dense<0.000000e+00> : vector<400xf32>
    %reduce_sum3A_16 = vector.multi_reduction <add>, %mul3A, %reduce_sum3A [1] : vector<400x128xf32> to vector<400xf32>
    %broadcast_in_dim3A = vector.shape_cast %reduce_sum3A_16 : vector<400xf32> to vector<400x1xf32>
    %sqrt3A = math.sqrt %broadcast_in_dim3A : vector<400x1xf32>
    %max3A = arith.constant 9.99999996E-13 : f32
    %max3A_17 = vector.broadcast %max3A : f32 to vector<400x1xf32>
    %max3A_18 = arith.maximumf %sqrt3A, %max3A_17 : vector<400x1xf32>
    %div3A = vector.broadcast %max3A_18 : vector<400x1xf32> to vector<400x128xf32>
    %div3A_19 = arith.divf %select_n3A, %div3A : vector<400x128xf32>
    %mul3A_20 = arith.constant 1.41421354 : f32
    %mul3A_21 = vector.broadcast %mul3A_20 : f32 to vector<400x128xf32>
    %mul3A_22 = arith.mulf %div3A_19, %mul3A_21 : vector<400x128xf32>
    %convert_element_type3A = arith.truncf %mul3A_22 : vector<400x128xf32> to vector<400x128xbf16>
    %swap3A = arith.constant 0 : index
    %swap3A_23 = arith.constant 0 : index
    %swap3A_24 = vector.load %arg4[%swap3A, %swap3A_23] : memref<400x128xbf16, #tpu.memory_space<vmem>>, vector<400x128xbf16>
    tpu.vector_store %arg4[%swap3A, %swap3A_23], %convert_element_type3A {strides = array<i32>} : memref<400x128xbf16, #tpu.memory_space<vmem>>, vector<400x128xbf16>,
    return
  }
  func.func @transform_0(%arg0: i32) -> (i32, i32) {
    %c0_i32 = arith.constant 0 : i32
    %c0_i32_0 = arith.constant 0 : i32
    return %arg0, %c0_i32 : i32, i32
  }
  func.func @transform_1(%arg0: i32) -> (i32, i32) {
    %c0_i32 = arith.constant 0 : i32
    %c0_i32_0 = arith.constant 0 : i32
    %c0_i32_1 = arith.constant 0 : i32
    return %c0_i32, %c0_i32_0 : i32, i32
  }
  func.func @transform_2(%arg0: i32) -> (i32, i32) {
    %c0_i32 = arith.constant 0 : i32
    %c0_i32_0 = arith.constant 0 : i32
    %c0_i32_1 = arith.constant 0 : i32
    return %c0_i32, %c0_i32_0 : i32, i32
  }
  func.func @transform_3(%arg0: i32) -> (i32, i32) {
    %c0_i32 = arith.constant 0 : i32
    %c0_i32_0 = arith.constant 0 : i32
    return %arg0, %c0_i32 : i32, i32
  }
}

module attributes {stable_mosaic.version = 14 : i64} {
  func.func @_loss22_body(%arg0: i32, %arg1: i32, %arg2: memref<2000x128xbf16, #tpu.memory_space<vmem>>, %arg3: memref<2000x128xbf16, #tpu.memory_space<vmem>>, %arg4: memref<2000x5xf32, #tpu.memory_space<vmem>>, %arg5: memref<2000x5xf32, #tpu.memory_space<vmem>>, %arg6: memref<2000x5xf32, #tpu.memory_space<vmem>>, %arg7: memref<2000x5xf32, #tpu.memory_space<vmem>>) attributes {dimension_semantics = [#tpu.dimension_semantics<arbitrary>, #tpu.dimension_semantics<arbitrary>], iteration_bounds = array<i64: 5, 5>, scalar_prefetch = 0 : i64, scratch_operands = 2 : i64, tpu.core_type = #tpu.core_type<tc>, window_params = [{transform_indices = @transform_0, window_bounds = array<i64: 2000, 128>}, {transform_indices = @transform_1, window_bounds = array<i64: 2000, 128>}, {pipeline_mode = #tpu.pipeline_mode<synchronous>, transform_indices = @transform_2, window_bounds = array<i64: 2000, 5>}, {pipeline_mode = #tpu.pipeline_mode<synchronous>, transform_indices = @transform_3, window_bounds = array<i64: 2000, 5>}]} {
    %get3A = arith.constant 0 : index
    %get3A_0 = arith.constant 0 : index
    %get3A_1 = vector.load %arg2[%get3A, %get3A_0] : memref<2000x128xbf16, #tpu.memory_space<vmem>>, vector<2000x128xbf16>
    %eq3A = arith.constant 0 : i32
    %eq3A_2 = arith.cmpi eq, %arg0, %eq3A : i32
    %eq3A_3 = arith.constant 0 : i32
    %eq3A_4 = arith.cmpi eq, %arg1, %eq3A_3 : i32
    %and3A = arith.andi %eq3A_2, %eq3A_4 : i1
    %convert_element_type3A = arith.extui %and3A : i1 to i32
    %cond3A = arith.constant 0 : i32
    %cond3A_5 = arith.cmpi ne, %convert_element_type3A, %cond3A : i32
    scf.if %cond3A_5 {
      %broadcast_in_dim3A_37 = arith.constant 0.000000e+00 : f32
      %broadcast_in_dim3A_38 = vector.broadcast %broadcast_in_dim3A_37 : f32 to vector<2000x5xf32>
      %swap3A_39 = arith.constant 0 : index
      %swap3A_40 = arith.constant 0 : index
      %swap3A_41 = vector.load %arg6[%swap3A_39, %swap3A_40] : memref<2000x5xf32, #tpu.memory_space<vmem>>, vector<2000x5xf32>
      tpu.vector_store %arg6[%swap3A_39, %swap3A_40], %broadcast_in_dim3A_38 {strides = array<i32>} : memref<2000x5xf32, #tpu.memory_space<vmem>>, vector<2000x5xf32>,
      %broadcast_in_dim3A_42 = arith.constant 0.000000e+00 : f32
      %broadcast_in_dim3A_43 = vector.broadcast %broadcast_in_dim3A_42 : f32 to vector<2000x5xf32>
      %swap3A_44 = arith.constant 0 : index
      %swap3A_45 = arith.constant 0 : index
      %swap3A_46 = vector.load %arg7[%swap3A_44, %swap3A_45] : memref<2000x5xf32, #tpu.memory_space<vmem>>, vector<2000x5xf32>
      tpu.vector_store %arg7[%swap3A_44, %swap3A_45], %broadcast_in_dim3A_43 {strides = array<i32>} : memref<2000x5xf32, #tpu.memory_space<vmem>>, vector<2000x5xf32>,
    } else {
    }
    %get3A_6 = arith.constant 0 : index
    %get3A_7 = arith.constant 0 : index
    %get3A_8 = vector.load %arg3[%get3A_6, %get3A_7] : memref<2000x128xbf16, #tpu.memory_space<vmem>>, vector<2000x128xbf16>
    %dot_general3A = arith.constant dense<0.000000e+00> : vector<2000x2000xf32>
    %dot_general3A_9 = tpu.matmul %get3A_1, %get3A_8, %dot_general3A {dimension_numbers = #tpu.dot_dimension_numbers<[1], [1], [0], [0], [0, 0, 1, 0], [], []>, transpose_lhs_hint = false} : vector<2000x128xbf16>, vector<2000x128xbf16>, vector<2000x2000xf32> -> vector<2000x2000xf32>
    %exp3A = math.exp %dot_general3A_9 : vector<2000x2000xf32>
    %get3A_10 = arith.constant 0 : index
    %get3A_11 = arith.constant 0 : index
    %get3A_12 = vector.load %arg6[%get3A_10, %get3A_11] : memref<2000x5xf32, #tpu.memory_space<vmem>>, vector<2000x5xf32>
    %broadcast_in_dim3A = arith.constant 1.000000e+00 : f32
    %broadcast_in_dim3A_13 = vector.broadcast %broadcast_in_dim3A : f32 to vector<2000x8xf32>
    %dot_general3A_14 = arith.constant dense<0.000000e+00> : vector<2000x8xf32>
    %dot_general3A_15 = tpu.matmul %exp3A, %broadcast_in_dim3A_13, %dot_general3A_14 {dimension_numbers = #tpu.dot_dimension_numbers<[1], [0], [0], [1], [0, 0, 1, 1], [], []>, transpose_lhs_hint = false} : vector<2000x2000xf32>, vector<2000x8xf32>, vector<2000x8xf32> -> vector<2000x8xf32>
    %slice3A = vector.extract_strided_slice %dot_general3A_15 {offsets = [0, 0], sizes = [2000, 1], strides = [1, 1]} : vector<2000x8xf32> to vector<2000x1xf32>
    %iota3A = tpu.iota {dimensions = array<i32: 1>} : vector<1x5xi32>
    %eq3A_16 = vector.broadcast %arg0 : i32 to vector<1x5xi32>
    %eq3A_17 = arith.cmpi eq, %iota3A, %eq3A_16 : vector<1x5xi32>
    %convert_element_type3A_18 = arith.extui %eq3A_17 : vector<1x5xi1> to vector<1x5xi32>
    %convert_element_type3A_19 = arith.sitofp %convert_element_type3A_18 : vector<1x5xi32> to vector<1x5xf32>
    %mul3A = vector.broadcast %slice3A : vector<2000x1xf32> to vector<2000x5xf32>
    %mul3A_20 = vector.broadcast %convert_element_type3A_19 : vector<1x5xf32> to vector<2000x5xf32>
    %mul3A_21 = arith.mulf %mul3A, %mul3A_20 : vector<2000x5xf32>
    %add3A = arith.addf %get3A_12, %mul3A_21 : vector<2000x5xf32>
    %swap3A = arith.constant 0 : index
    %swap3A_22 = arith.constant 0 : index
    %swap3A_23 = vector.load %arg6[%swap3A, %swap3A_22] : memref<2000x5xf32, #tpu.memory_space<vmem>>, vector<2000x5xf32>
    tpu.vector_store %arg6[%swap3A, %swap3A_22], %add3A {strides = array<i32>} : memref<2000x5xf32, #tpu.memory_space<vmem>>, vector<2000x5xf32>,
    %eq3A_24 = arith.constant 0 : i32
    %eq3A_25 = arith.cmpi eq, %arg1, %eq3A_24 : i32
    %convert_element_type3A_26 = arith.extui %eq3A_25 : i1 to i32
    %cond3A_27 = arith.constant 0 : i32
    %cond3A_28 = arith.cmpi ne, %convert_element_type3A_26, %cond3A_27 : i32
    scf.if %cond3A_28 {
      %convert_element_type3A_37 = arith.extf %get3A_1 : vector<2000x128xbf16> to vector<2000x128xf32>
      %mul3A_38 = arith.mulf %convert_element_type3A_37, %convert_element_type3A_37 : vector<2000x128xf32>
      %reduce_sum3A = arith.constant dense<0.000000e+00> : vector<2000xf32>
      %reduce_sum3A_39 = vector.multi_reduction <add>, %mul3A_38, %reduce_sum3A [1] : vector<2000x128xf32> to vector<2000xf32>
      %broadcast_in_dim3A_40 = vector.shape_cast %reduce_sum3A_39 : vector<2000xf32> to vector<2000x1xf32>
      %exp3A_41 = math.exp %broadcast_in_dim3A_40 : vector<2000x1xf32>
      %get3A_42 = arith.constant 0 : index
      %get3A_43 = arith.constant 0 : index
      %get3A_44 = vector.load %arg7[%get3A_42, %get3A_43] : memref<2000x5xf32, #tpu.memory_space<vmem>>, vector<2000x5xf32>
      %iota3A_45 = tpu.iota {dimensions = array<i32: 1>} : vector<1x5xi32>
      %eq3A_46 = vector.broadcast %arg0 : i32 to vector<1x5xi32>
      %eq3A_47 = arith.cmpi eq, %iota3A_45, %eq3A_46 : vector<1x5xi32>
      %convert_element_type3A_48 = arith.extui %eq3A_47 : vector<1x5xi1> to vector<1x5xi32>
      %convert_element_type3A_49 = arith.sitofp %convert_element_type3A_48 : vector<1x5xi32> to vector<1x5xf32>
      %mul3A_50 = vector.broadcast %exp3A_41 : vector<2000x1xf32> to vector<2000x5xf32>
      %mul3A_51 = vector.broadcast %convert_element_type3A_49 : vector<1x5xf32> to vector<2000x5xf32>
      %mul3A_52 = arith.mulf %mul3A_50, %mul3A_51 : vector<2000x5xf32>
      %add3A_53 = arith.addf %get3A_44, %mul3A_52 : vector<2000x5xf32>
      %swap3A_54 = arith.constant 0 : index
      %swap3A_55 = arith.constant 0 : index
      %swap3A_56 = vector.load %arg7[%swap3A_54, %swap3A_55] : memref<2000x5xf32, #tpu.memory_space<vmem>>, vector<2000x5xf32>
      tpu.vector_store %arg7[%swap3A_54, %swap3A_55], %add3A_53 {strides = array<i32>} : memref<2000x5xf32, #tpu.memory_space<vmem>>, vector<2000x5xf32>,
    } else {
    }
    %eq3A_29 = arith.constant 4 : i32
    %eq3A_30 = arith.cmpi eq, %arg0, %eq3A_29 : i32
    %eq3A_31 = arith.constant 4 : i32
    %eq3A_32 = arith.cmpi eq, %arg1, %eq3A_31 : i32
    %and3A_33 = arith.andi %eq3A_30, %eq3A_32 : i1
    %convert_element_type3A_34 = arith.extui %and3A_33 : i1 to i32
    %cond3A_35 = arith.constant 0 : i32
    %cond3A_36 = arith.cmpi ne, %convert_element_type3A_34, %cond3A_35 : i32
    scf.if %cond3A_36 {
      %get3A_37 = arith.constant 0 : index
      %get3A_38 = arith.constant 0 : index
      %get3A_39 = vector.load %arg6[%get3A_37, %get3A_38] : memref<2000x5xf32, #tpu.memory_space<vmem>>, vector<2000x5xf32>
      %swap3A_40 = arith.constant 0 : index
      %swap3A_41 = arith.constant 0 : index
      %swap3A_42 = vector.load %arg4[%swap3A_40, %swap3A_41] : memref<2000x5xf32, #tpu.memory_space<vmem>>, vector<2000x5xf32>
      tpu.vector_store %arg4[%swap3A_40, %swap3A_41], %get3A_39 {strides = array<i32>} : memref<2000x5xf32, #tpu.memory_space<vmem>>, vector<2000x5xf32>,
      %get3A_43 = arith.constant 0 : index
      %get3A_44 = arith.constant 0 : index
      %get3A_45 = vector.load %arg7[%get3A_43, %get3A_44] : memref<2000x5xf32, #tpu.memory_space<vmem>>, vector<2000x5xf32>
      %swap3A_46 = arith.constant 0 : index
      %swap3A_47 = arith.constant 0 : index
      %swap3A_48 = vector.load %arg5[%swap3A_46, %swap3A_47] : memref<2000x5xf32, #tpu.memory_space<vmem>>, vector<2000x5xf32>
      tpu.vector_store %arg5[%swap3A_46, %swap3A_47], %get3A_45 {strides = array<i32>} : memref<2000x5xf32, #tpu.memory_space<vmem>>, vector<2000x5xf32>,
    } else {
    }
    return
  }
  func.func @transform_0(%arg0: i32, %arg1: i32) -> (i32, i32) {
    %c0_i32 = arith.constant 0 : i32
    %c0_i32_0 = arith.constant 0 : i32
    return %arg0, %c0_i32 : i32, i32
  }
  func.func @transform_1(%arg0: i32, %arg1: i32) -> (i32, i32) {
    %c0_i32 = arith.constant 0 : i32
    %c0_i32_0 = arith.constant 0 : i32
    return %arg1, %c0_i32 : i32, i32
  }
  func.func @transform_2(%arg0: i32, %arg1: i32) -> (i32, i32) {
    %c0_i32 = arith.constant 0 : i32
    %c0_i32_0 = arith.constant 0 : i32
    %c0_i32_1 = arith.constant 0 : i32
    return %c0_i32, %c0_i32_0 : i32, i32
  }
  func.func @transform_3(%arg0: i32, %arg1: i32) -> (i32, i32) {
    %c0_i32 = arith.constant 0 : i32
    %c0_i32_0 = arith.constant 0 : i32
    %c0_i32_1 = arith.constant 0 : i32
    return %c0_i32, %c0_i32_0 : i32, i32
  }
}

module attributes {stable_mosaic.version = 14 : i64} {
  func.func @_sage_proj_body(%arg0: i32, %arg1: memref<20000x160xbf16, #tpu.memory_space<hbm>>, %arg2: memref<1000x160xbf16, #tpu.memory_space<vmem>>, %arg3: memref<128x128xf32, #tpu.memory_space<vmem>>, %arg4: memref<128x128xf32, #tpu.memory_space<vmem>>, %arg5: memref<1x128xf32, #tpu.memory_space<vmem>>, %arg6: memref<128x128xf32, #tpu.memory_space<vmem>>, %arg7: memref<1x128xf32, #tpu.memory_space<vmem>>, %arg8: memref<1000x128xbf16, #tpu.memory_space<vmem>>, %arg9: memref<1000x160xbf16, #tpu.memory_space<vmem>>, %arg10: memref<1000x160xbf16, #tpu.memory_space<vmem>>, %arg11: memref<!tpu.dma_semaphore, #tpu.memory_space<semaphore_mem>>, %arg12: memref<!tpu.dma_semaphore, #tpu.memory_space<semaphore_mem>>) attributes {dimension_semantics = [#tpu.dimension_semantics<arbitrary>], iteration_bounds = array<i64: 10>, scalar_prefetch = 0 : i64, scratch_operands = 4 : i64, tpu.core_type = #tpu.core_type<tc>, window_params = [{}, {transform_indices = @transform_1, window_bounds = array<i64: 1000, 160>}, {pipeline_mode = #tpu.pipeline_mode<synchronous>, transform_indices = @transform_2, window_bounds = array<i64: 128, 128>}, {pipeline_mode = #tpu.pipeline_mode<synchronous>, transform_indices = @transform_3, window_bounds = array<i64: 128, 128>}, {pipeline_mode = #tpu.pipeline_mode<synchronous>, transform_indices = @transform_4, window_bounds = array<i64: 1, 128>}, {pipeline_mode = #tpu.pipeline_mode<synchronous>, transform_indices = @transform_5, window_bounds = array<i64: 128, 128>}, {pipeline_mode = #tpu.pipeline_mode<synchronous>, transform_indices = @transform_6, window_bounds = array<i64: 1, 128>}, {transform_indices = @transform_7, window_bounds = array<i64: 1000, 128>}]} {
    %mul3A = arith.constant 1000 : i32
    %mul3A_0 = arith.muli %arg0, %mul3A : i32
    %dma_start3A = arith.constant 0 : i32
    %dma_start3A_1 = tpu.memref_slice %arg1[%mul3A_0, %dma_start3A] : memref<20000x160xbf16, #tpu.memory_space<hbm>> -> memref<1000x160xbf16, #tpu.memory_space<hbm>>
    tpu.enqueue_dma source(%dma_start3A_1 : memref<1000x160xbf16, #tpu.memory_space<hbm>>) target(%arg9 : memref<1000x160xbf16, #tpu.memory_space<vmem>>) target_semaphore(%arg11 : memref<!tpu.dma_semaphore, #tpu.memory_space<semaphore_mem>>)
    %mul3A_2 = arith.constant 1000 : i32
    %mul3A_3 = arith.muli %arg0, %mul3A_2 : i32
    %add3A = arith.constant 10000 : i32
    %add3A_4 = arith.addi %add3A, %mul3A_3 : i32
    %dma_start3A_5 = arith.constant 0 : i32
    %dma_start3A_6 = tpu.memref_slice %arg1[%add3A_4, %dma_start3A_5] : memref<20000x160xbf16, #tpu.memory_space<hbm>> -> memref<1000x160xbf16, #tpu.memory_space<hbm>>
    tpu.enqueue_dma source(%dma_start3A_6 : memref<1000x160xbf16, #tpu.memory_space<hbm>>) target(%arg10 : memref<1000x160xbf16, #tpu.memory_space<vmem>>) target_semaphore(%arg12 : memref<!tpu.dma_semaphore, #tpu.memory_space<semaphore_mem>>)
    %dma_wait3A = arith.constant 0 : i32
    %dma_wait3A_7 = tpu.memref_slice %arg1[%mul3A_0, %dma_wait3A] : memref<20000x160xbf16, #tpu.memory_space<hbm>> -> memref<1000x160xbf16, #tpu.memory_space<hbm>>
    tpu.wait_dma2 semaphore(%arg11 : memref<!tpu.dma_semaphore, #tpu.memory_space<semaphore_mem>>) src(%dma_wait3A_7 : memref<1000x160xbf16, #tpu.memory_space<hbm>>) dst(%arg9 : memref<1000x160xbf16, #tpu.memory_space<vmem>>)
    %dma_wait3A_8 = arith.constant 0 : i32
    %dma_wait3A_9 = tpu.memref_slice %arg1[%add3A_4, %dma_wait3A_8] : memref<20000x160xbf16, #tpu.memory_space<hbm>> -> memref<1000x160xbf16, #tpu.memory_space<hbm>>
    tpu.wait_dma2 semaphore(%arg12 : memref<!tpu.dma_semaphore, #tpu.memory_space<semaphore_mem>>) src(%dma_wait3A_9 : memref<1000x160xbf16, #tpu.memory_space<hbm>>) dst(%arg10 : memref<1000x160xbf16, #tpu.memory_space<vmem>>)
    %get3A = arith.constant 0 : index
    %get3A_10 = arith.constant 0 : index
    %get3A_11 = vector.load %arg9[%get3A, %get3A_10] : memref<1000x160xbf16, #tpu.memory_space<vmem>>, vector<1000x160xbf16>
    %convert_element_type3A = arith.extf %get3A_11 : vector<1000x160xbf16> to vector<1000x160xf32>
    %get3A_12 = arith.constant 0 : index
    %get3A_13 = arith.constant 0 : index
    %get3A_14 = vector.load %arg10[%get3A_12, %get3A_13] : memref<1000x160xbf16, #tpu.memory_space<vmem>>, vector<1000x160xbf16>
    %convert_element_type3A_15 = arith.extf %get3A_14 : vector<1000x160xbf16> to vector<1000x160xf32>
    %add3A_16 = arith.addf %convert_element_type3A, %convert_element_type3A_15 : vector<1000x160xf32>
    %slice3A = vector.extract_strided_slice %add3A_16 {offsets = [0, 128], sizes = [1000, 1], strides = [1, 1]} : vector<1000x160xf32> to vector<1000x1xf32>
    %max3A = arith.constant 1.000000e+00 : f32
    %max3A_17 = vector.broadcast %max3A : f32 to vector<1000x1xf32>
    %max3A_18 = arith.maximumf %slice3A, %max3A_17 : vector<1000x1xf32>
    %slice3A_19 = vector.extract_strided_slice %add3A_16 {offsets = [0, 0], sizes = [1000, 128], strides = [1, 1]} : vector<1000x160xf32> to vector<1000x128xf32>
    %div3A = vector.broadcast %max3A_18 : vector<1000x1xf32> to vector<1000x128xf32>
    %div3A_20 = arith.divf %slice3A_19, %div3A : vector<1000x128xf32>
    %get3A_21 = arith.constant 0 : index
    %get3A_22 = arith.constant 0 : index
    %get3A_23 = vector.load %arg2[%get3A_21, %get3A_22] : memref<1000x160xbf16, #tpu.memory_space<vmem>>, vector<1000x128xbf16>
    %convert_element_type3A_24 = arith.extf %get3A_23 : vector<1000x128xbf16> to vector<1000x128xf32>
    %get3A_25 = arith.constant 0 : index
    %get3A_26 = arith.constant 0 : index
    %get3A_27 = vector.load %arg3[%get3A_25, %get3A_26] : memref<128x128xf32, #tpu.memory_space<vmem>>, vector<128x128xf32>
    %dot_general3A = arith.constant dense<0.000000e+00> : vector<1000x128xf32>
    %dot_general3A_28 = tpu.matmul %convert_element_type3A_24, %get3A_27, %dot_general3A {dimension_numbers = #tpu.dot_dimension_numbers<[1], [0], [0], [1], [0, 0, 1, 1], [], []>, transpose_lhs_hint = false} : vector<1000x128xf32>, vector<128x128xf32>, vector<1000x128xf32> -> vector<1000x128xf32>
    %get3A_29 = arith.constant 0 : index
    %get3A_30 = arith.constant 0 : index
    %get3A_31 = vector.load %arg4[%get3A_29, %get3A_30] : memref<128x128xf32, #tpu.memory_space<vmem>>, vector<128x128xf32>
    %dot_general3A_32 = arith.constant dense<0.000000e+00> : vector<1000x128xf32>
    %dot_general3A_33 = tpu.matmul %div3A_20, %get3A_31, %dot_general3A_32 {dimension_numbers = #tpu.dot_dimension_numbers<[1], [0], [0], [1], [0, 0, 1, 1], [], []>, transpose_lhs_hint = false} : vector<1000x128xf32>, vector<128x128xf32>, vector<1000x128xf32> -> vector<1000x128xf32>
    %add3A_34 = arith.addf %dot_general3A_28, %dot_general3A_33 : vector<1000x128xf32>
    %get3A_35 = arith.constant 0 : index
    %get3A_36 = arith.constant 0 : index
    %get3A_37 = vector.load %arg5[%get3A_35, %get3A_36] : memref<1x128xf32, #tpu.memory_space<vmem>>, vector<1x128xf32>
    %add3A_38 = vector.broadcast %get3A_37 : vector<1x128xf32> to vector<1000x128xf32>
    %add3A_39 = arith.addf %add3A_34, %add3A_38 : vector<1000x128xf32>
    %max3A_40 = arith.constant 0.000000e+00 : f32
    %max3A_41 = vector.broadcast %max3A_40 : f32 to vector<1000x128xf32>
    %max3A_42 = arith.maximumf %add3A_39, %max3A_41 : vector<1000x128xf32>
    %get3A_43 = arith.constant 0 : index
    %get3A_44 = arith.constant 0 : index
    %get3A_45 = vector.load %arg6[%get3A_43, %get3A_44] : memref<128x128xf32, #tpu.memory_space<vmem>>, vector<128x128xf32>
    %get3A_46 = arith.constant 0 : index
    %get3A_47 = arith.constant 0 : index
    %get3A_48 = vector.load %arg7[%get3A_46, %get3A_47] : memref<1x128xf32, #tpu.memory_space<vmem>>, vector<1x128xf32>
    %dot_general3A_49 = arith.constant dense<0.000000e+00> : vector<1000x128xf32>
    %dot_general3A_50 = tpu.matmul %max3A_42, %get3A_45, %dot_general3A_49 {dimension_numbers = #tpu.dot_dimension_numbers<[1], [0], [0], [1], [0, 0, 1, 1], [], []>, transpose_lhs_hint = false} : vector<1000x128xf32>, vector<128x128xf32>, vector<1000x128xf32> -> vector<1000x128xf32>
    %add3A_51 = vector.broadcast %get3A_48 : vector<1x128xf32> to vector<1000x128xf32>
    %add3A_52 = arith.addf %dot_general3A_50, %add3A_51 : vector<1000x128xf32>
    %gt3A = arith.constant 0.000000e+00 : f32
    %gt3A_53 = vector.broadcast %gt3A : f32 to vector<1000x128xf32>
    %gt3A_54 = arith.cmpf ogt, %add3A_52, %gt3A_53 : vector<1000x128xf32>
    %min3A = arith.constant 0.000000e+00 : f32
    %min3A_55 = vector.broadcast %min3A : f32 to vector<1000x128xf32>
    %min3A_56 = arith.minimumf %add3A_52, %min3A_55 : vector<1000x128xf32>
    %exp3A = math.exp %min3A_56 : vector<1000x128xf32>
    %sub3A = arith.constant 1.000000e+00 : f32
    %sub3A_57 = vector.broadcast %sub3A : f32 to vector<1000x128xf32>
    %sub3A_58 = arith.subf %exp3A, %sub3A_57 : vector<1000x128xf32>
    %select_n3A = arith.select %gt3A_54, %add3A_52, %sub3A_58 : vector<1000x128xi1>, vector<1000x128xf32>
    %mul3A_59 = arith.mulf %select_n3A, %select_n3A : vector<1000x128xf32>
    %reduce_sum3A = arith.constant dense<0.000000e+00> : vector<1000xf32>
    %reduce_sum3A_60 = vector.multi_reduction <add>, %mul3A_59, %reduce_sum3A [1] : vector<1000x128xf32> to vector<1000xf32>
    %broadcast_in_dim3A = vector.shape_cast %reduce_sum3A_60 : vector<1000xf32> to vector<1000x1xf32>
    %sqrt3A = math.sqrt %broadcast_in_dim3A : vector<1000x1xf32>
    %max3A_61 = arith.constant 9.99999996E-13 : f32
    %max3A_62 = vector.broadcast %max3A_61 : f32 to vector<1000x1xf32>
    %max3A_63 = arith.maximumf %sqrt3A, %max3A_62 : vector<1000x1xf32>
    %div3A_64 = vector.broadcast %max3A_63 : vector<1000x1xf32> to vector<1000x128xf32>
    %div3A_65 = arith.divf %select_n3A, %div3A_64 : vector<1000x128xf32>
    %mul3A_66 = arith.constant 1.41421354 : f32
    %mul3A_67 = vector.broadcast %mul3A_66 : f32 to vector<1000x128xf32>
    %mul3A_68 = arith.mulf %div3A_65, %mul3A_67 : vector<1000x128xf32>
    %convert_element_type3A_69 = arith.truncf %mul3A_68 : vector<1000x128xf32> to vector<1000x128xbf16>
    %swap3A = arith.constant 0 : index
    %swap3A_70 = arith.constant 0 : index
    %swap3A_71 = vector.load %arg8[%swap3A, %swap3A_70] : memref<1000x128xbf16, #tpu.memory_space<vmem>>, vector<1000x128xbf16>
    tpu.vector_store %arg8[%swap3A, %swap3A_70], %convert_element_type3A_69 {strides = array<i32>} : memref<1000x128xbf16, #tpu.memory_space<vmem>>, vector<1000x128xbf16>,
    return
  }
  func.func @transform_1(%arg0: i32) -> (i32, i32) {
    %c0_i32 = arith.constant 0 : i32
    %c0_i32_0 = arith.constant 0 : i32
    return %arg0, %c0_i32 : i32, i32
  }
  func.func @transform_2(%arg0: i32) -> (i32, i32) {
    %c0_i32 = arith.constant 0 : i32
    %c0_i32_0 = arith.constant 0 : i32
    %c0_i32_1 = arith.constant 0 : i32
    return %c0_i32, %c0_i32_0 : i32, i32
  }
  func.func @transform_3(%arg0: i32) -> (i32, i32) {
    %c0_i32 = arith.constant 0 : i32
    %c0_i32_0 = arith.constant 0 : i32
    %c0_i32_1 = arith.constant 0 : i32
    return %c0_i32, %c0_i32_0 : i32, i32
  }
  func.func @transform_4(%arg0: i32) -> (i32, i32) {
    %c0_i32 = arith.constant 0 : i32
    %c0_i32_0 = arith.constant 0 : i32
    %c0_i32_1 = arith.constant 0 : i32
    return %c0_i32, %c0_i32_0 : i32, i32
  }
  func.func @transform_5(%arg0: i32) -> (i32, i32) {
    %c0_i32 = arith.constant 0 : i32
    %c0_i32_0 = arith.constant 0 : i32
    %c0_i32_1 = arith.constant 0 : i32
    return %c0_i32, %c0_i32_0 : i32, i32
  }
  func.func @transform_6(%arg0: i32) -> (i32, i32) {
    %c0_i32 = arith.constant 0 : i32
    %c0_i32_0 = arith.constant 0 : i32
    %c0_i32_1 = arith.constant 0 : i32
    return %c0_i32, %c0_i32_0 : i32, i32
  }
  func.func @transform_7(%arg0: i32) -> (i32, i32) {
    %c0_i32 = arith.constant 0 : i32
    %c0_i32_0 = arith.constant 0 : i32
    return %arg0, %c0_i32 : i32, i32
  }
}

module attributes {stable_mosaic.version = 14 : i64} {
  func.func @_loss_body(%arg0: i32, %arg1: i32, %arg2: memref<2000x128xbf16, #tpu.memory_space<vmem>>, %arg3: memref<2000x128xbf16, #tpu.memory_space<vmem>>, %arg4: memref<2000x128xbf16, #tpu.memory_space<vmem>>, %arg5: memref<2000x128xbf16, #tpu.memory_space<vmem>>, %arg6: memref<2000x5xf32, #tpu.memory_space<vmem>>, %arg7: memref<2000x5xf32, #tpu.memory_space<vmem>>, %arg8: memref<1x1xf32, #tpu.memory_space<smem>>, %arg9: memref<2000x5xf32, #tpu.memory_space<vmem>>, %arg10: memref<5x2000xf32, #tpu.memory_space<vmem>>, %arg11: memref<2000x5xf32, #tpu.memory_space<vmem>>, %arg12: memref<5x2000xf32, #tpu.memory_space<vmem>>, %arg13: memref<2000x5xf32, #tpu.memory_space<vmem>>, %arg14: memref<2000x5xf32, #tpu.memory_space<vmem>>) attributes {dimension_semantics = [#tpu.dimension_semantics<arbitrary>, #tpu.dimension_semantics<arbitrary>], iteration_bounds = array<i64: 5, 5>, scalar_prefetch = 0 : i64, scratch_operands = 6 : i64, tpu.core_type = #tpu.core_type<tc>, window_params = [{transform_indices = @transform_0, window_bounds = array<i64: 2000, 128>}, {transform_indices = @transform_1, window_bounds = array<i64: 2000, 128>}, {transform_indices = @transform_2, window_bounds = array<i64: 2000, 128>}, {transform_indices = @transform_3, window_bounds = array<i64: 2000, 128>}, {pipeline_mode = #tpu.pipeline_mode<synchronous>, transform_indices = @transform_4, window_bounds = array<i64: 2000, 5>}, {pipeline_mode = #tpu.pipeline_mode<synchronous>, transform_indices = @transform_5, window_bounds = array<i64: 2000, 5>}, {transform_indices = @transform_6, window_bounds = array<i64: 1, 1>}]} {
    %get3A = arith.constant 0 : index
    %get3A_0 = arith.constant 0 : index
    %get3A_1 = vector.load %arg2[%get3A, %get3A_0] : memref<2000x128xbf16, #tpu.memory_space<vmem>>, vector<2000x128xbf16>
    %get3A_2 = arith.constant 0 : index
    %get3A_3 = arith.constant 0 : index
    %get3A_4 = vector.load %arg3[%get3A_2, %get3A_3] : memref<2000x128xbf16, #tpu.memory_space<vmem>>, vector<2000x128xbf16>
    %get3A_5 = arith.constant 0 : index
    %get3A_6 = arith.constant 0 : index
    %get3A_7 = vector.load %arg4[%get3A_5, %get3A_6] : memref<2000x128xbf16, #tpu.memory_space<vmem>>, vector<2000x128xbf16>
    %get3A_8 = arith.constant 0 : index
    %get3A_9 = arith.constant 0 : index
    %get3A_10 = vector.load %arg5[%get3A_8, %get3A_9] : memref<2000x128xbf16, #tpu.memory_space<vmem>>, vector<2000x128xbf16>
    %eq3A = arith.constant 0 : i32
    %eq3A_11 = arith.cmpi eq, %arg0, %eq3A : i32
    %eq3A_12 = arith.constant 0 : i32
    %eq3A_13 = arith.cmpi eq, %arg1, %eq3A_12 : i32
    %and3A = arith.andi %eq3A_11, %eq3A_13 : i1
    %convert_element_type3A = arith.extui %and3A : i1 to i32
    %cond3A = arith.constant 0 : i32
    %cond3A_14 = arith.cmpi ne, %convert_element_type3A, %cond3A : i32
    scf.if %cond3A_14 {
      %broadcast_in_dim3A_66 = arith.constant 0.000000e+00 : f32
      %broadcast_in_dim3A_67 = vector.broadcast %broadcast_in_dim3A_66 : f32 to vector<2000x5xf32>
      %swap3A_68 = arith.constant 0 : index
      %swap3A_69 = arith.constant 0 : index
      %swap3A_70 = vector.load %arg9[%swap3A_68, %swap3A_69] : memref<2000x5xf32, #tpu.memory_space<vmem>>, vector<2000x5xf32>
      tpu.vector_store %arg9[%swap3A_68, %swap3A_69], %broadcast_in_dim3A_67 {strides = array<i32>} : memref<2000x5xf32, #tpu.memory_space<vmem>>, vector<2000x5xf32>,
      %broadcast_in_dim3A_71 = arith.constant 0.000000e+00 : f32
      %broadcast_in_dim3A_72 = vector.broadcast %broadcast_in_dim3A_71 : f32 to vector<5x2000xf32>
      %swap3A_73 = arith.constant 0 : index
      %swap3A_74 = arith.constant 0 : index
      %swap3A_75 = vector.load %arg10[%swap3A_73, %swap3A_74] : memref<5x2000xf32, #tpu.memory_space<vmem>>, vector<5x2000xf32>
      tpu.vector_store %arg10[%swap3A_73, %swap3A_74], %broadcast_in_dim3A_72 {strides = array<i32>} : memref<5x2000xf32, #tpu.memory_space<vmem>>, vector<5x2000xf32>,
      %broadcast_in_dim3A_76 = arith.constant 0.000000e+00 : f32
      %broadcast_in_dim3A_77 = vector.broadcast %broadcast_in_dim3A_76 : f32 to vector<2000x5xf32>
      %swap3A_78 = arith.constant 0 : index
      %swap3A_79 = arith.constant 0 : index
      %swap3A_80 = vector.load %arg11[%swap3A_78, %swap3A_79] : memref<2000x5xf32, #tpu.memory_space<vmem>>, vector<2000x5xf32>
      tpu.vector_store %arg11[%swap3A_78, %swap3A_79], %broadcast_in_dim3A_77 {strides = array<i32>} : memref<2000x5xf32, #tpu.memory_space<vmem>>, vector<2000x5xf32>,
      %broadcast_in_dim3A_81 = arith.constant 0.000000e+00 : f32
      %broadcast_in_dim3A_82 = vector.broadcast %broadcast_in_dim3A_81 : f32 to vector<5x2000xf32>
      %swap3A_83 = arith.constant 0 : index
      %swap3A_84 = arith.constant 0 : index
      %swap3A_85 = vector.load %arg12[%swap3A_83, %swap3A_84] : memref<5x2000xf32, #tpu.memory_space<vmem>>, vector<5x2000xf32>
      tpu.vector_store %arg12[%swap3A_83, %swap3A_84], %broadcast_in_dim3A_82 {strides = array<i32>} : memref<5x2000xf32, #tpu.memory_space<vmem>>, vector<5x2000xf32>,
      %broadcast_in_dim3A_86 = arith.constant 0.000000e+00 : f32
      %broadcast_in_dim3A_87 = vector.broadcast %broadcast_in_dim3A_86 : f32 to vector<2000x5xf32>
      %swap3A_88 = arith.constant 0 : index
      %swap3A_89 = arith.constant 0 : index
      %swap3A_90 = vector.load %arg13[%swap3A_88, %swap3A_89] : memref<2000x5xf32, #tpu.memory_space<vmem>>, vector<2000x5xf32>
      tpu.vector_store %arg13[%swap3A_88, %swap3A_89], %broadcast_in_dim3A_87 {strides = array<i32>} : memref<2000x5xf32, #tpu.memory_space<vmem>>, vector<2000x5xf32>,
      %broadcast_in_dim3A_91 = arith.constant 0.000000e+00 : f32
      %broadcast_in_dim3A_92 = vector.broadcast %broadcast_in_dim3A_91 : f32 to vector<2000x5xf32>
      %swap3A_93 = arith.constant 0 : index
      %swap3A_94 = arith.constant 0 : index
      %swap3A_95 = vector.load %arg14[%swap3A_93, %swap3A_94] : memref<2000x5xf32, #tpu.memory_space<vmem>>, vector<2000x5xf32>
      tpu.vector_store %arg14[%swap3A_93, %swap3A_94], %broadcast_in_dim3A_92 {strides = array<i32>} : memref<2000x5xf32, #tpu.memory_space<vmem>>, vector<2000x5xf32>,
    } else {
    }
    %dot_general3A = arith.constant dense<0.000000e+00> : vector<2000x2000xf32>
    %dot_general3A_15 = tpu.matmul %get3A_1, %get3A_10, %dot_general3A {dimension_numbers = #tpu.dot_dimension_numbers<[1], [1], [0], [0], [0, 0, 1, 0], [], []>, transpose_lhs_hint = false} : vector<2000x128xbf16>, vector<2000x128xbf16>, vector<2000x2000xf32> -> vector<2000x2000xf32>
    %exp3A = math.exp %dot_general3A_15 : vector<2000x2000xf32>
    %get3A_16 = arith.constant 0 : index
    %get3A_17 = arith.constant 0 : index
    %get3A_18 = vector.load %arg11[%get3A_16, %get3A_17] : memref<2000x5xf32, #tpu.memory_space<vmem>>, vector<2000x5xf32>
    %broadcast_in_dim3A = arith.constant 1.000000e+00 : f32
    %broadcast_in_dim3A_19 = vector.broadcast %broadcast_in_dim3A : f32 to vector<2000x8xf32>
    %dot_general3A_20 = arith.constant dense<0.000000e+00> : vector<2000x8xf32>
    %dot_general3A_21 = tpu.matmul %exp3A, %broadcast_in_dim3A_19, %dot_general3A_20 {dimension_numbers = #tpu.dot_dimension_numbers<[1], [0], [0], [1], [0, 0, 1, 1], [], []>, transpose_lhs_hint = false} : vector<2000x2000xf32>, vector<2000x8xf32>, vector<2000x8xf32> -> vector<2000x8xf32>
    %slice3A = vector.extract_strided_slice %dot_general3A_21 {offsets = [0, 0], sizes = [2000, 1], strides = [1, 1]} : vector<2000x8xf32> to vector<2000x1xf32>
    %iota3A = tpu.iota {dimensions = array<i32: 1>} : vector<1x5xi32>
    %eq3A_22 = vector.broadcast %arg0 : i32 to vector<1x5xi32>
    %eq3A_23 = arith.cmpi eq, %iota3A, %eq3A_22 : vector<1x5xi32>
    %convert_element_type3A_24 = arith.extui %eq3A_23 : vector<1x5xi1> to vector<1x5xi32>
    %convert_element_type3A_25 = arith.sitofp %convert_element_type3A_24 : vector<1x5xi32> to vector<1x5xf32>
    %mul3A = vector.broadcast %slice3A : vector<2000x1xf32> to vector<2000x5xf32>
    %mul3A_26 = vector.broadcast %convert_element_type3A_25 : vector<1x5xf32> to vector<2000x5xf32>
    %mul3A_27 = arith.mulf %mul3A, %mul3A_26 : vector<2000x5xf32>
    %add3A = arith.addf %get3A_18, %mul3A_27 : vector<2000x5xf32>
    %swap3A = arith.constant 0 : index
    %swap3A_28 = arith.constant 0 : index
    %swap3A_29 = vector.load %arg11[%swap3A, %swap3A_28] : memref<2000x5xf32, #tpu.memory_space<vmem>>, vector<2000x5xf32>
    tpu.vector_store %arg11[%swap3A, %swap3A_28], %add3A {strides = array<i32>} : memref<2000x5xf32, #tpu.memory_space<vmem>>, vector<2000x5xf32>,
    %get3A_30 = arith.constant 0 : index
    %get3A_31 = arith.constant 0 : index
    %get3A_32 = vector.load %arg12[%get3A_30, %get3A_31] : memref<5x2000xf32, #tpu.memory_space<vmem>>, vector<5x2000xf32>
    %iota3A_33 = tpu.iota {dimensions = array<i32: 0>} : vector<5x1xi32>
    %eq3A_34 = vector.broadcast %arg1 : i32 to vector<5x1xi32>
    %eq3A_35 = arith.cmpi eq, %iota3A_33, %eq3A_34 : vector<5x1xi32>
    %convert_element_type3A_36 = arith.extui %eq3A_35 : vector<5x1xi1> to vector<5x1xi32>
    %convert_element_type3A_37 = arith.sitofp %convert_element_type3A_36 : vector<5x1xi32> to vector<5x1xf32>
    %reduce_sum3A = arith.constant dense<0.000000e+00> : vector<2000xf32>
    %reduce_sum3A_38 = vector.multi_reduction <add>, %exp3A, %reduce_sum3A [0] : vector<2000x2000xf32> to vector<2000xf32>
    %reshape3A = vector.shape_cast %reduce_sum3A_38 : vector<2000xf32> to vector<1x2000xf32>
    %mul3A_39 = vector.broadcast %convert_element_type3A_37 : vector<5x1xf32> to vector<5x2000xf32>
    %mul3A_40 = vector.broadcast %reshape3A : vector<1x2000xf32> to vector<5x2000xf32>
    %mul3A_41 = arith.mulf %mul3A_39, %mul3A_40 : vector<5x2000xf32>
    %add3A_42 = arith.addf %get3A_32, %mul3A_41 : vector<5x2000xf32>
    %swap3A_43 = arith.constant 0 : index
    %swap3A_44 = arith.constant 0 : index
    %swap3A_45 = vector.load %arg12[%swap3A_43, %swap3A_44] : memref<5x2000xf32, #tpu.memory_space<vmem>>, vector<5x2000xf32>
    tpu.vector_store %arg12[%swap3A_43, %swap3A_44], %add3A_42 {strides = array<i32>} : memref<5x2000xf32, #tpu.memory_space<vmem>>, vector<5x2000xf32>,
    %eq3A_46 = arith.cmpi eq, %arg1, %arg0 : i32
    %convert_element_type3A_47 = arith.extui %eq3A_46 : i1 to i32
    %cond3A_48 = arith.constant 0 : i32
    %cond3A_49 = arith.cmpi ne, %convert_element_type3A_47, %cond3A_48 : i32
    scf.if %cond3A_49 {
      %dot_general3A_66 = arith.constant dense<0.000000e+00> : vector<2000x2000xf32>
      %dot_general3A_67 = tpu.matmul %get3A_1, %get3A_7, %dot_general3A_66 {dimension_numbers = #tpu.dot_dimension_numbers<[1], [1], [0], [0], [0, 0, 1, 0], [], []>, transpose_lhs_hint = false} : vector<2000x128xbf16>, vector<2000x128xbf16>, vector<2000x2000xf32> -> vector<2000x2000xf32>
      %exp3A_68 = math.exp %dot_general3A_67 : vector<2000x2000xf32>
      %get3A_69 = arith.constant 0 : index
      %get3A_70 = arith.constant 0 : index
      %get3A_71 = vector.load %arg9[%get3A_69, %get3A_70] : memref<2000x5xf32, #tpu.memory_space<vmem>>, vector<2000x5xf32>
      %broadcast_in_dim3A_72 = arith.constant 1.000000e+00 : f32
      %broadcast_in_dim3A_73 = vector.broadcast %broadcast_in_dim3A_72 : f32 to vector<2000x8xf32>
      %dot_general3A_74 = arith.constant dense<0.000000e+00> : vector<2000x8xf32>
      %dot_general3A_75 = tpu.matmul %exp3A_68, %broadcast_in_dim3A_73, %dot_general3A_74 {dimension_numbers = #tpu.dot_dimension_numbers<[1], [0], [0], [1], [0, 0, 1, 1], [], []>, transpose_lhs_hint = false} : vector<2000x2000xf32>, vector<2000x8xf32>, vector<2000x8xf32> -> vector<2000x8xf32>
      %slice3A_76 = vector.extract_strided_slice %dot_general3A_75 {offsets = [0, 0], sizes = [2000, 1], strides = [1, 1]} : vector<2000x8xf32> to vector<2000x1xf32>
      %iota3A_77 = tpu.iota {dimensions = array<i32: 1>} : vector<1x5xi32>
      %eq3A_78 = vector.broadcast %arg0 : i32 to vector<1x5xi32>
      %eq3A_79 = arith.cmpi eq, %iota3A_77, %eq3A_78 : vector<1x5xi32>
      %convert_element_type3A_80 = arith.extui %eq3A_79 : vector<1x5xi1> to vector<1x5xi32>
      %convert_element_type3A_81 = arith.sitofp %convert_element_type3A_80 : vector<1x5xi32> to vector<1x5xf32>
      %mul3A_82 = vector.broadcast %slice3A_76 : vector<2000x1xf32> to vector<2000x5xf32>
      %mul3A_83 = vector.broadcast %convert_element_type3A_81 : vector<1x5xf32> to vector<2000x5xf32>
      %mul3A_84 = arith.mulf %mul3A_82, %mul3A_83 : vector<2000x5xf32>
      %add3A_85 = arith.addf %get3A_71, %mul3A_84 : vector<2000x5xf32>
      %swap3A_86 = arith.constant 0 : index
      %swap3A_87 = arith.constant 0 : index
      %swap3A_88 = vector.load %arg9[%swap3A_86, %swap3A_87] : memref<2000x5xf32, #tpu.memory_space<vmem>>, vector<2000x5xf32>
      tpu.vector_store %arg9[%swap3A_86, %swap3A_87], %add3A_85 {strides = array<i32>} : memref<2000x5xf32, #tpu.memory_space<vmem>>, vector<2000x5xf32>,
    } else {
    }
    %gt3A = arith.cmpi sgt, %arg1, %arg0 : i32
    %convert_element_type3A_50 = arith.extui %gt3A : i1 to i32
    %cond3A_51 = arith.constant 0 : i32
    %cond3A_52 = arith.cmpi ne, %convert_element_type3A_50, %cond3A_51 : i32
    scf.if %cond3A_52 {
      %dot_general3A_66 = arith.constant dense<0.000000e+00> : vector<2000x2000xf32>
      %dot_general3A_67 = tpu.matmul %get3A_1, %get3A_7, %dot_general3A_66 {dimension_numbers = #tpu.dot_dimension_numbers<[1], [1], [0], [0], [0, 0, 1, 0], [], []>, transpose_lhs_hint = false} : vector<2000x128xbf16>, vector<2000x128xbf16>, vector<2000x2000xf32> -> vector<2000x2000xf32>
      %exp3A_68 = math.exp %dot_general3A_67 : vector<2000x2000xf32>
      %get3A_69 = arith.constant 0 : index
      %get3A_70 = arith.constant 0 : index
      %get3A_71 = vector.load %arg9[%get3A_69, %get3A_70] : memref<2000x5xf32, #tpu.memory_space<vmem>>, vector<2000x5xf32>
      %broadcast_in_dim3A_72 = arith.constant 1.000000e+00 : f32
      %broadcast_in_dim3A_73 = vector.broadcast %broadcast_in_dim3A_72 : f32 to vector<2000x8xf32>
      %dot_general3A_74 = arith.constant dense<0.000000e+00> : vector<2000x8xf32>
      %dot_general3A_75 = tpu.matmul %exp3A_68, %broadcast_in_dim3A_73, %dot_general3A_74 {dimension_numbers = #tpu.dot_dimension_numbers<[1], [0], [0], [1], [0, 0, 1, 1], [], []>, transpose_lhs_hint = false} : vector<2000x2000xf32>, vector<2000x8xf32>, vector<2000x8xf32> -> vector<2000x8xf32>
      %slice3A_76 = vector.extract_strided_slice %dot_general3A_75 {offsets = [0, 0], sizes = [2000, 1], strides = [1, 1]} : vector<2000x8xf32> to vector<2000x1xf32>
      %iota3A_77 = tpu.iota {dimensions = array<i32: 1>} : vector<1x5xi32>
      %eq3A_78 = vector.broadcast %arg0 : i32 to vector<1x5xi32>
      %eq3A_79 = arith.cmpi eq, %iota3A_77, %eq3A_78 : vector<1x5xi32>
      %convert_element_type3A_80 = arith.extui %eq3A_79 : vector<1x5xi1> to vector<1x5xi32>
      %convert_element_type3A_81 = arith.sitofp %convert_element_type3A_80 : vector<1x5xi32> to vector<1x5xf32>
      %mul3A_82 = vector.broadcast %slice3A_76 : vector<2000x1xf32> to vector<2000x5xf32>
      %mul3A_83 = vector.broadcast %convert_element_type3A_81 : vector<1x5xf32> to vector<2000x5xf32>
      %mul3A_84 = arith.mulf %mul3A_82, %mul3A_83 : vector<2000x5xf32>
      %add3A_85 = arith.addf %get3A_71, %mul3A_84 : vector<2000x5xf32>
      %swap3A_86 = arith.constant 0 : index
      %swap3A_87 = arith.constant 0 : index
      %swap3A_88 = vector.load %arg9[%swap3A_86, %swap3A_87] : memref<2000x5xf32, #tpu.memory_space<vmem>>, vector<2000x5xf32>
      tpu.vector_store %arg9[%swap3A_86, %swap3A_87], %add3A_85 {strides = array<i32>} : memref<2000x5xf32, #tpu.memory_space<vmem>>, vector<2000x5xf32>,
      %get3A_89 = arith.constant 0 : index
      %get3A_90 = arith.constant 0 : index
      %get3A_91 = vector.load %arg10[%get3A_89, %get3A_90] : memref<5x2000xf32, #tpu.memory_space<vmem>>, vector<5x2000xf32>
      %iota3A_92 = tpu.iota {dimensions = array<i32: 0>} : vector<5x1xi32>
      %eq3A_93 = vector.broadcast %arg1 : i32 to vector<5x1xi32>
      %eq3A_94 = arith.cmpi eq, %iota3A_92, %eq3A_93 : vector<5x1xi32>
      %convert_element_type3A_95 = arith.extui %eq3A_94 : vector<5x1xi1> to vector<5x1xi32>
      %convert_element_type3A_96 = arith.sitofp %convert_element_type3A_95 : vector<5x1xi32> to vector<5x1xf32>
      %reduce_sum3A_97 = arith.constant dense<0.000000e+00> : vector<2000xf32>
      %reduce_sum3A_98 = vector.multi_reduction <add>, %exp3A_68, %reduce_sum3A_97 [0] : vector<2000x2000xf32> to vector<2000xf32>
      %reshape3A_99 = vector.shape_cast %reduce_sum3A_98 : vector<2000xf32> to vector<1x2000xf32>
      %mul3A_100 = vector.broadcast %convert_element_type3A_96 : vector<5x1xf32> to vector<5x2000xf32>
      %mul3A_101 = vector.broadcast %reshape3A_99 : vector<1x2000xf32> to vector<5x2000xf32>
      %mul3A_102 = arith.mulf %mul3A_100, %mul3A_101 : vector<5x2000xf32>
      %add3A_103 = arith.addf %get3A_91, %mul3A_102 : vector<5x2000xf32>
      %swap3A_104 = arith.constant 0 : index
      %swap3A_105 = arith.constant 0 : index
      %swap3A_106 = vector.load %arg10[%swap3A_104, %swap3A_105] : memref<5x2000xf32, #tpu.memory_space<vmem>>, vector<5x2000xf32>
      tpu.vector_store %arg10[%swap3A_104, %swap3A_105], %add3A_103 {strides = array<i32>} : memref<5x2000xf32, #tpu.memory_space<vmem>>, vector<5x2000xf32>,
    } else {
    }
    %eq3A_53 = arith.constant 0 : i32
    %eq3A_54 = arith.cmpi eq, %arg1, %eq3A_53 : i32
    %convert_element_type3A_55 = arith.extui %eq3A_54 : i1 to i32
    %cond3A_56 = arith.constant 0 : i32
    %cond3A_57 = arith.cmpi ne, %convert_element_type3A_55, %cond3A_56 : i32
    scf.if %cond3A_57 {
      %convert_element_type3A_66 = arith.extf %get3A_1 : vector<2000x128xbf16> to vector<2000x128xf32>
      %convert_element_type3A_67 = arith.extf %get3A_4 : vector<2000x128xbf16> to vector<2000x128xf32>
      %iota3A_68 = tpu.iota {dimensions = array<i32: 1>} : vector<1x5xi32>
      %eq3A_69 = vector.broadcast %arg0 : i32 to vector<1x5xi32>
      %eq3A_70 = arith.cmpi eq, %iota3A_68, %eq3A_69 : vector<1x5xi32>
      %convert_element_type3A_71 = arith.extui %eq3A_70 : vector<1x5xi1> to vector<1x5xi32>
      %convert_element_type3A_72 = arith.sitofp %convert_element_type3A_71 : vector<1x5xi32> to vector<1x5xf32>
      %get3A_73 = arith.constant 0 : index
      %get3A_74 = arith.constant 0 : index
      %get3A_75 = vector.load %arg13[%get3A_73, %get3A_74] : memref<2000x5xf32, #tpu.memory_space<vmem>>, vector<2000x5xf32>
      %mul3A_76 = arith.mulf %convert_element_type3A_66, %convert_element_type3A_66 : vector<2000x128xf32>
      %reduce_sum3A_77 = arith.constant dense<0.000000e+00> : vector<2000xf32>
      %reduce_sum3A_78 = vector.multi_reduction <add>, %mul3A_76, %reduce_sum3A_77 [1] : vector<2000x128xf32> to vector<2000xf32>
      %broadcast_in_dim3A_79 = vector.shape_cast %reduce_sum3A_78 : vector<2000xf32> to vector<2000x1xf32>
      %exp3A_80 = math.exp %broadcast_in_dim3A_79 : vector<2000x1xf32>
      %mul3A_81 = vector.broadcast %exp3A_80 : vector<2000x1xf32> to vector<2000x5xf32>
      %mul3A_82 = vector.broadcast %convert_element_type3A_72 : vector<1x5xf32> to vector<2000x5xf32>
      %mul3A_83 = arith.mulf %mul3A_81, %mul3A_82 : vector<2000x5xf32>
      %add3A_84 = arith.addf %get3A_75, %mul3A_83 : vector<2000x5xf32>
      %swap3A_85 = arith.constant 0 : index
      %swap3A_86 = arith.constant 0 : index
      %swap3A_87 = vector.load %arg13[%swap3A_85, %swap3A_86] : memref<2000x5xf32, #tpu.memory_space<vmem>>, vector<2000x5xf32>
      tpu.vector_store %arg13[%swap3A_85, %swap3A_86], %add3A_84 {strides = array<i32>} : memref<2000x5xf32, #tpu.memory_space<vmem>>, vector<2000x5xf32>,
      %get3A_88 = arith.constant 0 : index
      %get3A_89 = arith.constant 0 : index
      %get3A_90 = vector.load %arg14[%get3A_88, %get3A_89] : memref<2000x5xf32, #tpu.memory_space<vmem>>, vector<2000x5xf32>
      %mul3A_91 = arith.mulf %convert_element_type3A_66, %convert_element_type3A_67 : vector<2000x128xf32>
      %reduce_sum3A_92 = arith.constant dense<0.000000e+00> : vector<2000xf32>
      %reduce_sum3A_93 = vector.multi_reduction <add>, %mul3A_91, %reduce_sum3A_92 [1] : vector<2000x128xf32> to vector<2000xf32>
      %broadcast_in_dim3A_94 = vector.shape_cast %reduce_sum3A_93 : vector<2000xf32> to vector<2000x1xf32>
      %mul3A_95 = vector.broadcast %broadcast_in_dim3A_94 : vector<2000x1xf32> to vector<2000x5xf32>
      %mul3A_96 = vector.broadcast %convert_element_type3A_72 : vector<1x5xf32> to vector<2000x5xf32>
      %mul3A_97 = arith.mulf %mul3A_95, %mul3A_96 : vector<2000x5xf32>
      %add3A_98 = arith.addf %get3A_90, %mul3A_97 : vector<2000x5xf32>
      %swap3A_99 = arith.constant 0 : index
      %swap3A_100 = arith.constant 0 : index
      %swap3A_101 = vector.load %arg14[%swap3A_99, %swap3A_100] : memref<2000x5xf32, #tpu.memory_space<vmem>>, vector<2000x5xf32>
      tpu.vector_store %arg14[%swap3A_99, %swap3A_100], %add3A_98 {strides = array<i32>} : memref<2000x5xf32, #tpu.memory_space<vmem>>, vector<2000x5xf32>,
    } else {
    }
    %eq3A_58 = arith.constant 4 : i32
    %eq3A_59 = arith.cmpi eq, %arg0, %eq3A_58 : i32
    %eq3A_60 = arith.constant 4 : i32
    %eq3A_61 = arith.cmpi eq, %arg1, %eq3A_60 : i32
    %and3A_62 = arith.andi %eq3A_59, %eq3A_61 : i1
    %convert_element_type3A_63 = arith.extui %and3A_62 : i1 to i32
    %cond3A_64 = arith.constant 0 : i32
    %cond3A_65 = arith.cmpi ne, %convert_element_type3A_63, %cond3A_64 : i32
    scf.if %cond3A_65 {
      %get3A_66 = arith.constant 0 : index
      %get3A_67 = arith.constant 0 : index
      %get3A_68 = vector.load %arg9[%get3A_66, %get3A_67] : memref<2000x5xf32, #tpu.memory_space<vmem>>, vector<2000x5xf32>
      %get3A_69 = arith.constant 0 : index
      %get3A_70 = arith.constant 0 : index
      %get3A_71 = vector.load %arg10[%get3A_69, %get3A_70] : memref<5x2000xf32, #tpu.memory_space<vmem>>, vector<5x2000xf32>
      %transpose3A = tpu.transpose %get3A_71, [1, 0] : vector<5x2000xf32> -> vector<2000x5xf32>
      %add3A_72 = arith.addf %get3A_68, %transpose3A : vector<2000x5xf32>
      %get3A_73 = arith.constant 0 : index
      %get3A_74 = arith.constant 0 : index
      %get3A_75 = vector.load %arg13[%get3A_73, %get3A_74] : memref<2000x5xf32, #tpu.memory_space<vmem>>, vector<2000x5xf32>
      %sub3A = arith.subf %add3A_72, %get3A_75 : vector<2000x5xf32>
      %get3A_76 = arith.constant 0 : index
      %get3A_77 = arith.constant 0 : index
      %get3A_78 = vector.load %arg11[%get3A_76, %get3A_77] : memref<2000x5xf32, #tpu.memory_space<vmem>>, vector<2000x5xf32>
      %add3A_79 = arith.addf %sub3A, %get3A_78 : vector<2000x5xf32>
      %get3A_80 = arith.constant 0 : index
      %get3A_81 = arith.constant 0 : index
      %get3A_82 = vector.load %arg6[%get3A_80, %get3A_81] : memref<2000x5xf32, #tpu.memory_space<vmem>>, vector<2000x5xf32>
      %get3A_83 = arith.constant 0 : index
      %get3A_84 = arith.constant 0 : index
      %get3A_85 = vector.load %arg7[%get3A_83, %get3A_84] : memref<2000x5xf32, #tpu.memory_space<vmem>>, vector<2000x5xf32>
      %sub3A_86 = arith.subf %get3A_82, %get3A_85 : vector<2000x5xf32>
      %get3A_87 = arith.constant 0 : index
      %get3A_88 = arith.constant 0 : index
      %get3A_89 = vector.load %arg12[%get3A_87, %get3A_88] : memref<5x2000xf32, #tpu.memory_space<vmem>>, vector<5x2000xf32>
      %transpose3A_90 = tpu.transpose %get3A_89, [1, 0] : vector<5x2000xf32> -> vector<2000x5xf32>
      %add3A_91 = arith.addf %sub3A_86, %transpose3A_90 : vector<2000x5xf32>
      %log3A = math.log %add3A_79 : vector<2000x5xf32>
      %get3A_92 = arith.constant 0 : index
      %get3A_93 = arith.constant 0 : index
      %get3A_94 = vector.load %arg14[%get3A_92, %get3A_93] : memref<2000x5xf32, #tpu.memory_space<vmem>>, vector<2000x5xf32>
      %sub3A_95 = arith.subf %log3A, %get3A_94 : vector<2000x5xf32>
      %log3A_96 = math.log %add3A_91 : vector<2000x5xf32>
      %get3A_97 = arith.constant 0 : index
      %get3A_98 = arith.constant 0 : index
      %get3A_99 = vector.load %arg14[%get3A_97, %get3A_98] : memref<2000x5xf32, #tpu.memory_space<vmem>>, vector<2000x5xf32>
      %sub3A_100 = arith.subf %log3A_96, %get3A_99 : vector<2000x5xf32>
      %add3A_101 = arith.addf %sub3A_95, %sub3A_100 : vector<2000x5xf32>
      %reduce_sum3A_102 = vector.shape_cast %add3A_101 : vector<2000x5xf32> to vector<1x2000x5xf32>
      %reduce_sum3A_103 = arith.constant dense<0.000000e+00> : vector<1xf32>
      %reduce_sum3A_104 = vector.multi_reduction <add>, %reduce_sum3A_102, %reduce_sum3A_103 [1, 2] : vector<1x2000x5xf32> to vector<1xf32>
      %reduce_sum3A_105 = vector.shape_cast %reduce_sum3A_104 : vector<1xf32> to vector<1x1x1xf32>
      %reduce_sum3A_106 = vector.extract %reduce_sum3A_105[0, 0, 0] : f32 from vector<1x1x1xf32>
      %div3A = arith.constant 2.000000e+04 : f32
      %div3A_107 = arith.divf %reduce_sum3A_106, %div3A : f32
      %swap3A_108 = arith.constant 0 : index
      %swap3A_109 = arith.constant 0 : index
      %swap3A_110 = memref.load %arg8[%swap3A_108, %swap3A_109] : memref<1x1xf32, #tpu.memory_space<smem>>
      memref.store %div3A_107, %arg8[%swap3A_108, %swap3A_109] : memref<1x1xf32, #tpu.memory_space<smem>>
    } else {
    }
    return
  }
  func.func @transform_0(%arg0: i32, %arg1: i32) -> (i32, i32) {
    %c0_i32 = arith.constant 0 : i32
    %c0_i32_0 = arith.constant 0 : i32
    return %arg0, %c0_i32 : i32, i32
  }
  func.func @transform_1(%arg0: i32, %arg1: i32) -> (i32, i32) {
    %c0_i32 = arith.constant 0 : i32
    %c0_i32_0 = arith.constant 0 : i32
    return %arg0, %c0_i32 : i32, i32
  }
  func.func @transform_2(%arg0: i32, %arg1: i32) -> (i32, i32) {
    %c0_i32 = arith.constant 0 : i32
    %c0_i32_0 = arith.constant 0 : i32
    return %arg1, %c0_i32 : i32, i32
  }
  func.func @transform_3(%arg0: i32, %arg1: i32) -> (i32, i32) {
    %c0_i32 = arith.constant 0 : i32
    %c0_i32_0 = arith.constant 0 : i32
    return %arg1, %c0_i32 : i32, i32
  }
  func.func @transform_4(%arg0: i32, %arg1: i32) -> (i32, i32) {
    %c0_i32 = arith.constant 0 : i32
    %c0_i32_0 = arith.constant 0 : i32
    %c0_i32_1 = arith.constant 0 : i32
    return %c0_i32, %c0_i32_0 : i32, i32
  }
  func.func @transform_5(%arg0: i32, %arg1: i32) -> (i32, i32) {
    %c0_i32 = arith.constant 0 : i32
    %c0_i32_0 = arith.constant 0 : i32
    %c0_i32_1 = arith.constant 0 : i32
    return %c0_i32, %c0_i32_0 : i32, i32
  }
  func.func @transform_6(%arg0: i32, %arg1: i32) -> (i32, i32) {
    %c0_i32 = arith.constant 0 : i32
    %c0_i32_0 = arith.constant 0 : i32
    %c0_i32_1 = arith.constant 0 : i32
    return %c0_i32, %c0_i32_0 : i32, i32
  }
}

</mosaic_0001>

<sc_bundles>
// kernel: kernel.10.cloned.1.call-start
scs
__scs_entry_jumppad:
0x0: {  	(pc) =	sbr.rel $0x88, $3  }
0x1: {  	(tag) =	ssettag $0x0;
	lr =	simm.s32 $0x1  }
0x2: {  	[smem:$0x3F94] =	sst lr;
	_ =	strace $0xD0000000  }
0x3: {  	_ = 	snop  }
0x4: {  	_ = 	snop  }
0x5: {  	_ = 	snop  }
0x6: {  	_ = 	snop  }
0x7: {  	_ = 	snop  }
__scs_overlays_trampoline_lowered:
0x8: {  	[smem:$0x3FA3] =	sst s0  }
0x9: {  	[smem:$0x3FA4] =	sst s1  }
0xa: {  	[smem:$0x3FA5] =	sst s2  }
0xb: {  	[smem:$0x3FA6] =	sst s3  }
0xc: {  	[smem:$0x3FA7] =	sst s4  }
0xd: {  	[smem:$0x3FA8] =	sst s5  }
0xe: {  	[smem:$0x3FA9] =	sst s6  }
0xf: {  	[smem:$0x3FAA] =	sst s7  }
0x10: {  	[smem:$0x3FAB] =	sst s8  }
0x11: {  	[smem:$0x3FAC] =	sst s9;
	s0 =	simm.s32 @!p0 $0x0  }
0x12: {  	s1 =	sld [smem:$0x3F92];
	s0 =	simm.s32 @p0 $0x1  }
0x13: {  	[smem:$0x3FAD] =	sst s0;
	s0 =	simm.s32 @!p1 $0x0  }
0x14: {  	s2 =	sld [smem:$0x3F91];
	s0 =	simm.s32 @p1 $0x1  }
0x15: {  	[smem:$0x3FAE] =	sst s0;
	s0 =	simm.s32 @!p2 $0x0  }
0x16: {  	s3 =	sld [smem:$0x3FDB];
	s0 =	simm.s32 @p2 $0x1  }
0x17: {  	s4 =	simm.s32 $0x1BF5;
	[smem:$0x3FB0] =	sst s0  }
0x18: {  	s0 =	sld [smem:$0x3F93];
	_ =	swait.ge [sflag:s4], $0x0  }
0x19: {  	s7 =	sld [smem:$0x3F94]  }
0x1a: {  	s8 =	sadd.s32 $0xFFFFE003, lr  }
0x1b: {  	s9 =	sadd.s32 $0xFFFFFEF7, lr;
	s5 =	simm.s32 $0xFFFFFFFF;
	p2 =	slt.u32 s8, $0xFFFFF086  }
0x1c: {  	p1 =	slt.u32 s9, $0xF7A;
	s5 =	simm.s32 @!p2 $0x0  }
0x1d: {  	s5 =	simm.s32 @p1 $0x1;
	p0 =	seq.s32 s7, s2  }
0x1e: {  	s7 =	smul.u32 @!p0 $0xF7A, s2;
	p2 =	seq.s32 @!p0 s5, $0x0  }
0x1f: {  	s9 =	smul.u32 $0xF7A, s1;
	s8 =	simm.s32 @!p0 $0x1BF5;
	p2 =	por !p2, p0  }
0x20: {  	[sflag:s8] =	ssyncset.s32 @!p0 $0xFFFFF086;
	s6 =	sadd.s32 @!p0 s3, s7;
	s7 =	simm.s32 @!p0 $0x108  }
0x21: {  	s3 =	sadd.s32 s3, s9;
	s6 =	sadd.s32 @!p0 $0x88, s6;
	s7 =	simm.s32 @p2 $0x1082  }
0x22: {  	[simem:s7], [sflag:s8] =	dma.local @!p0 [hbm:s6], $0xF7A  }
0x23: {  	s9 =	sor.u32 $0xD0000000, s2;
	s6 =	simm.s32 $0x108;
	_ =	swait.ge @!p0 [sflag:s8], $0x0  }
0x24: {  	s3 =	sadd.s32 $0x88, s3;
	s6 =	simm.s32 @!p1 $0x1082;
	[sflag:s4] =	ssyncset.s32 $0xFFFFF086  }
0x25: {  	[simem:s6], [sflag:s4] =	dma.local [hbm:s3], $0xF7A  }
0x26: {  	[smem:$0x3F94] =	sst s1;
	(tag) =	ssettag s2;
	_ =	strace s9  }
0x27: {  	s1 =	sld [smem:$0x3FA4]  }
0x28: {  	s2 =	sld [smem:$0x3FA5]  }
0x29: {  	s4 =	sld [smem:$0x3FA7]  }
0x2a: {  	p0 =	seq.s32 s5, $0x0;
	s5 =	sld [smem:$0x3FA8]  }
0x2b: {  	s6 =	sld [smem:$0x3FA9]  }
0x2c: {  	s7 =	sld [smem:$0x3FAA]  }
0x2d: {  	s3 =	simm.s32 $0x108;
	s8 =	sld [smem:$0x3FAB]  }
0x2e: {  	s3 =	simm.s32 @!p0 $0x1082;
	s9 =	sld [smem:$0x3FAC]  }
0x2f: {  	lr =	sadd.s32 s0, s3;
	s0 =	sld [smem:$0x3FA3]  }
0x30: {  	s3 =	sld [smem:$0x3FA6]  }
0x31: {  	[smem:$0x3FAF] =	sst s10  }
0x32: {  	s10 =	sld [smem:$0x3FAD];
	_ =	sdelay $0x3  }
0x33: {  	p0 =	seq.s32 s10, $0x1;
	s10 =	sld [smem:$0x3FAF];
	_ =	sdelay $0x3  }
0x34: {  	[smem:$0x3FAF] =	sst s10  }
0x35: {  	s10 =	sld [smem:$0x3FAE];
	_ =	sdelay $0x3  }
0x36: {  	p1 =	seq.s32 s10, $0x1;
	s10 =	sld [smem:$0x3FAF];
	_ =	sdelay $0x3  }
0x37: {  	[smem:$0x3FAF] =	sst s10  }
0x38: {  	s10 =	sld [smem:$0x3FB0]  }
0x39: {  	_ = 	snop;
	(pc) =	sbr.ind lr, $3  }
0x3a: {  	_ = 	snop  }
0x3b: {  	_ = 	snop  }
0x3c: {  	p2 =	seq.s32 s10, $0x1;
	s10 =	sld [smem:$0x3FAF]  }
0x3d: {  	_ =	shalt  }
0x3e: {  	_ =	shalt  }
0x3f: {  	_ =	shalt  }
0x40: {  	_ =	shalt  }
0x41: {  	_ =	shalt  }
0x42: {  	_ =	shalt  }
0x43: {  	_ =	shalt  }
0x44: {  	_ =	shalt  }
0x45: {  	_ =	shalt  }
0x46: {  	_ =	shalt  }
0x47: {  	_ =	shalt  }
0x48: {  	_ =	shalt  }
0x49: {  	_ =	shalt  }
0x4a: {  	_ =	shalt  }
0x4b: {  	_ =	shalt  }
0x4c: {  	_ =	shalt  }
0x4d: {  	_ =	shalt  }
0x4e: {  	_ =	shalt  }
0x4f: {  	_ =	shalt  }
0x50: {  	_ =	shalt  }
0x51: {  	_ =	shalt  }
0x52: {  	_ =	shalt  }
0x53: {  	_ =	shalt  }
0x54: {  	_ =	shalt  }
0x55: {  	_ =	shalt  }
0x56: {  	_ =	shalt  }
0x57: {  	_ =	shalt  }
0x58: {  	_ =	shalt  }
0x59: {  	_ =	shalt  }
0x5a: {  	_ =	shalt  }
0x5b: {  	_ =	shalt  }
0x5c: {  	_ =	shalt  }
0x5d: {  	_ =	shalt  }
0x5e: {  	_ =	shalt  }
0x5f: {  	_ =	shalt  }
0x60: {  	_ =	shalt  }
0x61: {  	_ =	shalt  }
0x62: {  	_ =	shalt  }
0x63: {  	_ =	shalt  }
0x64: {  	_ =	shalt  }
0x65: {  	_ =	shalt  }
0x66: {  	_ =	shalt  }
0x67: {  	_ =	shalt  }
0x68: {  	_ =	shalt  }
0x69: {  	_ =	shalt  }
0x6a: {  	_ =	shalt  }
0x6b: {  	_ =	shalt  }
0x6c: {  	_ =	shalt  }
0x6d: {  	_ =	shalt  }
0x6e: {  	_ =	shalt  }
0x6f: {  	_ =	shalt  }
0x70: {  	_ =	shalt  }
0x71: {  	_ =	shalt  }
0x72: {  	_ =	shalt  }
0x73: {  	_ =	shalt  }
0x74: {  	_ =	shalt  }
0x75: {  	_ =	shalt  }
0x76: {  	_ =	shalt  }
0x77: {  	_ =	shalt  }
0x78: {  	_ =	shalt  }
0x79: {  	_ =	shalt  }
0x7a: {  	_ =	shalt  }
0x7b: {  	_ =	shalt  }
0x7c: {  	_ =	shalt  }
0x7d: {  	_ =	shalt  }
0x7e: {  	_ =	shalt  }
0x7f: {  	_ =	shalt  }
0x80: {  	_ =	shalt  }
0x81: {  	_ =	shalt  }
0x82: {  	_ =	shalt  }
0x83: {  	_ =	shalt  }
0x84: {  	_ =	shalt  }
0x85: {  	_ =	shalt  }
0x86: {  	_ =	shalt  }
0x87: {  	_ =	shalt  }
.Lfunc_end0:
.L_simem_size_0:
called_computation_lowered:
.L_overlay_start_0:
0x88: {  	s2 =	sld [smem:$0x3FD9]  }
0x89: {  	s3 =	sld [smem:$0x3FFE];
	_ =	sdelay $0x1  }
0x8a: {  	s1 =	srdreg.scid  }
0x8b: {  	s0 =	sand.u32 $0x1, s1  }
0x8c: {  	s17 =	sshll.u32 s0, $0xA;
	s2 =	sadd.s32 s3, s2  }
0x8d: {  	s2 =	sadd.s32 s2, s17  }
0x8e: {  	[smem:$0x3FBB] =	sst s2  }
0x8f: {  	_ = 	snop  }
0x90: {  	s2 =	sld [smem:$0x3FC6];
	(tm) =	ssettm $0x1  }
0x91: {  	s18 =	sld [smem:$0x3FFB];
	_ =	sdelay $0x3  }
0x92: {  	_ =	strace s18  }
0x93: {  	s3 =	sld [smem:$0x3FFC];
	_ =	sdelay $0x3  }
0x94: {  	_ =	strace s3  }
0x95: {  	s3 =	sld [smem:$0x3FFD];
	_ =	sdelay $0x3  }
0x96: {  	_ =	strace s3  }
0x97: {  	_ =	strace $0x8FFFFFFF  }
0x98: {  	s19 =	sld [smem:$0x3FDB];
	_ =	sdelay $0x1  }
0x99: {  	s4 =	simm.s32 $_scs_section_size  }
0x9a: {  	s5 =	simm.s32 $_size__tile_overlayer_lowered;
	s6 =	simm.s32 $_tile_overlayer_lowered  }
0x9b: {  	s22 =	simm.s32 $0x1BFF;
	s21 =	sshll.u32 s6, $0x1;
	s3 =	sadd.s32 s4, s19  }
0x9c: {  	s7 =	simm.s32 $0x0;
	s20 =	sshll.u32 s5, $0x1;
	s5 =	sadd.s32 s21, s3  }
0x9d: {  	[timem:s7], [sflag:s22] =	dma.local [hbm:s5], s20  }
0x9e: {  	_ =	swait.ge [sflag:s22], s20  }
0x9f: {  	s4 =	ssub.s32 $0x0, s20;
	[sflag:s22] =	ssyncset.done $0x0  }
0xa0: {  	[sflag:s22] =	ssyncadd.s32 s4;
	_ =	sdelay $0x1  }
0xa1: {  	s23 =	simm.s32 $0x1B8B  }
0xa2: {  	_ =	swait.ge [sflag:s23], $0x1  }
0xa3: {  	[sflag:s23] =	ssyncset.done $0x0  }
0xa4: {  	s25 =	simm.s32 $0x1B8E;
	s24 =	sld [smem:$0x3FFE];
	[sflag:s23] =	ssyncadd.s32 $0xFFFFFFFF  }
0xa5: {  	s26 =	simm.s32 $execute0_lowered;
	[smem:$0x3FD2] =	sst s25  }
0xa6: {  	s5 =	sshll.u32 s26, $0x1;
	_ =	strace $0x80000046;
	[dreg:$0x1] =	wrdreg $0xFFFFFFFF  }
0xa7: {  	s28 =	simm.s32 $_size_execute0_lowered;
	s3 =	sadd.s32 s3, s5;
	[dreg:$0x0] =	wrdreg $0x0  }
0xa8: {  	s5 =	sshll.u32 s28, $0x1;
	[dreg:$0x2] =	wrdreg s3  }
0xa9: {  	[dreg:$0x3] =	wrdreg s5  }
0xaa: {  	[dreg:$0x4] =	wrdreg $0xC0  }
0xab: {  	_ =	task [dreg:s7], $0x5FFFF  }
0xac: {  	[dreg:$0x1] =	wrdreg $0xFFFFFFFF  }
0xad: {  	[dreg:$0x0] =	wrdreg $0x60  }
0xae: {  	[dreg:$0x2] =	wrdreg s24  }
0xaf: {  	[dreg:$0x3] =	wrdreg s2  }
0xb0: {  	[dreg:$0x4] =	wrdreg $0x80C00  }
0xb1: {  	[dreg:$0x5] =	wrdreg $0x9  }
0xb2: {  	_ =	task.clear_ibuf [dreg:s7], $0x6FFFF;
	_ =	strace $0x90000046  }
0xb3: {  	s29 =	simm.s32 $0x9;
	_ =	strace $0x80000048  }
0xb4: {  	_ =	swait.ge [sflag:s29], $0x1  }
0xb5: {  	[sflag:s29] =	ssyncadd.s32 $0xFFFFFFFF  }
0xb6: {  	_ =	strace $0x90000048  }
0xb7: {  	_ =	sfence  }
0xb8: {  	s30 =	sld [smem:$0x0];
	_ =	sdelay $0x2  }
0xb9: {  	s31 =	sshll.u32 s1, $0xD;
	s1 =	sshrl.u32 s1, $0x2  }
0xba: {  	s3 =	sand.u32 $0x4000, s31;
	s1 =	sadd.s32 s1, s30  }
0xbb: {  	s0 =	sor.u32 s3, s0;
	s1 =	sshll.u32 s1, $0x11  }
0xbc: {  	s0 =	sor.u32 s1, s0  }
0xbd: {  	s0 =	sadd.s32 $0x8F2B, s0  }
0xbe: {  	[sflag:s0] =	ssyncadd.remote.s32 $0x1  }
0xbf: {  	_ =	sfence.sel $0xFFFF  }
0xc0: {  	[dreg:$0x0] =	wrdreg $0xFFFFFFFF;
	(pc) =	sbr.abs _section_cstart, $3  }
0xc1: {  	[dreg:$0x1] =	wrdreg $0xFFFFFFFF  }
0xc2: {  	_ =	task.clear_ibuf [dreg:s7], $0x2FFFF;
	_ =	strace $0x9FFFFFFF  }
0xc3: {  	(tm) =	ssettm $0x7FFFFFFF  }
tec
execute0_lowered:
.L_overlay_start_1:
0x0: {  	(tag) =	ssettag $0x1  }
0x1: {  	s0 =	rddreg [dreg:$0x0]  }
0x2: {  	s1 =	rddreg [dreg:$0x1]  }
0x3: {  	s2 =	rddreg [dreg:$0x2];
	s4 =	srdreg.scid  }
0x4: {  	s11 =	stileid.u32;
	s3 =	simm.s32 $0x0;
	s13 =	simm.s32 $0x7  }
0x5: {  	s14 =	simm.s32 $0x2710;
	s17 =	simm.s32 $0x50;
	s18 =	simm.s32 $0x4EC0  }
0x6: {  	s19 =	simm.s32 $0x4E20;
	s20 =	simm.s32 $0x1;
	s21 =	simm.s32 $0x3  }
0x7: {  	s22 =	simm.s32 $0x67C0;
	s28 =	simm.s32 $0x6;
	s29 =	simm.s32 $0x0  }
0x8: {  	s5 =	sand.u32 $0x1, s4;
	s6 =	smul.u32 $0x186A, s11;
	[smem:$0x7FF] =	sst s3  }
0x9: {  	s4 =	sadd.s32 $0x2800, s0;
	s9 =	sadd.s32 $0x2EA00, s0;
	s10 =	smul.u32 $0x30D40, s11  }
0xa: {  	s31 =	sshll.u32 s11, $0x6;
	s7 =	smul.u32 $0x186A0, s5;
	s8 =	sshll.u32 s5, $0x4  }
0xb: {  	_ =	strace $0x80000047;
	[dreg:$0x4] =	wrdreg s9;
	s5 =	ssub.s32 $0x2, s5  }
0xc: {  	s15 =	sor.u32 $0x1C07, s31;
	s8 =	sor.u32 s11, s8;
	s23 =	sshrl.u32 s5, $0x1  }
0xd: {  	s26 =	sshrl.u32 s10, $0x2;
	s7 =	sadd.s32 s6, s7;
	s8 =	smul.u32 $0x2710, s8  }
0xe: {  	s6 =	sadd.s32 $0x1B000, s0;
	s5 =	ssub.s32 s5, s23;
	s0 =	sadd.s32 s7, s0  }
0xf: {  	s23 =	simm.s32 $0x4E70;
	s24 =	sshrl.u32 s8, $0x3;
	s0 =	sadd.s32 $0x30400, s0  }
0x10: {  	s12 =	smax.u32 s5, $0x1;
	s25 =	sadd.s32 s6, s24;
	[dreg:$0x8] =	wrdreg s0  }
0x11: {  	s8 =	sadd.s32 $0x4E200, s8;
	s1 =	sadd.s32 s1, s24;
	[dreg:$0x5] =	wrdreg s25  }
0x12: {  	s30 =	sshrl.u32 s8, $0x3;
	s24 =	simm.s32 $0x2;
	[dreg:$0x6] =	wrdreg s1  }
0x13: {  	s1 =	sadd.s32 s26, s2;
	s7 =	sadd.s32 s6, s30;
	s25 =	simm.s32 $0x4  }
0x14: {  	s26 =	simm.s32 $0x5;
	[dreg:$0x7] =	wrdreg s7;
	s16 =	sshrl.u32 s1, $0x3  }
.LBB2_1:
0x15: {  	s0 =	rddreg [dreg:$0x5]  }
0x16: {  	[tilespmem:s3], [sflag:$0x7] =	stream.linear.gather [hbm4b:s0+s3], $0x2710, $0x38;
	[tilespmem:$0x14410] =	vst v63  }
0x17: {  	_ =	swait.ge [sflag:s13], $0x2710  }
0x18: {  	[sflag:s13] =	ssyncset.done $0x0  }
0x19: {  	s10 =	rddreg [dreg:$0x6];
	[sflag:s13] =	ssyncadd.s32 $0xFFFFD8F0  }
0x1a: {  	[tilespmem:s14], [sflag:$0x7] =	stream.linear.gather [hbm4b:s10+s3], $0x2710, $0x38;
	[tilespmem:$0x14410] =	vst v63  }
0x1b: {  	_ =	swait.ge [sflag:s13], $0x2710  }
0x1c: {  	[sflag:s13] =	ssyncset.done $0x0  }
0x1d: {  	s11 =	rddreg [dreg:$0x4];
	[sflag:s13] =	ssyncadd.s32 $0xFFFFD8F0  }
0x1e: {  	[spmem:s16], [sflag:s15] =	dma.local [hbm:s11], $0x186A  }
0x1f: {  	_ =	swait.ge [sflag:s13], $0x186A  }
0x20: {  	[sflag:s13] =	ssyncset.done $0x0  }
0x21: {  	[sflag:s13] =	ssyncadd.s32 $0xFFFFE796  }
0x22: {  	[bflag:$0x0] =	sbarrier.arrive $0xFFFF  }
0x23: {  	[tilespmem:s18], [sflag:$0x1] =	stream.indirect.gather [hbm4b:s4+s17], $0x50, s3, s17, $0xb8;
	[tilespmem:$0x14410] =	vst v63  }
0x24: {  	s30 =	simm.s32 $0x0;
	s31 =	rddreg [dreg:$0x7]  }
0x25: {  	[tilespmem:s19], [sflag:$0x3] =	stream.linear.gather [hbm4b:s31+s3], $0x50, $0x38;
	[tilespmem:$0x14410] =	vst v63  }
.LBB2_2:
0x26: {  	_ =	swait.ge [sflag:s20], $0x1900  }
0x27: {  	s0 =	smul.u32 $0xA0, s30;
	[sflag:s20] =	ssyncset.done $0x0  }
0x28: {  	[sflag:s20] =	ssyncadd.s32 $0xFFFFE700  }
0x29: {  	s5 =	sadd.s32 $0x0, s0;
	_ =	swait.ge [sflag:s21], $0x50  }
0x2a: {  	p0 =	seq.s32 s30, $0x0;
	v0 =	vmov s5;
	s7 =	sadd.s32 $0x2, s5;
	[sflag:s21] =	ssyncset.done $0x0  }
0x2b: {  	s1 =	simm.s32 @!p0 $0x6;
	s9 =	sadd.s32 $0x1, s5;
	v0 =	vand.u32 $0xFFFFFFFC, v0;
	v1 =	vmov s7;
	[sflag:s21] =	ssyncadd.s32 $0xFFFFFFB0  }
0x2c: {  	s31 =	sadd.s32 $0x50, s0;
	v2 =	vmov s9;
	v0 =	vbroadcast v0, $0x0;
	v1 =	vand.u32 $0xFFFFFFFE, v1;
	_ =	swait.ge @!p0 [sflag:s1], $0x1900  }
0x2d: {  	s10 =	sadd.s32 s31, s8;
	v2 =	vand.u32 $0xFFFFFFFD, v2;
	v1 =	vbroadcast v1, $0x0;
	[sflag:s1] =	ssyncset.done @!p0 $0x0  }
0x2e: {  	v2 =	vbroadcast v2, $0x0;
	[sflag:s1] =	ssyncadd.s32 @!p0 $0xFFFFE700;
	s1 =	sshrl.u32 s10, $0x3  }
0x2f: {  	[tilespmem:s22], [sflag:$0x2] =	stream.indirect.gather [hbm4b:s4+s17], $0x50, s31, s17, $0xb8;
	[tilespmem:$0x14410] =	vst v63  }
0x30: {  	s11 =	simm.s32 $0x0;
	s5 =	sadd.s32 $0x3, s5;
	s1 =	sadd.s32 s6, s1  }
0x31: {  	v3 =	vmov s5;
	[tilespmem:s23], [sflag:$0x4] =	stream.linear.gather [hbm4b:s1+s11], $0x50, $0x38;
	[tilespmem:$0x14410] =	vst v63  }
0x32: {  	v0 =	vld.idx.msk [tilespmem:v0+s14+$0x0], $0xffff  }
0x33: {  	v1 =	vld.idx.msk [tilespmem:v1+s14+$0x0], $0xffff  }
0x34: {  	s5 =	simm.s32 $0x4F60;
	v4 =	vld.idx.msk [tilespmem:v2+s14+$0x0], $0xffff  }
0x35: {  	v2 =	vld [tilespmem:s5+$0x30]  }
0x36: {  	v7 =	vld.idx.msk [tilespmem:v3+s14+$0x0], $0xffff  }
0x37: {  	v9 =	vld [tilespmem:s5+$0xFFFFFF60]  }
0x38: {  	v10 =	vld [tilespmem:s5+$0xFFFFFF70]  }
0x39: {  	v8 =	vld [tilespmem:s5+$0xFFFFFF80]  }
0x3a: {  	v3 =	vld [tilespmem:s5+$0xFFFFFF90];
	v1 =	vpack.i.f32.bf16 v1, v1  }
0x3b: {  	v5 =	vld [tilespmem:s5+$0xFFFFFFB0];
	v11 =	vmul.bf16 v2, v1;
	v2 =	vpack.i.f32.bf16 v0, v0  }
0x3c: {  	v6 =	vld [tilespmem:s5+$0xFFFFFFC0];
	v9 =	vmul.bf16 v9, v2  }
0x3d: {  	s9 =	sadd.s32 $0x4, s0;
	s7 =	simm.s32 $0x8;
	s1 =	simm.s32 $0x4F60;
	v4 =	vpack.i.f32.bf16 v4, v4;
	v0 =	vpack.i.f32.bf16 v7, v7;
	v7 =	vld [tilespmem:s5+$0xFFFFFFD0];
	v10 =	vmul.bf16 v10, v2;
	[tilespmem:s5+$0x30] =	vst v11  }
.LBB2_3:
0x3e: {  	p0 =	slt.u32 s7, $0x4C;
	v11 =	vmov s9;
	s10 =	sadd.s32 $0x1, s9;
	s11 =	sadd.s32 $0x2, s9;
	[tilespmem:s5+$0xFFFFFF60] =	vst v9;
	v8 =	vmul.bf16 v8, v2;
	v9 =	vld [tilespmem:s5+$0xFFFFFFE0]  }
0x3f: {  	s9 =	sadd.s32 $0x3, s9;
	v11 =	vand.u32 $0xFFFFFFFC, v11;
	v12 =	vmov s10;
	v13 =	vmov s11;
	[tilespmem:s5+$0xFFFFFF70] =	vst v10;
	v10 =	vld [tilespmem:s5+$0x0]  }
0x40: {  	v11 =	vbroadcast v11, $0x0;
	v12 =	vand.u32 $0xFFFFFFFD, v12;
	v13 =	vand.u32 $0xFFFFFFFE, v13;
	[tilespmem:s5+$0xFFFFFF80] =	vst v8;
	v8 =	vld [tilespmem:s5+$0x10]  }
0x41: {  	v14 =	vmov s9;
	v12 =	vbroadcast v12, $0x0;
	v13 =	vbroadcast v13, $0x0;
	v15 =	vld [tilespmem:s5+$0x20]  }
0x42: {  	v5 =	vmul.bf16 v5, v4;
	v6 =	vmul.bf16 v6, v4;
	v16 =	vld [tilespmem:s5+$0x50]  }
0x43: {  	v7 =	vmul.bf16 v7, v4;
	v4 =	vmul.bf16 v9, v4;
	v9 =	vld [tilespmem:s5+$0x60]  }
0x44: {  	v2 =	vmul.bf16 v3, v2;
	[tilespmem:s5+$0xFFFFFFB0] =	vst v5;
	v3 =	vmul.bf16 v10, v1;
	v5 =	vld [tilespmem:s5+$0x70]  }
0x45: {  	[tilespmem:s5+$0xFFFFFFC0] =	vst v6;
	v6 =	vmul.bf16 v8, v1;
	v8 =	vld [tilespmem:s5+$0x80]  }
0x46: {  	v10 =	vld.idx.msk [tilespmem:v11+s14+$0x0], $0xffff;
	[tilespmem:s5+$0xFFFFFFD0] =	vst v7;
	v1 =	vmul.bf16 v15, v1  }
0x47: {  	v7 =	vld.idx.msk [tilespmem:v13+s14+$0x0], $0xffff;
	[tilespmem:s5+$0xFFFFFFE0] =	vst v4;
	v4 =	vmul.bf16 v16, v0  }
0x48: {  	s5 =	sadd.s32 $0x140, s5;
	v11 =	vld.idx.msk [tilespmem:v12+s14+$0x0], $0xffff;
	[tilespmem:s1+$0x0] =	vst v3;
	v3 =	vmul.bf16 v9, v0  }
0x49: {  	v9 =	vld [tilespmem:s5+$0x30];
	[tilespmem:s1+$0x10] =	vst v6;
	v5 =	vmul.bf16 v5, v0  }
0x4a: {  	v12 =	vld.idx.msk [tilespmem:v14+s14+$0x0], $0xffff;
	[tilespmem:s1+$0x20] =	vst v1;
	v0 =	vmul.bf16 v8, v0  }
0x4b: {  	v6 =	vld [tilespmem:s5+$0xFFFFFF60];
	[tilespmem:s1+$0xFFFFFF90] =	vst v2  }
0x4c: {  	v2 =	vpack.i.f32.bf16 v10, v10;
	v10 =	vld [tilespmem:s5+$0xFFFFFF70];
	[tilespmem:s1+$0x50] =	vst v4  }
.Ltmp0:
0x4d: {  	v1 =	vpack.i.f32.bf16 v7, v7;
	v8 =	vld [tilespmem:s5+$0xFFFFFF80];
	[tilespmem:s1+$0x60] =	vst v3;
	(pc) =	sbr.rel @p0 .LBB2_3-.Ltmp0, $4  }
0x4e: {  	v4 =	vpack.i.f32.bf16 v11, v11;
	v3 =	vld [tilespmem:s5+$0xFFFFFF90];
	v7 =	vmul.bf16 v9, v1;
	[tilespmem:s1+$0x70] =	vst v5  }
0x4f: {  	v5 =	vld [tilespmem:s5+$0xFFFFFFB0];
	[tilespmem:s1+$0x80] =	vst v0;
	s1 =	smov.u32 s5  }
0x50: {  	v0 =	vpack.i.f32.bf16 v12, v12;
	v9 =	vmul.bf16 v6, v2;
	v6 =	vld [tilespmem:s5+$0xFFFFFFC0];
	[tilespmem:s5+$0x30] =	vst v7  }
0x51: {  	s9 =	sadd.s32 s0, s7;
	s7 =	sadd.s32 $0x4, s7;
	v10 =	vmul.bf16 v10, v2;
	v7 =	vld [tilespmem:s5+$0xFFFFFFD0]  }
0x52: {  	v12 =	vld [tilespmem:s5+$0xFFFFFFE0]  }
0x53: {  	v11 =	vmov s9;
	s7 =	sadd.s32 $0x2, s9;
	v14 =	vld [tilespmem:s5+$0x0]  }
0x54: {  	s10 =	sadd.s32 $0x1, s9;
	v16 =	vld [tilespmem:s5+$0x10];
	v11 =	vand.u32 $0xFFFFFFFC, v11;
	v13 =	vmov s7  }
0x55: {  	v17 =	vld [tilespmem:s5+$0x20];
	v15 =	vmov s10;
	v11 =	vbroadcast v11, $0x0;
	v13 =	vand.u32 $0xFFFFFFFE, v13  }
0x56: {  	[tilespmem:s5+$0xFFFFFF60] =	vst v9;
	v8 =	vmul.bf16 v8, v2;
	v62 =	vld [tilespmem:s5+$0x50];
	v15 =	vand.u32 $0xFFFFFFFD, v15;
	v13 =	vbroadcast v13, $0x0  }
0x57: {  	[tilespmem:s5+$0xFFFFFF70] =	vst v10;
	v10 =	vld [tilespmem:s5+$0x60];
	v2 =	vmul.bf16 v3, v2;
	v9 =	vbroadcast v15, $0x0  }
0x58: {  	s7 =	sadd.s32 $0x140, s5;
	v5 =	vmul.bf16 v5, v4;
	[tilespmem:s5+$0xFFFFFF80] =	vst v8;
	v8 =	vld [tilespmem:s5+$0x70]  }
0x59: {  	v6 =	vmul.bf16 v6, v4;
	[tilespmem:s1+$0xFFFFFF90] =	vst v2;
	v2 =	vld [tilespmem:s7+$0xFFFFFF70]  }
0x5a: {  	s11 =	sadd.s32 $0x3, s9;
	v7 =	vmul.bf16 v7, v4;
	[tilespmem:s5+$0xFFFFFFB0] =	vst v5;
	v5 =	vld [tilespmem:s5+$0x80]  }
0x5b: {  	v18 =	vmov s11;
	v4 =	vmul.bf16 v12, v4;
	[tilespmem:s5+$0xFFFFFFC0] =	vst v6;
	v6 =	vld.idx.msk [tilespmem:v11+s14+$0x0], $0xffff  }
0x5c: {  	[tilespmem:s5+$0xFFFFFFD0] =	vst v7;
	v11 =	vmul.bf16 v14, v1;
	v7 =	vld.idx.msk [tilespmem:v13+s14+$0x0], $0xffff  }
0x5d: {  	v63 =	vmul.bf16 v16, v1;
	[tilespmem:s5+$0xFFFFFFE0] =	vst v4;
	v1 =	vmul.bf16 v17, v1;
	v4 =	vld.idx.msk [tilespmem:v9+s14+$0x0], $0xffff  }
0x5e: {  	v9 =	vld [tilespmem:s7+$0x30];
	[tilespmem:s1+$0x0] =	vst v11  }
0x5f: {  	v11 =	vmul.bf16 v62, v0;
	[tilespmem:s1+$0x20] =	vst v1;
	v1 =	vld [tilespmem:s7+$0xFFFFFF60]  }
0x60: {  	v3 =	vld.idx.msk [tilespmem:v18+s14+$0x0], $0xffff;
	[tilespmem:s1+$0x10] =	vst v63;
	v8 =	vmul.bf16 v8, v0  }
0x61: {  	v10 =	vmul.bf16 v10, v0;
	v0 =	vmul.bf16 v5, v0;
	[tilespmem:s1+$0x50] =	vst v11;
	v11 =	vld [tilespmem:s7+$0xFFFFFF80];
	v6 =	vpack.i.f32.bf16 v6, v6  }
0x62: {  	[tilespmem:s1+$0x70] =	vst v8;
	v8 =	vld [tilespmem:s7+$0xFFFFFFC0];
	v5 =	vpack.i.f32.bf16 v7, v7;
	v2 =	vmul.bf16 v2, v6  }
0x63: {  	[tilespmem:s1+$0x80] =	vst v0;
	v7 =	vld [tilespmem:s7+$0xFFFFFFB0];
	v9 =	vmul.bf16 v9, v5  }
0x64: {  	v0 =	vmul.bf16 v1, v6;
	v1 =	vld [tilespmem:s7+$0xFFFFFFD0];
	[tilespmem:s7+$0xFFFFFF70] =	vst v2  }
0x65: {  	v2 =	vld [tilespmem:s7+$0x10];
	[tilespmem:s7+$0x30] =	vst v9  }
0x66: {  	v4 =	vpack.i.f32.bf16 v4, v4;
	v9 =	vld [tilespmem:s7+$0xFFFFFFE0];
	[tilespmem:s7+$0xFFFFFF60] =	vst v0;
	v0 =	vmul.bf16 v11, v6  }
0x67: {  	[tilespmem:s1+$0x60] =	vst v10;
	v10 =	vld [tilespmem:s7+$0x0];
	v8 =	vmul.bf16 v8, v4  }
0x68: {  	v7 =	vmul.bf16 v7, v4;
	[tilespmem:s7+$0xFFFFFF80] =	vst v0;
	v0 =	vld [tilespmem:s7+$0x20]  }
0x69: {  	v11 =	vld [tilespmem:s7+$0xFFFFFF90];
	[tilespmem:s7+$0xFFFFFFC0] =	vst v8;
	v1 =	vmul.bf16 v1, v4  }
0x6a: {  	[tilespmem:s7+$0xFFFFFFB0] =	vst v7;
	v7 =	vld [tilespmem:s7+$0x50];
	v2 =	vmul.bf16 v2, v5  }
0x6b: {  	v8 =	vld [tilespmem:s7+$0x60];
	v4 =	vmul.bf16 v9, v4;
	[tilespmem:s7+$0xFFFFFFD0] =	vst v1  }
0x6c: {  	v9 =	vmul.bf16 v10, v5;
	v1 =	vld [tilespmem:s7+$0x70];
	[tilespmem:s7+$0x10] =	vst v2  }
0x6d: {  	[tilespmem:s7+$0xFFFFFFE0] =	vst v4;
	v4 =	vld [tilespmem:s7+$0x80];
	v0 =	vmul.bf16 v0, v5  }
0x6e: {  	v3 =	vpack.i.f32.bf16 v3, v3;
	[tilespmem:s7+$0x0] =	vst v9;
	v5 =	vmul.bf16 v11, v6  }
0x6f: {  	v2 =	vmul.bf16 v7, v3;
	[tilespmem:s7+$0x20] =	vst v0  }
0x70: {  	v0 =	vmul.bf16 v8, v3;
	[tilespmem:s7+$0xFFFFFF90] =	vst v5  }
0x71: {  	v1 =	vmul.bf16 v1, v3;
	[tilespmem:s7+$0x50] =	vst v2  }
0x72: {  	[tilespmem:s7+$0x60] =	vst v0;
	v2 =	vmul.bf16 v4, v3  }
0x73: {  	[tilespmem:s7+$0x70] =	vst v1  }
0x74: {  	[tilespmem:s7+$0x80] =	vst v2  }
0x75: {  	[spmem:s2] =	stream.indirect.scatter.add.bf16 [tilespmem:s18], [sflag:$0x5], $0x50, s19, s17, $0xb8;
	[tilespmem:$0x14410] =	vst v63  }
0x76: {  	_ =	swait.ge [sflag:s24], $0x1900  }
0x77: {  	[sflag:s24] =	ssyncset.done $0x0  }
0x78: {  	[sflag:s24] =	ssyncadd.s32 $0xFFFFE700  }
0x79: {  	_ =	swait.ge [sflag:s25], $0x50  }
0x7a: {  	[sflag:s25] =	ssyncset.done $0x0  }
0x7b: {  	s1 =	sadd.s32 $0x0, s31;
	[sflag:s25] =	ssyncadd.s32 $0xFFFFFFB0  }
0x7c: {  	s9 =	sadd.s32 $0x2, s1;
	v0 =	vmov s1;
	_ =	swait.ge [sflag:s26], $0x1900  }
0x7d: {  	s10 =	sadd.s32 $0x1, s1;
	v0 =	vand.u32 $0xFFFFFFFC, v0;
	v1 =	vmov s9;
	[sflag:s26] =	ssyncset.done $0x0  }
0x7e: {  	s0 =	sadd.s32 $0xA0, s0;
	v0 =	vbroadcast v0, $0x0;
	v1 =	vand.u32 $0xFFFFFFFE, v1;
	v2 =	vmov s10;
	[sflag:s26] =	ssyncadd.s32 $0xFFFFE700  }
0x7f: {  	v1 =	vbroadcast v1, $0x0;
	v2 =	vand.u32 $0xFFFFFFFD, v2;
	[tilespmem:s18], [sflag:$0x1] =	stream.indirect.gather [hbm4b:s4+s17], $0x50, s0, s17, $0xb8;
	[tilespmem:$0x14410] =	vst v63  }
0x80: {  	v2 =	vbroadcast v2, $0x0;
	s0 =	sadd.s32 s0, s8  }
0x81: {  	s0 =	sshrl.u32 s0, $0x3  }
0x82: {  	s11 =	simm.s32 $0x0;
	s1 =	sadd.s32 $0x3, s1;
	s0 =	sadd.s32 s6, s0  }
0x83: {  	v3 =	vmov s1;
	[tilespmem:s19], [sflag:$0x3] =	stream.linear.gather [hbm4b:s0+s11], $0x50, $0x38;
	[tilespmem:$0x14410] =	vst v63  }
0x84: {  	v0 =	vld.idx.msk [tilespmem:v0+s14+$0x0], $0xffff  }
0x85: {  	v1 =	vld.idx.msk [tilespmem:v1+s14+$0x0], $0xffff  }
0x86: {  	s1 =	simm.s32 $0x6860;
	v4 =	vld.idx.msk [tilespmem:v2+s14+$0x0], $0xffff  }
0x87: {  	v2 =	vld [tilespmem:s1+$0x30]  }
0x88: {  	v7 =	vld.idx.msk [tilespmem:v3+s14+$0x0], $0xffff  }
0x89: {  	v9 =	vld [tilespmem:s1+$0xFFFFFF60]  }
0x8a: {  	v10 =	vld [tilespmem:s1+$0xFFFFFF70]  }
0x8b: {  	v8 =	vld [tilespmem:s1+$0xFFFFFF80]  }
0x8c: {  	v3 =	vld [tilespmem:s1+$0xFFFFFF90];
	v1 =	vpack.i.f32.bf16 v1, v1  }
0x8d: {  	v5 =	vld [tilespmem:s1+$0xFFFFFFB0];
	v11 =	vmul.bf16 v2, v1;
	v2 =	vpack.i.f32.bf16 v0, v0  }
0x8e: {  	v6 =	vld [tilespmem:s1+$0xFFFFFFC0];
	v9 =	vmul.bf16 v9, v2  }
0x8f: {  	s5 =	simm.s32 $0x8;
	s7 =	sadd.s32 $0x4, s31;
	s0 =	simm.s32 $0x6860;
	v4 =	vpack.i.f32.bf16 v4, v4;
	v0 =	vpack.i.f32.bf16 v7, v7;
	v7 =	vld [tilespmem:s1+$0xFFFFFFD0];
	v10 =	vmul.bf16 v10, v2;
	[tilespmem:s1+$0x30] =	vst v11  }
.LBB2_5:
0x90: {  	p0 =	slt.u32 s5, $0x4C;
	v11 =	vmov s7;
	s9 =	sadd.s32 $0x1, s7;
	s10 =	sadd.s32 $0x2, s7;
	[tilespmem:s1+$0xFFFFFF60] =	vst v9;
	v8 =	vmul.bf16 v8, v2;
	v9 =	vld [tilespmem:s1+$0xFFFFFFE0]  }
0x91: {  	s7 =	sadd.s32 $0x3, s7;
	v11 =	vand.u32 $0xFFFFFFFC, v11;
	v12 =	vmov s9;
	v13 =	vmov s10;
	[tilespmem:s1+$0xFFFFFF70] =	vst v10;
	v10 =	vld [tilespmem:s1+$0x0]  }
0x92: {  	v11 =	vbroadcast v11, $0x0;
	v12 =	vand.u32 $0xFFFFFFFD, v12;
	v13 =	vand.u32 $0xFFFFFFFE, v13;
	[tilespmem:s1+$0xFFFFFF80] =	vst v8;
	v8 =	vld [tilespmem:s1+$0x10]  }
0x93: {  	v14 =	vmov s7;
	v12 =	vbroadcast v12, $0x0;
	v13 =	vbroadcast v13, $0x0;
	v15 =	vld [tilespmem:s1+$0x20]  }
0x94: {  	v5 =	vmul.bf16 v5, v4;
	v6 =	vmul.bf16 v6, v4;
	v16 =	vld [tilespmem:s1+$0x50]  }
0x95: {  	v7 =	vmul.bf16 v7, v4;
	v4 =	vmul.bf16 v9, v4;
	v9 =	vld [tilespmem:s1+$0x60]  }
0x96: {  	v2 =	vmul.bf16 v3, v2;
	[tilespmem:s1+$0xFFFFFFB0] =	vst v5;
	v3 =	vmul.bf16 v10, v1;
	v5 =	vld [tilespmem:s1+$0x70]  }
0x97: {  	[tilespmem:s1+$0xFFFFFFC0] =	vst v6;
	v6 =	vmul.bf16 v8, v1;
	v8 =	vld [tilespmem:s1+$0x80]  }
0x98: {  	v10 =	vld.idx.msk [tilespmem:v11+s14+$0x0], $0xffff;
	[tilespmem:s1+$0xFFFFFFD0] =	vst v7;
	v1 =	vmul.bf16 v15, v1  }
0x99: {  	v7 =	vld.idx.msk [tilespmem:v13+s14+$0x0], $0xffff;
	[tilespmem:s1+$0xFFFFFFE0] =	vst v4;
	v4 =	vmul.bf16 v16, v0  }
0x9a: {  	s1 =	sadd.s32 $0x140, s1;
	v11 =	vld.idx.msk [tilespmem:v12+s14+$0x0], $0xffff;
	[tilespmem:s0+$0x0] =	vst v3;
	v3 =	vmul.bf16 v9, v0  }
0x9b: {  	v9 =	vld [tilespmem:s1+$0x30];
	[tilespmem:s0+$0x10] =	vst v6;
	v5 =	vmul.bf16 v5, v0  }
0x9c: {  	v12 =	vld.idx.msk [tilespmem:v14+s14+$0x0], $0xffff;
	[tilespmem:s0+$0x20] =	vst v1;
	v0 =	vmul.bf16 v8, v0  }
0x9d: {  	v6 =	vld [tilespmem:s1+$0xFFFFFF60];
	[tilespmem:s0+$0xFFFFFF90] =	vst v2  }
0x9e: {  	v2 =	vpack.i.f32.bf16 v10, v10;
	v10 =	vld [tilespmem:s1+$0xFFFFFF70];
	[tilespmem:s0+$0x50] =	vst v4  }
.Ltmp1:
0x9f: {  	v1 =	vpack.i.f32.bf16 v7, v7;
	v8 =	vld [tilespmem:s1+$0xFFFFFF80];
	[tilespmem:s0+$0x60] =	vst v3;
	(pc) =	sbr.rel @p0 .LBB2_5-.Ltmp1, $4  }
0xa0: {  	v4 =	vpack.i.f32.bf16 v11, v11;
	v3 =	vld [tilespmem:s1+$0xFFFFFF90];
	v7 =	vmul.bf16 v9, v1;
	[tilespmem:s0+$0x70] =	vst v5  }
0xa1: {  	v5 =	vld [tilespmem:s1+$0xFFFFFFB0];
	[tilespmem:s0+$0x80] =	vst v0;
	s0 =	smov.u32 s1  }
0xa2: {  	v0 =	vpack.i.f32.bf16 v12, v12;
	v9 =	vmul.bf16 v6, v2;
	v6 =	vld [tilespmem:s1+$0xFFFFFFC0];
	[tilespmem:s1+$0x30] =	vst v7  }
0xa3: {  	s7 =	sadd.s32 s31, s5;
	s5 =	sadd.s32 $0x4, s5;
	v10 =	vmul.bf16 v10, v2;
	v7 =	vld [tilespmem:s1+$0xFFFFFFD0]  }
0xa4: {  	v12 =	vld [tilespmem:s1+$0xFFFFFFE0]  }
0xa5: {  	v14 =	vld [tilespmem:s1+$0x0]  }
0xa6: {  	v16 =	vld [tilespmem:s1+$0x10]  }
0xa7: {  	v17 =	vld [tilespmem:s1+$0x20]  }
0xa8: {  	[tilespmem:s1+$0xFFFFFF60] =	vst v9;
	v8 =	vmul.bf16 v8, v2;
	v25 =	vld [tilespmem:s1+$0x50]  }
0xa9: {  	v26 =	vld [tilespmem:s1+$0x60];
	s11 =	sadd.s32 $0x3, s7;
	[tilespmem:s1+$0xFFFFFF70] =	vst v10;
	v37 =	vmul.bf16 v3, v2  }
0xaa: {  	v11 =	vmov s7;
	v27 =	vld [tilespmem:s1+$0x70];
	v18 =	vmov s11;
	v5 =	vmul.bf16 v5, v4;
	[tilespmem:s1+$0xFFFFFF80] =	vst v8  }
0xab: {  	v28 =	vld [tilespmem:s1+$0x80];
	s31 =	sadd.s32 $0x140, s1;
	v11 =	vand.u32 $0xFFFFFFFC, v11;
	v6 =	vmul.bf16 v6, v4;
	[tilespmem:s0+$0xFFFFFF90] =	vst v37  }
0xac: {  	v36 =	vld [tilespmem:s31+$0x30];
	v11 =	vbroadcast v11, $0x0;
	v7 =	vmul.bf16 v7, v4;
	[tilespmem:s1+$0xFFFFFFB0] =	vst v5  }
0xad: {  	s5 =	sadd.s32 $0x2, s7;
	v40 =	vld [tilespmem:s31+$0xFFFFFF60];
	v29 =	vmul.bf16 v12, v4;
	[tilespmem:s1+$0xFFFFFFC0] =	vst v6  }
0xae: {  	s9 =	sadd.s32 $0x1, s7;
	v13 =	vmov s5;
	v55 =	vld [tilespmem:s31+$0x50];
	v31 =	vmul.bf16 v14, v1;
	[tilespmem:s1+$0xFFFFFFD0] =	vst v7  }
0xaf: {  	v15 =	vmov s9;
	v13 =	vand.u32 $0xFFFFFFFE, v13;
	v33 =	vmul.bf16 v16, v1;
	v38 =	vld.idx.msk [tilespmem:v18+s14+$0x0], $0xffff;
	[tilespmem:s1+$0xFFFFFFE0] =	vst v29  }
0xb0: {  	v56 =	vld [tilespmem:s31+$0x60];
	v15 =	vand.u32 $0xFFFFFFFD, v15;
	v13 =	vbroadcast v13, $0x0;
	v35 =	vmul.bf16 v17, v1;
	[tilespmem:s0+$0x0] =	vst v31  }
0xb1: {  	v59 =	vld [tilespmem:s31+$0x80];
	v24 =	vbroadcast v15, $0x0;
	v39 =	vmul.bf16 v25, v0;
	[tilespmem:s0+$0x10] =	vst v33  }
0xb2: {  	v10 =	vmul.bf16 v26, v0;
	[tilespmem:s0+$0x20] =	vst v35;
	v30 =	vld.idx.msk [tilespmem:v11+s14+$0x0], $0xffff  }
0xb3: {  	v41 =	vld [tilespmem:s31+$0xFFFFFF70];
	v8 =	vmul.bf16 v27, v0;
	[tilespmem:s0+$0x50] =	vst v39  }
0xb4: {  	v42 =	vld [tilespmem:s31+$0xFFFFFF80];
	v43 =	vmul.bf16 v28, v0;
	[tilespmem:s0+$0x60] =	vst v10;
	v3 =	vpack.i.f32.bf16 v38, v38  }
0xb5: {  	v54 =	vld [tilespmem:s31+$0xFFFFFF90];
	[tilespmem:s0+$0x70] =	vst v8;
	v61 =	vmul.bf16 v55, v3  }
0xb6: {  	[tilespmem:s0+$0x80] =	vst v43;
	v32 =	vld.idx.msk [tilespmem:v13+s14+$0x0], $0xffff;
	v62 =	vmul.bf16 v56, v3  }
0xb7: {  	v34 =	vld.idx.msk [tilespmem:v24+s14+$0x0], $0xffff;
	v63 =	vmul.bf16 v59, v3;
	v6 =	vpack.i.f32.bf16 v30, v30;
	[tilespmem:s31+$0x50] =	vst v61  }
0xb8: {  	v45 =	vld [tilespmem:s31+$0xFFFFFFB0];
	v47 =	vmul.bf16 v40, v6;
	[tilespmem:s31+$0x60] =	vst v62  }
0xb9: {  	v46 =	vld [tilespmem:s31+$0xFFFFFFC0];
	v2 =	vmul.bf16 v41, v6;
	[tilespmem:s31+$0x80] =	vst v63  }
0xba: {  	v48 =	vld [tilespmem:s31+$0xFFFFFFD0];
	v50 =	vmul.bf16 v42, v6;
	[tilespmem:s31+$0xFFFFFF60] =	vst v47  }
0xbb: {  	v49 =	vld [tilespmem:s31+$0xFFFFFFE0];
	v44 =	vpack.i.f32.bf16 v32, v32;
	v60 =	vmul.bf16 v54, v6;
	[tilespmem:s31+$0xFFFFFF70] =	vst v2  }
0xbc: {  	v51 =	vld [tilespmem:s31+$0x0];
	v4 =	vpack.i.f32.bf16 v34, v34;
	v9 =	vmul.bf16 v36, v44;
	[tilespmem:s31+$0xFFFFFF80] =	vst v50  }
0xbd: {  	v53 =	vld [tilespmem:s31+$0x20];
	v7 =	vmul.bf16 v45, v4;
	[tilespmem:s31+$0xFFFFFF90] =	vst v60  }
0xbe: {  	v52 =	vld [tilespmem:s31+$0x10];
	v8 =	vmul.bf16 v46, v4;
	[tilespmem:s31+$0x30] =	vst v9  }
0xbf: {  	v58 =	vld [tilespmem:s31+$0x70];
	v1 =	vmul.bf16 v48, v4;
	[tilespmem:s31+$0xFFFFFFB0] =	vst v7  }
0xc0: {  	v4 =	vmul.bf16 v49, v4;
	[tilespmem:s31+$0xFFFFFFC0] =	vst v8  }
0xc1: {  	s30 =	sadd.s32 $0x1, s30;
	v57 =	vmul.bf16 v51, v44;
	[tilespmem:s31+$0xFFFFFFD0] =	vst v1  }
0xc2: {  	p0 =	sne.s32 s30, $0x3E;
	v0 =	vmul.bf16 v53, v44;
	[tilespmem:s31+$0xFFFFFFE0] =	vst v4  }
.Ltmp2:
0xc3: {  	v2 =	vmul.bf16 v52, v44;
	[tilespmem:s31+$0x0] =	vst v57;
	(pc) =	sbr.rel @p0 .LBB2_2-.Ltmp2, $4  }
0xc4: {  	[tilespmem:s31+$0x20] =	vst v0;
	v1 =	vmul.bf16 v58, v3  }
0xc5: {  	[tilespmem:s31+$0x10] =	vst v2  }
0xc6: {  	[tilespmem:s31+$0x70] =	vst v1  }
0xc7: {  	[spmem:s2] =	stream.indirect.scatter.add.bf16 [tilespmem:s22], [sflag:$0x6], $0x50, s23, s17, $0xb8;
	[tilespmem:$0x14410] =	vst v63  }
0xc8: {  	s0 =	simm.s32 $0x0;
	_ =	swait.ge [sflag:s20], $0x1900  }
0xc9: {  	v0 =	vmov s0;
	[sflag:s20] =	ssyncset.done $0x0  }
0xca: {  	s10 =	simm.s32 $0x3;
	s11 =	simm.s32 $0x2;
	v0 =	vadd.s32 $0x26C0, v0;
	[sflag:s20] =	ssyncadd.s32 $0xFFFFE700  }
0xcb: {  	v1 =	vmov s10;
	v3 =	vmov s11;
	v0 =	vand.u32 $0xFFFFFFFC, v0;
	_ =	swait.ge [sflag:s21], $0x50  }
0xcc: {  	v1 =	vadd.s32 $0x26C0, v1;
	v3 =	vadd.s32 $0x26C0, v3;
	v0 =	vbroadcast v0, $0x0;
	[sflag:s21] =	ssyncset.done $0x0  }
0xcd: {  	v3 =	vand.u32 $0xFFFFFFFE, v3;
	v1 =	vbroadcast v1, $0x0;
	[sflag:s21] =	ssyncadd.s32 $0xFFFFFFB0  }
0xce: {  	v3 =	vbroadcast v3, $0x0;
	_ =	swait.ge [sflag:s28], $0x1900  }
0xcf: {  	s1 =	simm.s32 $0x1;
	[sflag:s28] =	ssyncset.done $0x0  }
0xd0: {  	v2 =	vmov s1;
	s0 =	simm.s32 $0x4F60;
	[sflag:s28] =	ssyncadd.s32 $0xFFFFE700  }
0xd1: {  	v2 =	vadd.s32 $0x26C0, v2;
	v6 =	vld [tilespmem:s0+$0x30]  }
0xd2: {  	v2 =	vand.u32 $0xFFFFFFFD, v2;
	v5 =	vld.idx.msk [tilespmem:v0+s14+$0x0], $0xffff  }
0xd3: {  	v2 =	vbroadcast v2, $0x0;
	v0 =	vld.idx.msk [tilespmem:v1+s14+$0x0], $0xffff  }
0xd4: {  	v1 =	vld.idx.msk [tilespmem:v3+s14+$0x0], $0xffff  }
0xd5: {  	v8 =	vld [tilespmem:s0+$0xFFFFFF60]  }
0xd6: {  	v9 =	vld [tilespmem:s0+$0xFFFFFF70]  }
0xd7: {  	v13 =	vld [tilespmem:s0+$0xFFFFFF80]  }
0xd8: {  	v4 =	vld [tilespmem:s0+$0xFFFFFF90]  }
0xd9: {  	s30 =	simm.s32 $0x4;
	v2 =	vld.idx.msk [tilespmem:v2+s14+$0x0], $0xffff;
	v1 =	vpack.i.f32.bf16 v1, v1  }
0xda: {  	s31 =	simm.s32 $0x7;
	v10 =	vmov s30;
	v3 =	vld [tilespmem:s0+$0xFFFFFFB0];
	v7 =	vpack.i.f32.bf16 v5, v5;
	v12 =	vmul.bf16 v6, v1  }
0xdb: {  	s5 =	simm.s32 $0x5;
	v14 =	vmov s31;
	v5 =	vld [tilespmem:s0+$0xFFFFFFC0];
	v6 =	vadd.s32 $0x26C0, v10;
	v8 =	vmul.bf16 v8, v7  }
0xdc: {  	v15 =	vmov s5;
	v10 =	vmul.bf16 v9, v7;
	v11 =	vand.u32 $0xFFFFFFFC, v6;
	v6 =	vld [tilespmem:s0+$0xFFFFFFD0];
	[tilespmem:s0+$0x30] =	vst v12  }
0xdd: {  	s7 =	simm.s32 $0x6;
	s5 =	simm.s32 $0x8;
	s1 =	simm.s32 $0x4F60;
	v9 =	vadd.s32 $0x26C0, v15;
	v13 =	vmul.bf16 v13, v7;
	v12 =	vadd.s32 $0x26C0, v14;
	[tilespmem:s0+$0xFFFFFF60] =	vst v8;
	v8 =	vld [tilespmem:s0+$0xFFFFFFE0]  }
.LBB2_8:
0xde: {  	p0 =	slt.u32 s5, $0x4C;
	v14 =	vmov s7;
	[tilespmem:s0+$0xFFFFFF70] =	vst v10;
	v4 =	vmul.bf16 v4, v7;
	v2 =	vpack.i.f32.bf16 v2, v2;
	v7 =	vld [tilespmem:s0+$0x0]  }
0xdf: {  	v10 =	vbroadcast v11, $0x0;
	v11 =	vadd.s32 $0x26C0, v14;
	[tilespmem:s0+$0xFFFFFF80] =	vst v13;
	v3 =	vmul.bf16 v3, v2;
	v13 =	vld [tilespmem:s0+$0x10]  }
0xe0: {  	v12 =	vbroadcast v12, $0x0;
	v11 =	vand.u32 $0xFFFFFFFE, v11;
	[tilespmem:s0+$0xFFFFFF90] =	vst v4;
	v4 =	vmul.bf16 v5, v2;
	v5 =	vld [tilespmem:s0+$0x20]  }
0xe1: {  	v9 =	vand.u32 $0xFFFFFFFD, v9;
	v11 =	vbroadcast v11, $0x0;
	[tilespmem:s0+$0xFFFFFFB0] =	vst v3;
	v3 =	vmul.bf16 v6, v2;
	v6 =	vld [tilespmem:s0+$0x50]  }
0xe2: {  	v9 =	vbroadcast v9, $0x0;
	[tilespmem:s0+$0xFFFFFFC0] =	vst v4;
	v2 =	vmul.bf16 v8, v2;
	v4 =	vld [tilespmem:s0+$0x60]  }
0xe3: {  	[tilespmem:s0+$0xFFFFFFD0] =	vst v3;
	v3 =	vmul.bf16 v7, v1;
	v7 =	vld [tilespmem:s0+$0x70]  }
0xe4: {  	[tilespmem:s0+$0xFFFFFFE0] =	vst v2;
	v2 =	vmul.bf16 v13, v1;
	v8 =	vld [tilespmem:s0+$0x80]  }
0xe5: {  	v10 =	vld.idx.msk [tilespmem:v10+s14+$0x0], $0xffff;
	[tilespmem:s0+$0x0] =	vst v3;
	v1 =	vmul.bf16 v5, v1;
	v3 =	vpack.i.f32.bf16 v0, v0  }
0xe6: {  	v0 =	vld.idx.msk [tilespmem:v12+s14+$0x0], $0xffff;
	[tilespmem:s0+$0x10] =	vst v2;
	v5 =	vmul.bf16 v6, v3  }
0xe7: {  	v6 =	vld.idx.msk [tilespmem:v11+s14+$0x0], $0xffff;
	[tilespmem:s0+$0x20] =	vst v1;
	v1 =	vmul.bf16 v4, v3  }
0xe8: {  	s0 =	sadd.s32 $0x140, s0;
	v2 =	vld.idx.msk [tilespmem:v9+s14+$0x0], $0xffff;
	[tilespmem:s1+$0x50] =	vst v5;
	v4 =	vmul.bf16 v7, v3  }
0xe9: {  	v5 =	vld [tilespmem:s0+$0x30];
	[tilespmem:s1+$0x60] =	vst v1;
	v1 =	vmul.bf16 v8, v3  }
0xea: {  	v8 =	vld [tilespmem:s0+$0xFFFFFF60];
	[tilespmem:s1+$0x70] =	vst v4  }
0xeb: {  	v9 =	vld [tilespmem:s0+$0xFFFFFF70];
	[tilespmem:s1+$0x80] =	vst v1;
	s1 =	smov.u32 s0  }
0xec: {  	v13 =	vld [tilespmem:s0+$0xFFFFFF80]  }
.Ltmp3:
0xed: {  	v1 =	vpack.i.f32.bf16 v6, v6;
	v4 =	vld [tilespmem:s0+$0xFFFFFF90];
	(pc) =	sbr.rel @p0 .LBB2_8-.Ltmp3, $4  }
0xee: {  	s7 =	sadd.s32 $0x3, s5;
	v7 =	vpack.i.f32.bf16 v10, v10;
	v6 =	vmov s5;
	v3 =	vld [tilespmem:s0+$0xFFFFFFB0];
	v12 =	vmul.bf16 v5, v1  }
0xef: {  	s9 =	sadd.s32 $0x1, s5;
	v14 =	vmov s7;
	v6 =	vadd.s32 $0x26C0, v6;
	v8 =	vmul.bf16 v8, v7;
	v5 =	vld [tilespmem:s0+$0xFFFFFFC0]  }
0xf0: {  	v15 =	vmov s9;
	v11 =	vand.u32 $0xFFFFFFFC, v6;
	v10 =	vmul.bf16 v9, v7;
	v6 =	vld [tilespmem:s0+$0xFFFFFFD0];
	[tilespmem:s0+$0x30] =	vst v12  }
0xf1: {  	s7 =	sadd.s32 $0x2, s5;
	s5 =	sadd.s32 $0x4, s5;
	v9 =	vadd.s32 $0x26C0, v15;
	v12 =	vadd.s32 $0x26C0, v14;
	[tilespmem:s0+$0xFFFFFF60] =	vst v8;
	v13 =	vmul.bf16 v13, v7;
	v8 =	vld [tilespmem:s0+$0xFFFFFFE0]  }
0xf2: {  	v15 =	vld [tilespmem:s0+$0x0]  }
0xf3: {  	v16 =	vld [tilespmem:s0+$0x10]  }
0xf4: {  	v17 =	vld [tilespmem:s0+$0x20]  }
0xf5: {  	v18 =	vld [tilespmem:s0+$0x50]  }
0xf6: {  	v11 =	vbroadcast v11, $0x0;
	[tilespmem:s0+$0xFFFFFF70] =	vst v10;
	v4 =	vmul.bf16 v4, v7;
	v2 =	vpack.i.f32.bf16 v2, v2;
	v63 =	vld [tilespmem:s0+$0x60]  }
0xf7: {  	v19 =	vld [tilespmem:s0+$0x70];
	[tilespmem:s0+$0xFFFFFF80] =	vst v13;
	v3 =	vmul.bf16 v3, v2  }
0xf8: {  	v21 =	vld [tilespmem:s0+$0x80];
	s5 =	sadd.s32 $0x140, s0;
	[tilespmem:s0+$0xFFFFFF90] =	vst v4;
	v20 =	vmul.bf16 v5, v2  }
0xf9: {  	v31 =	vld [tilespmem:s5+$0xFFFFFF60];
	[tilespmem:s0+$0xFFFFFFB0] =	vst v3;
	v22 =	vmul.bf16 v6, v2  }
0xfa: {  	v12 =	vbroadcast v12, $0x0;
	v33 =	vld [tilespmem:s5+$0xFFFFFF70];
	[tilespmem:s0+$0xFFFFFFC0] =	vst v20;
	v2 =	vmul.bf16 v8, v2  }
0xfb: {  	v35 =	vld [tilespmem:s5+$0xFFFFFF80];
	[tilespmem:s0+$0xFFFFFFD0] =	vst v22;
	v25 =	vmul.bf16 v15, v1  }
0xfc: {  	v27 =	vmul.bf16 v16, v1;
	v23 =	vld.idx.msk [tilespmem:v11+s14+$0x0], $0xffff;
	[tilespmem:s0+$0xFFFFFFE0] =	vst v2  }
0xfd: {  	v9 =	vand.u32 $0xFFFFFFFD, v9;
	v0 =	vpack.i.f32.bf16 v0, v0;
	v36 =	vld [tilespmem:s5+$0xFFFFFF90];
	v28 =	vmul.bf16 v17, v1;
	[tilespmem:s0+$0x0] =	vst v25  }
0xfe: {  	v62 =	vbroadcast v9, $0x0;
	v39 =	vld [tilespmem:s5+$0xFFFFFFB0];
	v30 =	vmul.bf16 v18, v0;
	[tilespmem:s0+$0x10] =	vst v27  }
0xff: {  	v14 =	vmov s7;
	v52 =	vld [tilespmem:s5+$0x50];
	v32 =	vmul.bf16 v63, v0;
	[tilespmem:s0+$0x20] =	vst v28  }
0x100: {  	v14 =	vadd.s32 $0x26C0, v14;
	v34 =	vmul.bf16 v19, v0;
	v24 =	vld.idx.msk [tilespmem:v12+s14+$0x0], $0xffff;
	[tilespmem:s1+$0x50] =	vst v30  }
0x101: {  	v54 =	vld [tilespmem:s5+$0x60];
	v14 =	vand.u32 $0xFFFFFFFE, v14;
	v0 =	vmul.bf16 v21, v0;
	[tilespmem:s1+$0x60] =	vst v32;
	v38 =	vpack.i.f32.bf16 v23, v23  }
0x102: {  	v56 =	vld [tilespmem:s5+$0x70];
	v14 =	vbroadcast v14, $0x0;
	[tilespmem:s1+$0x70] =	vst v34;
	v40 =	vmul.bf16 v31, v38  }
0x103: {  	v58 =	vld [tilespmem:s5+$0x80];
	[tilespmem:s1+$0x80] =	vst v0;
	v9 =	vmul.bf16 v33, v38  }
0x104: {  	v7 =	vld.idx.msk [tilespmem:v62+s14+$0x0], $0xffff;
	v43 =	vmul.bf16 v35, v38;
	[tilespmem:s5+$0xFFFFFF60] =	vst v40  }
0x105: {  	v41 =	vld [tilespmem:s5+$0xFFFFFFC0];
	v4 =	vpack.i.f32.bf16 v24, v24;
	v1 =	vmul.bf16 v36, v38;
	[tilespmem:s5+$0xFFFFFF70] =	vst v9  }
0x106: {  	v42 =	vld [tilespmem:s5+$0xFFFFFFD0];
	v60 =	vmul.bf16 v52, v4;
	[tilespmem:s5+$0xFFFFFF80] =	vst v43  }
0x107: {  	v44 =	vld [tilespmem:s5+$0xFFFFFFE0];
	v61 =	vmul.bf16 v54, v4;
	[tilespmem:s5+$0xFFFFFF90] =	vst v1  }
0x108: {  	v26 =	vld.idx.msk [tilespmem:v14+s14+$0x0], $0xffff;
	v62 =	vmul.bf16 v56, v4;
	[tilespmem:s5+$0x50] =	vst v60  }
0x109: {  	v29 =	vld [tilespmem:s5+$0x30];
	v45 =	vpack.i.f32.bf16 v7, v7;
	v63 =	vmul.bf16 v58, v4;
	[tilespmem:s5+$0x60] =	vst v61  }
0x10a: {  	v46 =	vld [tilespmem:s5+$0x0];
	v47 =	vmul.bf16 v39, v45;
	[tilespmem:s5+$0x70] =	vst v62  }
0x10b: {  	v48 =	vld [tilespmem:s5+$0x10];
	v49 =	vmul.bf16 v41, v45;
	[tilespmem:s5+$0x80] =	vst v63  }
0x10c: {  	v50 =	vld [tilespmem:s5+$0x20];
	v51 =	vmul.bf16 v42, v45;
	[tilespmem:s5+$0xFFFFFFB0] =	vst v47  }
0x10d: {  	v53 =	vmul.bf16 v44, v45;
	v37 =	vpack.i.f32.bf16 v26, v26;
	[tilespmem:s5+$0xFFFFFFC0] =	vst v49  }
0x10e: {  	v3 =	vmul.bf16 v29, v37;
	[tilespmem:s5+$0xFFFFFFD0] =	vst v51  }
0x10f: {  	v55 =	vmul.bf16 v46, v37;
	[tilespmem:s5+$0xFFFFFFE0] =	vst v53  }
0x110: {  	v57 =	vmul.bf16 v48, v37;
	[tilespmem:s5+$0x30] =	vst v3  }
0x111: {  	v59 =	vmul.bf16 v50, v37;
	[tilespmem:s5+$0x0] =	vst v55  }
0x112: {  	[tilespmem:s5+$0x10] =	vst v57  }
0x113: {  	[tilespmem:s5+$0x20] =	vst v59  }
0x114: {  	[spmem:s2] =	stream.indirect.scatter.add.bf16 [tilespmem:s18], [sflag:$0x5], $0x50, s19, s17, $0xb8;
	[tilespmem:$0x14410] =	vst v63  }
0x115: {  	_ =	swait.ge [sflag:s26], $0x1900  }
0x116: {  	[sflag:s26] =	ssyncset.done $0x0  }
0x117: {  	s29 =	sadd.s32 $0x1, s29;
	[sflag:s26] =	ssyncadd.s32 $0xFFFFE700  }
0x118: {  	p0 =	sne.s32 s29, s12;
	[bflag:$0x0] =	sbarrier.arrive $0xFFFF  }
.Ltmp4:
0x119: {  	s31 =	rddreg [dreg:$0x8];
	(pc) =	sbr.rel @p0 .LBB2_1-.Ltmp4, $4  }
0x11a: {  	[hbm:s31], [sflag:s15] =	dma.local [spmem:s16], $0x186A  }
0x11b: {  	_ =	swait.ge [sflag:s13], $0x186A  }
0x11c: {  	[sflag:s13] =	ssyncset.done $0x0  }
0x11d: {  	[sflag:s13] =	ssyncadd.s32 $0xFFFFE796  }
0x11e: {  	_ =	sfence.sel $0x180000  }
0x11f: {  	[bflag:$0x0] =	sbarrier.arrive $0xFFFF  }
0x120: {  	_ =	strace $0x90000047  }
0x121: {  	s0 =	stileid.u32;
	[bflag:$0x2] =	sbarrier.arrive $0xFFFF  }
0x122: {  	p0 =	sne.s32 s0, $0x0;
	s0 =	rddreg [dreg:$0x3]  }
0x123: {  	s0 =	sadd.s32 @!p0 $0x100000, s0  }
0x124: {  	[sflag:s0] =	ssyncadd.tile.s32 @!p0 $0x1;
	_ =	shalt  }
.Lfunc_end2:
_tile_overlayer_lowered:
.L_overlay_start_2:
0x125: {  	(tag) =	ssettag $0x2  }
0x126: {  	s0 =	rddreg [dreg:$0x0];
	s2 =	stileid.u32  }
0x127: {  	s1 =	rddreg [dreg:$0x1];
	p0 =	sne.s32 s2, $0x0  }
0x128: {  	s3 =	rddreg [dreg:$0x2];
	[bflag:$0x3] =	sbarrier.arrive $0xFFFF;
	s2 =	simm.s32 @!p0 $0x1C07  }
0x129: {  	[timem:s3], [sflag:s2] =	dma.local @!p0 [hbm:s0], s1  }
0x12a: {  	s0 =	simm.s32 @!p0 $0x7  }
0x12b: {  	_ =	swait.ge @!p0 [sflag:s0], s1  }
0x12c: {  	s1 =	ssub.s32 @!p0 $0x0, s1;
	[sflag:s0] =	ssyncset.done @!p0 $0x0  }
0x12d: {  	[sflag:s0] =	ssyncadd.s32 @!p0 s1  }
0x12e: {  	[bflag:$0x3] =	sbarrier.arrive $0xFFFF  }
0x12f: {  	_ =	shalt  }

// kernel: kernel.13.cloned.1.call-start
scs
__scs_entry_jumppad:
0x0: {  	(pc) =	sbr.rel $0x88, $3  }
0x1: {  	(tag) =	ssettag $0x0;
	lr =	simm.s32 $0x1  }
0x2: {  	[smem:$0x3F94] =	sst lr;
	_ =	strace $0xD0000000  }
0x3: {  	_ = 	snop  }
0x4: {  	_ = 	snop  }
0x5: {  	_ = 	snop  }
0x6: {  	_ = 	snop  }
0x7: {  	_ = 	snop  }
__scs_overlays_trampoline_lowered:
0x8: {  	[smem:$0x3FA3] =	sst s0  }
0x9: {  	[smem:$0x3FA4] =	sst s1  }
0xa: {  	[smem:$0x3FA5] =	sst s2  }
0xb: {  	[smem:$0x3FA6] =	sst s3  }
0xc: {  	[smem:$0x3FA7] =	sst s4  }
0xd: {  	[smem:$0x3FA8] =	sst s5  }
0xe: {  	[smem:$0x3FA9] =	sst s6  }
0xf: {  	[smem:$0x3FAA] =	sst s7  }
0x10: {  	[smem:$0x3FAB] =	sst s8  }
0x11: {  	[smem:$0x3FAC] =	sst s9;
	s0 =	simm.s32 @!p0 $0x0  }
0x12: {  	s1 =	sld [smem:$0x3F92];
	s0 =	simm.s32 @p0 $0x1  }
0x13: {  	[smem:$0x3FAD] =	sst s0;
	s0 =	simm.s32 @!p1 $0x0  }
0x14: {  	s2 =	sld [smem:$0x3F91];
	s0 =	simm.s32 @p1 $0x1  }
0x15: {  	[smem:$0x3FAE] =	sst s0;
	s0 =	simm.s32 @!p2 $0x0  }
0x16: {  	s3 =	sld [smem:$0x3FDB];
	s0 =	simm.s32 @p2 $0x1  }
0x17: {  	s4 =	simm.s32 $0x1BF5;
	[smem:$0x3FB0] =	sst s0  }
0x18: {  	s0 =	sld [smem:$0x3F93];
	_ =	swait.ge [sflag:s4], $0x0  }
0x19: {  	s7 =	sld [smem:$0x3F94]  }
0x1a: {  	s8 =	sadd.s32 $0xFFFFE003, lr  }
0x1b: {  	s9 =	sadd.s32 $0xFFFFFEF7, lr;
	s5 =	simm.s32 $0xFFFFFFFF;
	p2 =	slt.u32 s8, $0xFFFFF086  }
0x1c: {  	p1 =	slt.u32 s9, $0xF7A;
	s5 =	simm.s32 @!p2 $0x0  }
0x1d: {  	s5 =	simm.s32 @p1 $0x1;
	p0 =	seq.s32 s7, s2  }
0x1e: {  	s7 =	smul.u32 @!p0 $0xF7A, s2;
	p2 =	seq.s32 @!p0 s5, $0x0  }
0x1f: {  	s9 =	smul.u32 $0xF7A, s1;
	s8 =	simm.s32 @!p0 $0x1BF5;
	p2 =	por !p2, p0  }
0x20: {  	[sflag:s8] =	ssyncset.s32 @!p0 $0xFFFFF086;
	s6 =	sadd.s32 @!p0 s3, s7;
	s7 =	simm.s32 @!p0 $0x108  }
0x21: {  	s3 =	sadd.s32 s3, s9;
	s6 =	sadd.s32 @!p0 $0x88, s6;
	s7 =	simm.s32 @p2 $0x1082  }
0x22: {  	[simem:s7], [sflag:s8] =	dma.local @!p0 [hbm:s6], $0xF7A  }
0x23: {  	s9 =	sor.u32 $0xD0000000, s2;
	s6 =	simm.s32 $0x108;
	_ =	swait.ge @!p0 [sflag:s8], $0x0  }
0x24: {  	s3 =	sadd.s32 $0x88, s3;
	s6 =	simm.s32 @!p1 $0x1082;
	[sflag:s4] =	ssyncset.s32 $0xFFFFF086  }
0x25: {  	[simem:s6], [sflag:s4] =	dma.local [hbm:s3], $0xF7A  }
0x26: {  	[smem:$0x3F94] =	sst s1;
	(tag) =	ssettag s2;
	_ =	strace s9  }
0x27: {  	s1 =	sld [smem:$0x3FA4]  }
0x28: {  	s2 =	sld [smem:$0x3FA5]  }
0x29: {  	s4 =	sld [smem:$0x3FA7]  }
0x2a: {  	p0 =	seq.s32 s5, $0x0;
	s5 =	sld [smem:$0x3FA8]  }
0x2b: {  	s6 =	sld [smem:$0x3FA9]  }
0x2c: {  	s7 =	sld [smem:$0x3FAA]  }
0x2d: {  	s3 =	simm.s32 $0x108;
	s8 =	sld [smem:$0x3FAB]  }
0x2e: {  	s3 =	simm.s32 @!p0 $0x1082;
	s9 =	sld [smem:$0x3FAC]  }
0x2f: {  	lr =	sadd.s32 s0, s3;
	s0 =	sld [smem:$0x3FA3]  }
0x30: {  	s3 =	sld [smem:$0x3FA6]  }
0x31: {  	[smem:$0x3FAF] =	sst s10  }
0x32: {  	s10 =	sld [smem:$0x3FAD];
	_ =	sdelay $0x3  }
0x33: {  	p0 =	seq.s32 s10, $0x1;
	s10 =	sld [smem:$0x3FAF];
	_ =	sdelay $0x3  }
0x34: {  	[smem:$0x3FAF] =	sst s10  }
0x35: {  	s10 =	sld [smem:$0x3FAE];
	_ =	sdelay $0x3  }
0x36: {  	p1 =	seq.s32 s10, $0x1;
	s10 =	sld [smem:$0x3FAF];
	_ =	sdelay $0x3  }
0x37: {  	[smem:$0x3FAF] =	sst s10  }
0x38: {  	s10 =	sld [smem:$0x3FB0]  }
0x39: {  	_ = 	snop;
	(pc) =	sbr.ind lr, $3  }
0x3a: {  	_ = 	snop  }
0x3b: {  	_ = 	snop  }
0x3c: {  	p2 =	seq.s32 s10, $0x1;
	s10 =	sld [smem:$0x3FAF]  }
0x3d: {  	_ =	shalt  }
0x3e: {  	_ =	shalt  }
0x3f: {  	_ =	shalt  }
0x40: {  	_ =	shalt  }
0x41: {  	_ =	shalt  }
0x42: {  	_ =	shalt  }
0x43: {  	_ =	shalt  }
0x44: {  	_ =	shalt  }
0x45: {  	_ =	shalt  }
0x46: {  	_ =	shalt  }
0x47: {  	_ =	shalt  }
0x48: {  	_ =	shalt  }
0x49: {  	_ =	shalt  }
0x4a: {  	_ =	shalt  }
0x4b: {  	_ =	shalt  }
0x4c: {  	_ =	shalt  }
0x4d: {  	_ =	shalt  }
0x4e: {  	_ =	shalt  }
0x4f: {  	_ =	shalt  }
0x50: {  	_ =	shalt  }
0x51: {  	_ =	shalt  }
0x52: {  	_ =	shalt  }
0x53: {  	_ =	shalt  }
0x54: {  	_ =	shalt  }
0x55: {  	_ =	shalt  }
0x56: {  	_ =	shalt  }
0x57: {  	_ =	shalt  }
0x58: {  	_ =	shalt  }
0x59: {  	_ =	shalt  }
0x5a: {  	_ =	shalt  }
0x5b: {  	_ =	shalt  }
0x5c: {  	_ =	shalt  }
0x5d: {  	_ =	shalt  }
0x5e: {  	_ =	shalt  }
0x5f: {  	_ =	shalt  }
0x60: {  	_ =	shalt  }
0x61: {  	_ =	shalt  }
0x62: {  	_ =	shalt  }
0x63: {  	_ =	shalt  }
0x64: {  	_ =	shalt  }
0x65: {  	_ =	shalt  }
0x66: {  	_ =	shalt  }
0x67: {  	_ =	shalt  }
0x68: {  	_ =	shalt  }
0x69: {  	_ =	shalt  }
0x6a: {  	_ =	shalt  }
0x6b: {  	_ =	shalt  }
0x6c: {  	_ =	shalt  }
0x6d: {  	_ =	shalt  }
0x6e: {  	_ =	shalt  }
0x6f: {  	_ =	shalt  }
0x70: {  	_ =	shalt  }
0x71: {  	_ =	shalt  }
0x72: {  	_ =	shalt  }
0x73: {  	_ =	shalt  }
0x74: {  	_ =	shalt  }
0x75: {  	_ =	shalt  }
0x76: {  	_ =	shalt  }
0x77: {  	_ =	shalt  }
0x78: {  	_ =	shalt  }
0x79: {  	_ =	shalt  }
0x7a: {  	_ =	shalt  }
0x7b: {  	_ =	shalt  }
0x7c: {  	_ =	shalt  }
0x7d: {  	_ =	shalt  }
0x7e: {  	_ =	shalt  }
0x7f: {  	_ =	shalt  }
0x80: {  	_ =	shalt  }
0x81: {  	_ =	shalt  }
0x82: {  	_ =	shalt  }
0x83: {  	_ =	shalt  }
0x84: {  	_ =	shalt  }
0x85: {  	_ =	shalt  }
0x86: {  	_ =	shalt  }
0x87: {  	_ =	shalt  }
.Lfunc_end0:
.L_simem_size_0:
called_computation.1_lowered:
.L_overlay_start_0:
0x88: {  	s2 =	sld [smem:$0x3FD9]  }
0x89: {  	s3 =	sld [smem:$0x3FFE];
	_ =	sdelay $0x1  }
0x8a: {  	s1 =	srdreg.scid  }
0x8b: {  	s0 =	sand.u32 $0x1, s1  }
0x8c: {  	s17 =	sshll.u32 s0, $0xA;
	s2 =	sadd.s32 s3, s2  }
0x8d: {  	s2 =	sadd.s32 s2, s17  }
0x8e: {  	[smem:$0x3FBB] =	sst s2  }
0x8f: {  	_ = 	snop  }
0x90: {  	s2 =	sld [smem:$0x3FC6];
	(tm) =	ssettm $0x1  }
0x91: {  	s18 =	sld [smem:$0x3FFB];
	_ =	sdelay $0x3  }
0x92: {  	_ =	strace s18  }
0x93: {  	s3 =	sld [smem:$0x3FFC];
	_ =	sdelay $0x3  }
0x94: {  	_ =	strace s3  }
0x95: {  	s3 =	sld [smem:$0x3FFD];
	_ =	sdelay $0x3  }
0x96: {  	_ =	strace s3  }
0x97: {  	_ =	strace $0x8FFFFFFF  }
0x98: {  	s19 =	sld [smem:$0x3FDB];
	_ =	sdelay $0x1  }
0x99: {  	s4 =	simm.s32 $_scs_section_size  }
0x9a: {  	s5 =	simm.s32 $_size__tile_overlayer_lowered;
	s6 =	simm.s32 $_tile_overlayer_lowered  }
0x9b: {  	s22 =	simm.s32 $0x1BFF;
	s21 =	sshll.u32 s6, $0x1;
	s3 =	sadd.s32 s4, s19  }
0x9c: {  	s7 =	simm.s32 $0x0;
	s20 =	sshll.u32 s5, $0x1;
	s5 =	sadd.s32 s21, s3  }
0x9d: {  	[timem:s7], [sflag:s22] =	dma.local [hbm:s5], s20  }
0x9e: {  	_ =	swait.ge [sflag:s22], s20  }
0x9f: {  	s4 =	ssub.s32 $0x0, s20;
	[sflag:s22] =	ssyncset.done $0x0  }
0xa0: {  	[sflag:s22] =	ssyncadd.s32 s4;
	_ =	sdelay $0x1  }
0xa1: {  	s23 =	simm.s32 $0x1B8B  }
0xa2: {  	_ =	swait.ge [sflag:s23], $0x1  }
0xa3: {  	[sflag:s23] =	ssyncset.done $0x0  }
0xa4: {  	s25 =	simm.s32 $0x1B8E;
	s24 =	sld [smem:$0x3FFE];
	[sflag:s23] =	ssyncadd.s32 $0xFFFFFFFF  }
0xa5: {  	s26 =	simm.s32 $execute0_lowered;
	[smem:$0x3FD2] =	sst s25  }
0xa6: {  	s5 =	sshll.u32 s26, $0x1;
	_ =	strace $0x80000049;
	[dreg:$0x1] =	wrdreg $0xFFFFFFFF  }
0xa7: {  	s28 =	simm.s32 $_size_execute0_lowered;
	s3 =	sadd.s32 s3, s5;
	[dreg:$0x0] =	wrdreg $0x0  }
0xa8: {  	s5 =	sshll.u32 s28, $0x1;
	[dreg:$0x2] =	wrdreg s3  }
0xa9: {  	[dreg:$0x3] =	wrdreg s5  }
0xaa: {  	[dreg:$0x4] =	wrdreg $0xC0  }
0xab: {  	_ =	task [dreg:s7], $0x5FFFF  }
0xac: {  	[dreg:$0x1] =	wrdreg $0xFFFFFFFF  }
0xad: {  	[dreg:$0x0] =	wrdreg $0x60  }
0xae: {  	[dreg:$0x2] =	wrdreg s24  }
0xaf: {  	[dreg:$0x3] =	wrdreg s2  }
0xb0: {  	[dreg:$0x4] =	wrdreg $0x80C00  }
0xb1: {  	[dreg:$0x5] =	wrdreg $0x9  }
0xb2: {  	_ =	task.clear_ibuf [dreg:s7], $0x6FFFF;
	_ =	strace $0x90000049  }
0xb3: {  	s29 =	simm.s32 $0x9;
	_ =	strace $0x8000004B  }
0xb4: {  	_ =	swait.ge [sflag:s29], $0x1  }
0xb5: {  	[sflag:s29] =	ssyncadd.s32 $0xFFFFFFFF  }
0xb6: {  	_ =	strace $0x9000004B  }
0xb7: {  	_ =	sfence  }
0xb8: {  	s30 =	sld [smem:$0x0];
	_ =	sdelay $0x2  }
0xb9: {  	s31 =	sshll.u32 s1, $0xD;
	s1 =	sshrl.u32 s1, $0x2  }
0xba: {  	s3 =	sand.u32 $0x4000, s31;
	s1 =	sadd.s32 s1, s30  }
0xbb: {  	s0 =	sor.u32 s3, s0;
	s1 =	sshll.u32 s1, $0x11  }
0xbc: {  	s0 =	sor.u32 s1, s0  }
0xbd: {  	s0 =	sadd.s32 $0x8F2B, s0  }
0xbe: {  	[sflag:s0] =	ssyncadd.remote.s32 $0x1  }
0xbf: {  	_ =	sfence.sel $0xFFFF  }
0xc0: {  	[dreg:$0x0] =	wrdreg $0xFFFFFFFF;
	(pc) =	sbr.abs _section_cstart, $3  }
0xc1: {  	[dreg:$0x1] =	wrdreg $0xFFFFFFFF  }
0xc2: {  	_ =	task.clear_ibuf [dreg:s7], $0x2FFFF;
	_ =	strace $0x9FFFFFFF  }
0xc3: {  	(tm) =	ssettm $0x7FFFFFFF  }
tec
execute0_lowered:
.L_overlay_start_1:
0x0: {  	(tag) =	ssettag $0x1  }
0x1: {  	s0 =	rddreg [dreg:$0x0]  }
0x2: {  	s1 =	rddreg [dreg:$0x1]  }
0x3: {  	s2 =	rddreg [dreg:$0x2];
	s4 =	srdreg.scid  }
0x4: {  	s11 =	stileid.u32;
	s3 =	simm.s32 $0x0;
	s13 =	simm.s32 $0x7  }
0x5: {  	s14 =	simm.s32 $0x2710;
	s17 =	simm.s32 $0x50;
	s18 =	simm.s32 $0x4EC0  }
0x6: {  	s19 =	simm.s32 $0x4E20;
	s20 =	simm.s32 $0x1;
	s21 =	simm.s32 $0x3  }
0x7: {  	s22 =	simm.s32 $0x67C0;
	s28 =	simm.s32 $0x6;
	s29 =	simm.s32 $0x0  }
0x8: {  	s5 =	sand.u32 $0x1, s4;
	s6 =	smul.u32 $0x186A, s11;
	[smem:$0x7FF] =	sst s3  }
0x9: {  	s4 =	sadd.s32 $0x2800, s0;
	s9 =	sadd.s32 $0x2EA00, s0;
	s10 =	smul.u32 $0x30D40, s11  }
0xa: {  	s31 =	sshll.u32 s11, $0x6;
	s7 =	smul.u32 $0x186A0, s5;
	s8 =	sshll.u32 s5, $0x4  }
0xb: {  	_ =	strace $0x8000004A;
	[dreg:$0x4] =	wrdreg s9;
	s5 =	ssub.s32 $0x2, s5  }
0xc: {  	s15 =	sor.u32 $0x1C07, s31;
	s8 =	sor.u32 s11, s8;
	s23 =	sshrl.u32 s5, $0x1  }
0xd: {  	s26 =	sshrl.u32 s10, $0x2;
	s7 =	sadd.s32 s6, s7;
	s8 =	smul.u32 $0x2710, s8  }
0xe: {  	s6 =	sadd.s32 $0x1B000, s0;
	s5 =	ssub.s32 s5, s23;
	s0 =	sadd.s32 s7, s0  }
0xf: {  	s23 =	simm.s32 $0x4E70;
	s24 =	sshrl.u32 s8, $0x3;
	s0 =	sadd.s32 $0x30400, s0  }
0x10: {  	s12 =	smax.u32 s5, $0x1;
	s25 =	sadd.s32 s6, s24;
	[dreg:$0x8] =	wrdreg s0  }
0x11: {  	s8 =	sadd.s32 $0x4E200, s8;
	s1 =	sadd.s32 s1, s24;
	[dreg:$0x5] =	wrdreg s25  }
0x12: {  	s30 =	sshrl.u32 s8, $0x3;
	s24 =	simm.s32 $0x2;
	[dreg:$0x6] =	wrdreg s1  }
0x13: {  	s1 =	sadd.s32 s26, s2;
	s7 =	sadd.s32 s6, s30;
	s25 =	simm.s32 $0x4  }
0x14: {  	s26 =	simm.s32 $0x5;
	[dreg:$0x7] =	wrdreg s7;
	s16 =	sshrl.u32 s1, $0x3  }
.LBB2_1:
0x15: {  	s0 =	rddreg [dreg:$0x5]  }
0x16: {  	[tilespmem:s3], [sflag:$0x7] =	stream.linear.gather [hbm4b:s0+s3], $0x2710, $0x38;
	[tilespmem:$0x14410] =	vst v63  }
0x17: {  	_ =	swait.ge [sflag:s13], $0x2710  }
0x18: {  	[sflag:s13] =	ssyncset.done $0x0  }
0x19: {  	s10 =	rddreg [dreg:$0x6];
	[sflag:s13] =	ssyncadd.s32 $0xFFFFD8F0  }
0x1a: {  	[tilespmem:s14], [sflag:$0x7] =	stream.linear.gather [hbm4b:s10+s3], $0x2710, $0x38;
	[tilespmem:$0x14410] =	vst v63  }
0x1b: {  	_ =	swait.ge [sflag:s13], $0x2710  }
0x1c: {  	[sflag:s13] =	ssyncset.done $0x0  }
0x1d: {  	s11 =	rddreg [dreg:$0x4];
	[sflag:s13] =	ssyncadd.s32 $0xFFFFD8F0  }
0x1e: {  	[spmem:s16], [sflag:s15] =	dma.local [hbm:s11], $0x186A  }
0x1f: {  	_ =	swait.ge [sflag:s13], $0x186A  }
0x20: {  	[sflag:s13] =	ssyncset.done $0x0  }
0x21: {  	[sflag:s13] =	ssyncadd.s32 $0xFFFFE796  }
0x22: {  	[bflag:$0x0] =	sbarrier.arrive $0xFFFF  }
0x23: {  	[tilespmem:s18], [sflag:$0x1] =	stream.indirect.gather [hbm4b:s4+s17], $0x50, s3, s17, $0xb8;
	[tilespmem:$0x14410] =	vst v63  }
0x24: {  	s30 =	simm.s32 $0x0;
	s31 =	rddreg [dreg:$0x7]  }
0x25: {  	[tilespmem:s19], [sflag:$0x3] =	stream.linear.gather [hbm4b:s31+s3], $0x50, $0x38;
	[tilespmem:$0x14410] =	vst v63  }
.LBB2_2:
0x26: {  	_ =	swait.ge [sflag:s20], $0x1900  }
0x27: {  	s0 =	smul.u32 $0xA0, s30;
	[sflag:s20] =	ssyncset.done $0x0  }
0x28: {  	[sflag:s20] =	ssyncadd.s32 $0xFFFFE700  }
0x29: {  	s5 =	sadd.s32 $0x0, s0;
	_ =	swait.ge [sflag:s21], $0x50  }
0x2a: {  	p0 =	seq.s32 s30, $0x0;
	v0 =	vmov s5;
	s7 =	sadd.s32 $0x2, s5;
	[sflag:s21] =	ssyncset.done $0x0  }
0x2b: {  	s1 =	simm.s32 @!p0 $0x6;
	s9 =	sadd.s32 $0x1, s5;
	v0 =	vand.u32 $0xFFFFFFFC, v0;
	v1 =	vmov s7;
	[sflag:s21] =	ssyncadd.s32 $0xFFFFFFB0  }
0x2c: {  	s31 =	sadd.s32 $0x50, s0;
	v2 =	vmov s9;
	v0 =	vbroadcast v0, $0x0;
	v1 =	vand.u32 $0xFFFFFFFE, v1;
	_ =	swait.ge @!p0 [sflag:s1], $0x1900  }
0x2d: {  	s10 =	sadd.s32 s31, s8;
	v2 =	vand.u32 $0xFFFFFFFD, v2;
	v1 =	vbroadcast v1, $0x0;
	[sflag:s1] =	ssyncset.done @!p0 $0x0  }
0x2e: {  	v2 =	vbroadcast v2, $0x0;
	[sflag:s1] =	ssyncadd.s32 @!p0 $0xFFFFE700;
	s1 =	sshrl.u32 s10, $0x3  }
0x2f: {  	[tilespmem:s22], [sflag:$0x2] =	stream.indirect.gather [hbm4b:s4+s17], $0x50, s31, s17, $0xb8;
	[tilespmem:$0x14410] =	vst v63  }
0x30: {  	s11 =	simm.s32 $0x0;
	s5 =	sadd.s32 $0x3, s5;
	s1 =	sadd.s32 s6, s1  }
0x31: {  	v3 =	vmov s5;
	[tilespmem:s23], [sflag:$0x4] =	stream.linear.gather [hbm4b:s1+s11], $0x50, $0x38;
	[tilespmem:$0x14410] =	vst v63  }
0x32: {  	v0 =	vld.idx.msk [tilespmem:v0+s14+$0x0], $0xffff  }
0x33: {  	v1 =	vld.idx.msk [tilespmem:v1+s14+$0x0], $0xffff  }
0x34: {  	s5 =	simm.s32 $0x4F60;
	v4 =	vld.idx.msk [tilespmem:v2+s14+$0x0], $0xffff  }
0x35: {  	v2 =	vld [tilespmem:s5+$0x30]  }
0x36: {  	v7 =	vld.idx.msk [tilespmem:v3+s14+$0x0], $0xffff  }
0x37: {  	v9 =	vld [tilespmem:s5+$0xFFFFFF60]  }
0x38: {  	v10 =	vld [tilespmem:s5+$0xFFFFFF70]  }
0x39: {  	v8 =	vld [tilespmem:s5+$0xFFFFFF80]  }
0x3a: {  	v3 =	vld [tilespmem:s5+$0xFFFFFF90];
	v1 =	vpack.i.f32.bf16 v1, v1  }
0x3b: {  	v5 =	vld [tilespmem:s5+$0xFFFFFFB0];
	v11 =	vmul.bf16 v2, v1;
	v2 =	vpack.i.f32.bf16 v0, v0  }
0x3c: {  	v6 =	vld [tilespmem:s5+$0xFFFFFFC0];
	v9 =	vmul.bf16 v9, v2  }
0x3d: {  	s9 =	sadd.s32 $0x4, s0;
	s7 =	simm.s32 $0x8;
	s1 =	simm.s32 $0x4F60;
	v4 =	vpack.i.f32.bf16 v4, v4;
	v0 =	vpack.i.f32.bf16 v7, v7;
	v7 =	vld [tilespmem:s5+$0xFFFFFFD0];
	v10 =	vmul.bf16 v10, v2;
	[tilespmem:s5+$0x30] =	vst v11  }
.LBB2_3:
0x3e: {  	p0 =	slt.u32 s7, $0x4C;
	v11 =	vmov s9;
	s10 =	sadd.s32 $0x1, s9;
	s11 =	sadd.s32 $0x2, s9;
	[tilespmem:s5+$0xFFFFFF60] =	vst v9;
	v8 =	vmul.bf16 v8, v2;
	v9 =	vld [tilespmem:s5+$0xFFFFFFE0]  }
0x3f: {  	s9 =	sadd.s32 $0x3, s9;
	v11 =	vand.u32 $0xFFFFFFFC, v11;
	v12 =	vmov s10;
	v13 =	vmov s11;
	[tilespmem:s5+$0xFFFFFF70] =	vst v10;
	v10 =	vld [tilespmem:s5+$0x0]  }
0x40: {  	v11 =	vbroadcast v11, $0x0;
	v12 =	vand.u32 $0xFFFFFFFD, v12;
	v13 =	vand.u32 $0xFFFFFFFE, v13;
	[tilespmem:s5+$0xFFFFFF80] =	vst v8;
	v8 =	vld [tilespmem:s5+$0x10]  }
0x41: {  	v14 =	vmov s9;
	v12 =	vbroadcast v12, $0x0;
	v13 =	vbroadcast v13, $0x0;
	v15 =	vld [tilespmem:s5+$0x20]  }
0x42: {  	v5 =	vmul.bf16 v5, v4;
	v6 =	vmul.bf16 v6, v4;
	v16 =	vld [tilespmem:s5+$0x50]  }
0x43: {  	v7 =	vmul.bf16 v7, v4;
	v4 =	vmul.bf16 v9, v4;
	v9 =	vld [tilespmem:s5+$0x60]  }
0x44: {  	v2 =	vmul.bf16 v3, v2;
	[tilespmem:s5+$0xFFFFFFB0] =	vst v5;
	v3 =	vmul.bf16 v10, v1;
	v5 =	vld [tilespmem:s5+$0x70]  }
0x45: {  	[tilespmem:s5+$0xFFFFFFC0] =	vst v6;
	v6 =	vmul.bf16 v8, v1;
	v8 =	vld [tilespmem:s5+$0x80]  }
0x46: {  	v10 =	vld.idx.msk [tilespmem:v11+s14+$0x0], $0xffff;
	[tilespmem:s5+$0xFFFFFFD0] =	vst v7;
	v1 =	vmul.bf16 v15, v1  }
0x47: {  	v7 =	vld.idx.msk [tilespmem:v13+s14+$0x0], $0xffff;
	[tilespmem:s5+$0xFFFFFFE0] =	vst v4;
	v4 =	vmul.bf16 v16, v0  }
0x48: {  	s5 =	sadd.s32 $0x140, s5;
	v11 =	vld.idx.msk [tilespmem:v12+s14+$0x0], $0xffff;
	[tilespmem:s1+$0x0] =	vst v3;
	v3 =	vmul.bf16 v9, v0  }
0x49: {  	v9 =	vld [tilespmem:s5+$0x30];
	[tilespmem:s1+$0x10] =	vst v6;
	v5 =	vmul.bf16 v5, v0  }
0x4a: {  	v12 =	vld.idx.msk [tilespmem:v14+s14+$0x0], $0xffff;
	[tilespmem:s1+$0x20] =	vst v1;
	v0 =	vmul.bf16 v8, v0  }
0x4b: {  	v6 =	vld [tilespmem:s5+$0xFFFFFF60];
	[tilespmem:s1+$0xFFFFFF90] =	vst v2  }
0x4c: {  	v2 =	vpack.i.f32.bf16 v10, v10;
	v10 =	vld [tilespmem:s5+$0xFFFFFF70];
	[tilespmem:s1+$0x50] =	vst v4  }
.Ltmp0:
0x4d: {  	v1 =	vpack.i.f32.bf16 v7, v7;
	v8 =	vld [tilespmem:s5+$0xFFFFFF80];
	[tilespmem:s1+$0x60] =	vst v3;
	(pc) =	sbr.rel @p0 .LBB2_3-.Ltmp0, $4  }
0x4e: {  	v4 =	vpack.i.f32.bf16 v11, v11;
	v3 =	vld [tilespmem:s5+$0xFFFFFF90];
	v7 =	vmul.bf16 v9, v1;
	[tilespmem:s1+$0x70] =	vst v5  }
0x4f: {  	v5 =	vld [tilespmem:s5+$0xFFFFFFB0];
	[tilespmem:s1+$0x80] =	vst v0;
	s1 =	smov.u32 s5  }
0x50: {  	v0 =	vpack.i.f32.bf16 v12, v12;
	v9 =	vmul.bf16 v6, v2;
	v6 =	vld [tilespmem:s5+$0xFFFFFFC0];
	[tilespmem:s5+$0x30] =	vst v7  }
0x51: {  	s9 =	sadd.s32 s0, s7;
	s7 =	sadd.s32 $0x4, s7;
	v10 =	vmul.bf16 v10, v2;
	v7 =	vld [tilespmem:s5+$0xFFFFFFD0]  }
0x52: {  	v12 =	vld [tilespmem:s5+$0xFFFFFFE0]  }
0x53: {  	v11 =	vmov s9;
	s7 =	sadd.s32 $0x2, s9;
	v14 =	vld [tilespmem:s5+$0x0]  }
0x54: {  	s10 =	sadd.s32 $0x1, s9;
	v16 =	vld [tilespmem:s5+$0x10];
	v11 =	vand.u32 $0xFFFFFFFC, v11;
	v13 =	vmov s7  }
0x55: {  	v17 =	vld [tilespmem:s5+$0x20];
	v15 =	vmov s10;
	v11 =	vbroadcast v11, $0x0;
	v13 =	vand.u32 $0xFFFFFFFE, v13  }
0x56: {  	[tilespmem:s5+$0xFFFFFF60] =	vst v9;
	v8 =	vmul.bf16 v8, v2;
	v62 =	vld [tilespmem:s5+$0x50];
	v15 =	vand.u32 $0xFFFFFFFD, v15;
	v13 =	vbroadcast v13, $0x0  }
0x57: {  	[tilespmem:s5+$0xFFFFFF70] =	vst v10;
	v10 =	vld [tilespmem:s5+$0x60];
	v2 =	vmul.bf16 v3, v2;
	v9 =	vbroadcast v15, $0x0  }
0x58: {  	s7 =	sadd.s32 $0x140, s5;
	v5 =	vmul.bf16 v5, v4;
	[tilespmem:s5+$0xFFFFFF80] =	vst v8;
	v8 =	vld [tilespmem:s5+$0x70]  }
0x59: {  	v6 =	vmul.bf16 v6, v4;
	[tilespmem:s1+$0xFFFFFF90] =	vst v2;
	v2 =	vld [tilespmem:s7+$0xFFFFFF70]  }
0x5a: {  	s11 =	sadd.s32 $0x3, s9;
	v7 =	vmul.bf16 v7, v4;
	[tilespmem:s5+$0xFFFFFFB0] =	vst v5;
	v5 =	vld [tilespmem:s5+$0x80]  }
0x5b: {  	v18 =	vmov s11;
	v4 =	vmul.bf16 v12, v4;
	[tilespmem:s5+$0xFFFFFFC0] =	vst v6;
	v6 =	vld.idx.msk [tilespmem:v11+s14+$0x0], $0xffff  }
0x5c: {  	[tilespmem:s5+$0xFFFFFFD0] =	vst v7;
	v11 =	vmul.bf16 v14, v1;
	v7 =	vld.idx.msk [tilespmem:v13+s14+$0x0], $0xffff  }
0x5d: {  	v63 =	vmul.bf16 v16, v1;
	[tilespmem:s5+$0xFFFFFFE0] =	vst v4;
	v1 =	vmul.bf16 v17, v1;
	v4 =	vld.idx.msk [tilespmem:v9+s14+$0x0], $0xffff  }
0x5e: {  	v9 =	vld [tilespmem:s7+$0x30];
	[tilespmem:s1+$0x0] =	vst v11  }
0x5f: {  	v11 =	vmul.bf16 v62, v0;
	[tilespmem:s1+$0x20] =	vst v1;
	v1 =	vld [tilespmem:s7+$0xFFFFFF60]  }
0x60: {  	v3 =	vld.idx.msk [tilespmem:v18+s14+$0x0], $0xffff;
	[tilespmem:s1+$0x10] =	vst v63;
	v8 =	vmul.bf16 v8, v0  }
0x61: {  	v10 =	vmul.bf16 v10, v0;
	v0 =	vmul.bf16 v5, v0;
	[tilespmem:s1+$0x50] =	vst v11;
	v11 =	vld [tilespmem:s7+$0xFFFFFF80];
	v6 =	vpack.i.f32.bf16 v6, v6  }
0x62: {  	[tilespmem:s1+$0x70] =	vst v8;
	v8 =	vld [tilespmem:s7+$0xFFFFFFC0];
	v5 =	vpack.i.f32.bf16 v7, v7;
	v2 =	vmul.bf16 v2, v6  }
0x63: {  	[tilespmem:s1+$0x80] =	vst v0;
	v7 =	vld [tilespmem:s7+$0xFFFFFFB0];
	v9 =	vmul.bf16 v9, v5  }
0x64: {  	v0 =	vmul.bf16 v1, v6;
	v1 =	vld [tilespmem:s7+$0xFFFFFFD0];
	[tilespmem:s7+$0xFFFFFF70] =	vst v2  }
0x65: {  	v2 =	vld [tilespmem:s7+$0x10];
	[tilespmem:s7+$0x30] =	vst v9  }
0x66: {  	v4 =	vpack.i.f32.bf16 v4, v4;
	v9 =	vld [tilespmem:s7+$0xFFFFFFE0];
	[tilespmem:s7+$0xFFFFFF60] =	vst v0;
	v0 =	vmul.bf16 v11, v6  }
0x67: {  	[tilespmem:s1+$0x60] =	vst v10;
	v10 =	vld [tilespmem:s7+$0x0];
	v8 =	vmul.bf16 v8, v4  }
0x68: {  	v7 =	vmul.bf16 v7, v4;
	[tilespmem:s7+$0xFFFFFF80] =	vst v0;
	v0 =	vld [tilespmem:s7+$0x20]  }
0x69: {  	v11 =	vld [tilespmem:s7+$0xFFFFFF90];
	[tilespmem:s7+$0xFFFFFFC0] =	vst v8;
	v1 =	vmul.bf16 v1, v4  }
0x6a: {  	[tilespmem:s7+$0xFFFFFFB0] =	vst v7;
	v7 =	vld [tilespmem:s7+$0x50];
	v2 =	vmul.bf16 v2, v5  }
0x6b: {  	v8 =	vld [tilespmem:s7+$0x60];
	v4 =	vmul.bf16 v9, v4;
	[tilespmem:s7+$0xFFFFFFD0] =	vst v1  }
0x6c: {  	v9 =	vmul.bf16 v10, v5;
	v1 =	vld [tilespmem:s7+$0x70];
	[tilespmem:s7+$0x10] =	vst v2  }
0x6d: {  	[tilespmem:s7+$0xFFFFFFE0] =	vst v4;
	v4 =	vld [tilespmem:s7+$0x80];
	v0 =	vmul.bf16 v0, v5  }
0x6e: {  	v3 =	vpack.i.f32.bf16 v3, v3;
	[tilespmem:s7+$0x0] =	vst v9;
	v5 =	vmul.bf16 v11, v6  }
0x6f: {  	v2 =	vmul.bf16 v7, v3;
	[tilespmem:s7+$0x20] =	vst v0  }
0x70: {  	v0 =	vmul.bf16 v8, v3;
	[tilespmem:s7+$0xFFFFFF90] =	vst v5  }
0x71: {  	v1 =	vmul.bf16 v1, v3;
	[tilespmem:s7+$0x50] =	vst v2  }
0x72: {  	[tilespmem:s7+$0x60] =	vst v0;
	v2 =	vmul.bf16 v4, v3  }
0x73: {  	[tilespmem:s7+$0x70] =	vst v1  }
0x74: {  	[tilespmem:s7+$0x80] =	vst v2  }
0x75: {  	[spmem:s2] =	stream.indirect.scatter.add.bf16 [tilespmem:s18], [sflag:$0x5], $0x50, s19, s17, $0xb8;
	[tilespmem:$0x14410] =	vst v63  }
0x76: {  	_ =	swait.ge [sflag:s24], $0x1900  }
0x77: {  	[sflag:s24] =	ssyncset.done $0x0  }
0x78: {  	[sflag:s24] =	ssyncadd.s32 $0xFFFFE700  }
0x79: {  	_ =	swait.ge [sflag:s25], $0x50  }
0x7a: {  	[sflag:s25] =	ssyncset.done $0x0  }
0x7b: {  	s1 =	sadd.s32 $0x0, s31;
	[sflag:s25] =	ssyncadd.s32 $0xFFFFFFB0  }
0x7c: {  	s9 =	sadd.s32 $0x2, s1;
	v0 =	vmov s1;
	_ =	swait.ge [sflag:s26], $0x1900  }
0x7d: {  	s10 =	sadd.s32 $0x1, s1;
	v0 =	vand.u32 $0xFFFFFFFC, v0;
	v1 =	vmov s9;
	[sflag:s26] =	ssyncset.done $0x0  }
0x7e: {  	s0 =	sadd.s32 $0xA0, s0;
	v0 =	vbroadcast v0, $0x0;
	v1 =	vand.u32 $0xFFFFFFFE, v1;
	v2 =	vmov s10;
	[sflag:s26] =	ssyncadd.s32 $0xFFFFE700  }
0x7f: {  	v1 =	vbroadcast v1, $0x0;
	v2 =	vand.u32 $0xFFFFFFFD, v2;
	[tilespmem:s18], [sflag:$0x1] =	stream.indirect.gather [hbm4b:s4+s17], $0x50, s0, s17, $0xb8;
	[tilespmem:$0x14410] =	vst v63  }
0x80: {  	v2 =	vbroadcast v2, $0x0;
	s0 =	sadd.s32 s0, s8  }
0x81: {  	s0 =	sshrl.u32 s0, $0x3  }
0x82: {  	s11 =	simm.s32 $0x0;
	s1 =	sadd.s32 $0x3, s1;
	s0 =	sadd.s32 s6, s0  }
0x83: {  	v3 =	vmov s1;
	[tilespmem:s19], [sflag:$0x3] =	stream.linear.gather [hbm4b:s0+s11], $0x50, $0x38;
	[tilespmem:$0x14410] =	vst v63  }
0x84: {  	v0 =	vld.idx.msk [tilespmem:v0+s14+$0x0], $0xffff  }
0x85: {  	v1 =	vld.idx.msk [tilespmem:v1+s14+$0x0], $0xffff  }
0x86: {  	s1 =	simm.s32 $0x6860;
	v4 =	vld.idx.msk [tilespmem:v2+s14+$0x0], $0xffff  }
0x87: {  	v2 =	vld [tilespmem:s1+$0x30]  }
0x88: {  	v7 =	vld.idx.msk [tilespmem:v3+s14+$0x0], $0xffff  }
0x89: {  	v9 =	vld [tilespmem:s1+$0xFFFFFF60]  }
0x8a: {  	v10 =	vld [tilespmem:s1+$0xFFFFFF70]  }
0x8b: {  	v8 =	vld [tilespmem:s1+$0xFFFFFF80]  }
0x8c: {  	v3 =	vld [tilespmem:s1+$0xFFFFFF90];
	v1 =	vpack.i.f32.bf16 v1, v1  }
0x8d: {  	v5 =	vld [tilespmem:s1+$0xFFFFFFB0];
	v11 =	vmul.bf16 v2, v1;
	v2 =	vpack.i.f32.bf16 v0, v0  }
0x8e: {  	v6 =	vld [tilespmem:s1+$0xFFFFFFC0];
	v9 =	vmul.bf16 v9, v2  }
0x8f: {  	s5 =	simm.s32 $0x8;
	s7 =	sadd.s32 $0x4, s31;
	s0 =	simm.s32 $0x6860;
	v4 =	vpack.i.f32.bf16 v4, v4;
	v0 =	vpack.i.f32.bf16 v7, v7;
	v7 =	vld [tilespmem:s1+$0xFFFFFFD0];
	v10 =	vmul.bf16 v10, v2;
	[tilespmem:s1+$0x30] =	vst v11  }
.LBB2_5:
0x90: {  	p0 =	slt.u32 s5, $0x4C;
	v11 =	vmov s7;
	s9 =	sadd.s32 $0x1, s7;
	s10 =	sadd.s32 $0x2, s7;
	[tilespmem:s1+$0xFFFFFF60] =	vst v9;
	v8 =	vmul.bf16 v8, v2;
	v9 =	vld [tilespmem:s1+$0xFFFFFFE0]  }
0x91: {  	s7 =	sadd.s32 $0x3, s7;
	v11 =	vand.u32 $0xFFFFFFFC, v11;
	v12 =	vmov s9;
	v13 =	vmov s10;
	[tilespmem:s1+$0xFFFFFF70] =	vst v10;
	v10 =	vld [tilespmem:s1+$0x0]  }
0x92: {  	v11 =	vbroadcast v11, $0x0;
	v12 =	vand.u32 $0xFFFFFFFD, v12;
	v13 =	vand.u32 $0xFFFFFFFE, v13;
	[tilespmem:s1+$0xFFFFFF80] =	vst v8;
	v8 =	vld [tilespmem:s1+$0x10]  }
0x93: {  	v14 =	vmov s7;
	v12 =	vbroadcast v12, $0x0;
	v13 =	vbroadcast v13, $0x0;
	v15 =	vld [tilespmem:s1+$0x20]  }
0x94: {  	v5 =	vmul.bf16 v5, v4;
	v6 =	vmul.bf16 v6, v4;
	v16 =	vld [tilespmem:s1+$0x50]  }
0x95: {  	v7 =	vmul.bf16 v7, v4;
	v4 =	vmul.bf16 v9, v4;
	v9 =	vld [tilespmem:s1+$0x60]  }
0x96: {  	v2 =	vmul.bf16 v3, v2;
	[tilespmem:s1+$0xFFFFFFB0] =	vst v5;
	v3 =	vmul.bf16 v10, v1;
	v5 =	vld [tilespmem:s1+$0x70]  }
0x97: {  	[tilespmem:s1+$0xFFFFFFC0] =	vst v6;
	v6 =	vmul.bf16 v8, v1;
	v8 =	vld [tilespmem:s1+$0x80]  }
0x98: {  	v10 =	vld.idx.msk [tilespmem:v11+s14+$0x0], $0xffff;
	[tilespmem:s1+$0xFFFFFFD0] =	vst v7;
	v1 =	vmul.bf16 v15, v1  }
0x99: {  	v7 =	vld.idx.msk [tilespmem:v13+s14+$0x0], $0xffff;
	[tilespmem:s1+$0xFFFFFFE0] =	vst v4;
	v4 =	vmul.bf16 v16, v0  }
0x9a: {  	s1 =	sadd.s32 $0x140, s1;
	v11 =	vld.idx.msk [tilespmem:v12+s14+$0x0], $0xffff;
	[tilespmem:s0+$0x0] =	vst v3;
	v3 =	vmul.bf16 v9, v0  }
0x9b: {  	v9 =	vld [tilespmem:s1+$0x30];
	[tilespmem:s0+$0x10] =	vst v6;
	v5 =	vmul.bf16 v5, v0  }
0x9c: {  	v12 =	vld.idx.msk [tilespmem:v14+s14+$0x0], $0xffff;
	[tilespmem:s0+$0x20] =	vst v1;
	v0 =	vmul.bf16 v8, v0  }
0x9d: {  	v6 =	vld [tilespmem:s1+$0xFFFFFF60];
	[tilespmem:s0+$0xFFFFFF90] =	vst v2  }
0x9e: {  	v2 =	vpack.i.f32.bf16 v10, v10;
	v10 =	vld [tilespmem:s1+$0xFFFFFF70];
	[tilespmem:s0+$0x50] =	vst v4  }
.Ltmp1:
0x9f: {  	v1 =	vpack.i.f32.bf16 v7, v7;
	v8 =	vld [tilespmem:s1+$0xFFFFFF80];
	[tilespmem:s0+$0x60] =	vst v3;
	(pc) =	sbr.rel @p0 .LBB2_5-.Ltmp1, $4  }
0xa0: {  	v4 =	vpack.i.f32.bf16 v11, v11;
	v3 =	vld [tilespmem:s1+$0xFFFFFF90];
	v7 =	vmul.bf16 v9, v1;
	[tilespmem:s0+$0x70] =	vst v5  }
0xa1: {  	v5 =	vld [tilespmem:s1+$0xFFFFFFB0];
	[tilespmem:s0+$0x80] =	vst v0;
	s0 =	smov.u32 s1  }
0xa2: {  	v0 =	vpack.i.f32.bf16 v12, v12;
	v9 =	vmul.bf16 v6, v2;
	v6 =	vld [tilespmem:s1+$0xFFFFFFC0];
	[tilespmem:s1+$0x30] =	vst v7  }
0xa3: {  	s7 =	sadd.s32 s31, s5;
	s5 =	sadd.s32 $0x4, s5;
	v10 =	vmul.bf16 v10, v2;
	v7 =	vld [tilespmem:s1+$0xFFFFFFD0]  }
0xa4: {  	v12 =	vld [tilespmem:s1+$0xFFFFFFE0]  }
0xa5: {  	v14 =	vld [tilespmem:s1+$0x0]  }
0xa6: {  	v16 =	vld [tilespmem:s1+$0x10]  }
0xa7: {  	v17 =	vld [tilespmem:s1+$0x20]  }
0xa8: {  	[tilespmem:s1+$0xFFFFFF60] =	vst v9;
	v8 =	vmul.bf16 v8, v2;
	v25 =	vld [tilespmem:s1+$0x50]  }
0xa9: {  	v26 =	vld [tilespmem:s1+$0x60];
	s11 =	sadd.s32 $0x3, s7;
	[tilespmem:s1+$0xFFFFFF70] =	vst v10;
	v37 =	vmul.bf16 v3, v2  }
0xaa: {  	v11 =	vmov s7;
	v27 =	vld [tilespmem:s1+$0x70];
	v18 =	vmov s11;
	v5 =	vmul.bf16 v5, v4;
	[tilespmem:s1+$0xFFFFFF80] =	vst v8  }
0xab: {  	v28 =	vld [tilespmem:s1+$0x80];
	s31 =	sadd.s32 $0x140, s1;
	v11 =	vand.u32 $0xFFFFFFFC, v11;
	v6 =	vmul.bf16 v6, v4;
	[tilespmem:s0+$0xFFFFFF90] =	vst v37  }
0xac: {  	v36 =	vld [tilespmem:s31+$0x30];
	v11 =	vbroadcast v11, $0x0;
	v7 =	vmul.bf16 v7, v4;
	[tilespmem:s1+$0xFFFFFFB0] =	vst v5  }
0xad: {  	s5 =	sadd.s32 $0x2, s7;
	v40 =	vld [tilespmem:s31+$0xFFFFFF60];
	v29 =	vmul.bf16 v12, v4;
	[tilespmem:s1+$0xFFFFFFC0] =	vst v6  }
0xae: {  	s9 =	sadd.s32 $0x1, s7;
	v13 =	vmov s5;
	v55 =	vld [tilespmem:s31+$0x50];
	v31 =	vmul.bf16 v14, v1;
	[tilespmem:s1+$0xFFFFFFD0] =	vst v7  }
0xaf: {  	v15 =	vmov s9;
	v13 =	vand.u32 $0xFFFFFFFE, v13;
	v33 =	vmul.bf16 v16, v1;
	v38 =	vld.idx.msk [tilespmem:v18+s14+$0x0], $0xffff;
	[tilespmem:s1+$0xFFFFFFE0] =	vst v29  }
0xb0: {  	v56 =	vld [tilespmem:s31+$0x60];
	v15 =	vand.u32 $0xFFFFFFFD, v15;
	v13 =	vbroadcast v13, $0x0;
	v35 =	vmul.bf16 v17, v1;
	[tilespmem:s0+$0x0] =	vst v31  }
0xb1: {  	v59 =	vld [tilespmem:s31+$0x80];
	v24 =	vbroadcast v15, $0x0;
	v39 =	vmul.bf16 v25, v0;
	[tilespmem:s0+$0x10] =	vst v33  }
0xb2: {  	v10 =	vmul.bf16 v26, v0;
	[tilespmem:s0+$0x20] =	vst v35;
	v30 =	vld.idx.msk [tilespmem:v11+s14+$0x0], $0xffff  }
0xb3: {  	v41 =	vld [tilespmem:s31+$0xFFFFFF70];
	v8 =	vmul.bf16 v27, v0;
	[tilespmem:s0+$0x50] =	vst v39  }
0xb4: {  	v42 =	vld [tilespmem:s31+$0xFFFFFF80];
	v43 =	vmul.bf16 v28, v0;
	[tilespmem:s0+$0x60] =	vst v10;
	v3 =	vpack.i.f32.bf16 v38, v38  }
0xb5: {  	v54 =	vld [tilespmem:s31+$0xFFFFFF90];
	[tilespmem:s0+$0x70] =	vst v8;
	v61 =	vmul.bf16 v55, v3  }
0xb6: {  	[tilespmem:s0+$0x80] =	vst v43;
	v32 =	vld.idx.msk [tilespmem:v13+s14+$0x0], $0xffff;
	v62 =	vmul.bf16 v56, v3  }
0xb7: {  	v34 =	vld.idx.msk [tilespmem:v24+s14+$0x0], $0xffff;
	v63 =	vmul.bf16 v59, v3;
	v6 =	vpack.i.f32.bf16 v30, v30;
	[tilespmem:s31+$0x50] =	vst v61  }
0xb8: {  	v45 =	vld [tilespmem:s31+$0xFFFFFFB0];
	v47 =	vmul.bf16 v40, v6;
	[tilespmem:s31+$0x60] =	vst v62  }
0xb9: {  	v46 =	vld [tilespmem:s31+$0xFFFFFFC0];
	v2 =	vmul.bf16 v41, v6;
	[tilespmem:s31+$0x80] =	vst v63  }
0xba: {  	v48 =	vld [tilespmem:s31+$0xFFFFFFD0];
	v50 =	vmul.bf16 v42, v6;
	[tilespmem:s31+$0xFFFFFF60] =	vst v47  }
0xbb: {  	v49 =	vld [tilespmem:s31+$0xFFFFFFE0];
	v44 =	vpack.i.f32.bf16 v32, v32;
	v60 =	vmul.bf16 v54, v6;
	[tilespmem:s31+$0xFFFFFF70] =	vst v2  }
0xbc: {  	v51 =	vld [tilespmem:s31+$0x0];
	v4 =	vpack.i.f32.bf16 v34, v34;
	v9 =	vmul.bf16 v36, v44;
	[tilespmem:s31+$0xFFFFFF80] =	vst v50  }
0xbd: {  	v53 =	vld [tilespmem:s31+$0x20];
	v7 =	vmul.bf16 v45, v4;
	[tilespmem:s31+$0xFFFFFF90] =	vst v60  }
0xbe: {  	v52 =	vld [tilespmem:s31+$0x10];
	v8 =	vmul.bf16 v46, v4;
	[tilespmem:s31+$0x30] =	vst v9  }
0xbf: {  	v58 =	vld [tilespmem:s31+$0x70];
	v1 =	vmul.bf16 v48, v4;
	[tilespmem:s31+$0xFFFFFFB0] =	vst v7  }
0xc0: {  	v4 =	vmul.bf16 v49, v4;
	[tilespmem:s31+$0xFFFFFFC0] =	vst v8  }
0xc1: {  	s30 =	sadd.s32 $0x1, s30;
	v57 =	vmul.bf16 v51, v44;
	[tilespmem:s31+$0xFFFFFFD0] =	vst v1  }
0xc2: {  	p0 =	sne.s32 s30, $0x3E;
	v0 =	vmul.bf16 v53, v44;
	[tilespmem:s31+$0xFFFFFFE0] =	vst v4  }
.Ltmp2:
0xc3: {  	v2 =	vmul.bf16 v52, v44;
	[tilespmem:s31+$0x0] =	vst v57;
	(pc) =	sbr.rel @p0 .LBB2_2-.Ltmp2, $4  }
0xc4: {  	[tilespmem:s31+$0x20] =	vst v0;
	v1 =	vmul.bf16 v58, v3  }
0xc5: {  	[tilespmem:s31+$0x10] =	vst v2  }
0xc6: {  	[tilespmem:s31+$0x70] =	vst v1  }
0xc7: {  	[spmem:s2] =	stream.indirect.scatter.add.bf16 [tilespmem:s22], [sflag:$0x6], $0x50, s23, s17, $0xb8;
	[tilespmem:$0x14410] =	vst v63  }
0xc8: {  	s0 =	simm.s32 $0x0;
	_ =	swait.ge [sflag:s20], $0x1900  }
0xc9: {  	v0 =	vmov s0;
	[sflag:s20] =	ssyncset.done $0x0  }
0xca: {  	s10 =	simm.s32 $0x3;
	s11 =	simm.s32 $0x2;
	v0 =	vadd.s32 $0x26C0, v0;
	[sflag:s20] =	ssyncadd.s32 $0xFFFFE700  }
0xcb: {  	v1 =	vmov s10;
	v3 =	vmov s11;
	v0 =	vand.u32 $0xFFFFFFFC, v0;
	_ =	swait.ge [sflag:s21], $0x50  }
0xcc: {  	v1 =	vadd.s32 $0x26C0, v1;
	v3 =	vadd.s32 $0x26C0, v3;
	v0 =	vbroadcast v0, $0x0;
	[sflag:s21] =	ssyncset.done $0x0  }
0xcd: {  	v3 =	vand.u32 $0xFFFFFFFE, v3;
	v1 =	vbroadcast v1, $0x0;
	[sflag:s21] =	ssyncadd.s32 $0xFFFFFFB0  }
0xce: {  	v3 =	vbroadcast v3, $0x0;
	_ =	swait.ge [sflag:s28], $0x1900  }
0xcf: {  	s1 =	simm.s32 $0x1;
	[sflag:s28] =	ssyncset.done $0x0  }
0xd0: {  	v2 =	vmov s1;
	s0 =	simm.s32 $0x4F60;
	[sflag:s28] =	ssyncadd.s32 $0xFFFFE700  }
0xd1: {  	v2 =	vadd.s32 $0x26C0, v2;
	v6 =	vld [tilespmem:s0+$0x30]  }
0xd2: {  	v2 =	vand.u32 $0xFFFFFFFD, v2;
	v5 =	vld.idx.msk [tilespmem:v0+s14+$0x0], $0xffff  }
0xd3: {  	v2 =	vbroadcast v2, $0x0;
	v0 =	vld.idx.msk [tilespmem:v1+s14+$0x0], $0xffff  }
0xd4: {  	v1 =	vld.idx.msk [tilespmem:v3+s14+$0x0], $0xffff  }
0xd5: {  	v8 =	vld [tilespmem:s0+$0xFFFFFF60]  }
0xd6: {  	v9 =	vld [tilespmem:s0+$0xFFFFFF70]  }
0xd7: {  	v13 =	vld [tilespmem:s0+$0xFFFFFF80]  }
0xd8: {  	v4 =	vld [tilespmem:s0+$0xFFFFFF90]  }
0xd9: {  	s30 =	simm.s32 $0x4;
	v2 =	vld.idx.msk [tilespmem:v2+s14+$0x0], $0xffff;
	v1 =	vpack.i.f32.bf16 v1, v1  }
0xda: {  	s31 =	simm.s32 $0x7;
	v10 =	vmov s30;
	v3 =	vld [tilespmem:s0+$0xFFFFFFB0];
	v7 =	vpack.i.f32.bf16 v5, v5;
	v12 =	vmul.bf16 v6, v1  }
0xdb: {  	s5 =	simm.s32 $0x5;
	v14 =	vmov s31;
	v5 =	vld [tilespmem:s0+$0xFFFFFFC0];
	v6 =	vadd.s32 $0x26C0, v10;
	v8 =	vmul.bf16 v8, v7  }
0xdc: {  	v15 =	vmov s5;
	v10 =	vmul.bf16 v9, v7;
	v11 =	vand.u32 $0xFFFFFFFC, v6;
	v6 =	vld [tilespmem:s0+$0xFFFFFFD0];
	[tilespmem:s0+$0x30] =	vst v12  }
0xdd: {  	s7 =	simm.s32 $0x6;
	s5 =	simm.s32 $0x8;
	s1 =	simm.s32 $0x4F60;
	v9 =	vadd.s32 $0x26C0, v15;
	v13 =	vmul.bf16 v13, v7;
	v12 =	vadd.s32 $0x26C0, v14;
	[tilespmem:s0+$0xFFFFFF60] =	vst v8;
	v8 =	vld [tilespmem:s0+$0xFFFFFFE0]  }
.LBB2_8:
0xde: {  	p0 =	slt.u32 s5, $0x4C;
	v14 =	vmov s7;
	[tilespmem:s0+$0xFFFFFF70] =	vst v10;
	v4 =	vmul.bf16 v4, v7;
	v2 =	vpack.i.f32.bf16 v2, v2;
	v7 =	vld [tilespmem:s0+$0x0]  }
0xdf: {  	v10 =	vbroadcast v11, $0x0;
	v11 =	vadd.s32 $0x26C0, v14;
	[tilespmem:s0+$0xFFFFFF80] =	vst v13;
	v3 =	vmul.bf16 v3, v2;
	v13 =	vld [tilespmem:s0+$0x10]  }
0xe0: {  	v12 =	vbroadcast v12, $0x0;
	v11 =	vand.u32 $0xFFFFFFFE, v11;
	[tilespmem:s0+$0xFFFFFF90] =	vst v4;
	v4 =	vmul.bf16 v5, v2;
	v5 =	vld [tilespmem:s0+$0x20]  }
0xe1: {  	v9 =	vand.u32 $0xFFFFFFFD, v9;
	v11 =	vbroadcast v11, $0x0;
	[tilespmem:s0+$0xFFFFFFB0] =	vst v3;
	v3 =	vmul.bf16 v6, v2;
	v6 =	vld [tilespmem:s0+$0x50]  }
0xe2: {  	v9 =	vbroadcast v9, $0x0;
	[tilespmem:s0+$0xFFFFFFC0] =	vst v4;
	v2 =	vmul.bf16 v8, v2;
	v4 =	vld [tilespmem:s0+$0x60]  }
0xe3: {  	[tilespmem:s0+$0xFFFFFFD0] =	vst v3;
	v3 =	vmul.bf16 v7, v1;
	v7 =	vld [tilespmem:s0+$0x70]  }
0xe4: {  	[tilespmem:s0+$0xFFFFFFE0] =	vst v2;
	v2 =	vmul.bf16 v13, v1;
	v8 =	vld [tilespmem:s0+$0x80]  }
0xe5: {  	v10 =	vld.idx.msk [tilespmem:v10+s14+$0x0], $0xffff;
	[tilespmem:s0+$0x0] =	vst v3;
	v1 =	vmul.bf16 v5, v1;
	v3 =	vpack.i.f32.bf16 v0, v0  }
0xe6: {  	v0 =	vld.idx.msk [tilespmem:v12+s14+$0x0], $0xffff;
	[tilespmem:s0+$0x10] =	vst v2;
	v5 =	vmul.bf16 v6, v3  }
0xe7: {  	v6 =	vld.idx.msk [tilespmem:v11+s14+$0x0], $0xffff;
	[tilespmem:s0+$0x20] =	vst v1;
	v1 =	vmul.bf16 v4, v3  }
0xe8: {  	s0 =	sadd.s32 $0x140, s0;
	v2 =	vld.idx.msk [tilespmem:v9+s14+$0x0], $0xffff;
	[tilespmem:s1+$0x50] =	vst v5;
	v4 =	vmul.bf16 v7, v3  }
0xe9: {  	v5 =	vld [tilespmem:s0+$0x30];
	[tilespmem:s1+$0x60] =	vst v1;
	v1 =	vmul.bf16 v8, v3  }
0xea: {  	v8 =	vld [tilespmem:s0+$0xFFFFFF60];
	[tilespmem:s1+$0x70] =	vst v4  }
0xeb: {  	v9 =	vld [tilespmem:s0+$0xFFFFFF70];
	[tilespmem:s1+$0x80] =	vst v1;
	s1 =	smov.u32 s0  }
0xec: {  	v13 =	vld [tilespmem:s0+$0xFFFFFF80]  }
.Ltmp3:
0xed: {  	v1 =	vpack.i.f32.bf16 v6, v6;
	v4 =	vld [tilespmem:s0+$0xFFFFFF90];
	(pc) =	sbr.rel @p0 .LBB2_8-.Ltmp3, $4  }
0xee: {  	s7 =	sadd.s32 $0x3, s5;
	v7 =	vpack.i.f32.bf16 v10, v10;
	v6 =	vmov s5;
	v3 =	vld [tilespmem:s0+$0xFFFFFFB0];
	v12 =	vmul.bf16 v5, v1  }
0xef: {  	s9 =	sadd.s32 $0x1, s5;
	v14 =	vmov s7;
	v6 =	vadd.s32 $0x26C0, v6;
	v8 =	vmul.bf16 v8, v7;
	v5 =	vld [tilespmem:s0+$0xFFFFFFC0]  }
0xf0: {  	v15 =	vmov s9;
	v11 =	vand.u32 $0xFFFFFFFC, v6;
	v10 =	vmul.bf16 v9, v7;
	v6 =	vld [tilespmem:s0+$0xFFFFFFD0];
	[tilespmem:s0+$0x30] =	vst v12  }
0xf1: {  	s7 =	sadd.s32 $0x2, s5;
	s5 =	sadd.s32 $0x4, s5;
	v9 =	vadd.s32 $0x26C0, v15;
	v12 =	vadd.s32 $0x26C0, v14;
	[tilespmem:s0+$0xFFFFFF60] =	vst v8;
	v13 =	vmul.bf16 v13, v7;
	v8 =	vld [tilespmem:s0+$0xFFFFFFE0]  }
0xf2: {  	v15 =	vld [tilespmem:s0+$0x0]  }
0xf3: {  	v16 =	vld [tilespmem:s0+$0x10]  }
0xf4: {  	v17 =	vld [tilespmem:s0+$0x20]  }
0xf5: {  	v18 =	vld [tilespmem:s0+$0x50]  }
0xf6: {  	v11 =	vbroadcast v11, $0x0;
	[tilespmem:s0+$0xFFFFFF70] =	vst v10;
	v4 =	vmul.bf16 v4, v7;
	v2 =	vpack.i.f32.bf16 v2, v2;
	v63 =	vld [tilespmem:s0+$0x60]  }
0xf7: {  	v19 =	vld [tilespmem:s0+$0x70];
	[tilespmem:s0+$0xFFFFFF80] =	vst v13;
	v3 =	vmul.bf16 v3, v2  }
0xf8: {  	v21 =	vld [tilespmem:s0+$0x80];
	s5 =	sadd.s32 $0x140, s0;
	[tilespmem:s0+$0xFFFFFF90] =	vst v4;
	v20 =	vmul.bf16 v5, v2  }
0xf9: {  	v31 =	vld [tilespmem:s5+$0xFFFFFF60];
	[tilespmem:s0+$0xFFFFFFB0] =	vst v3;
	v22 =	vmul.bf16 v6, v2  }
0xfa: {  	v12 =	vbroadcast v12, $0x0;
	v33 =	vld [tilespmem:s5+$0xFFFFFF70];
	[tilespmem:s0+$0xFFFFFFC0] =	vst v20;
	v2 =	vmul.bf16 v8, v2  }
0xfb: {  	v35 =	vld [tilespmem:s5+$0xFFFFFF80];
	[tilespmem:s0+$0xFFFFFFD0] =	vst v22;
	v25 =	vmul.bf16 v15, v1  }
0xfc: {  	v27 =	vmul.bf16 v16, v1;
	v23 =	vld.idx.msk [tilespmem:v11+s14+$0x0], $0xffff;
	[tilespmem:s0+$0xFFFFFFE0] =	vst v2  }
0xfd: {  	v9 =	vand.u32 $0xFFFFFFFD, v9;
	v0 =	vpack.i.f32.bf16 v0, v0;
	v36 =	vld [tilespmem:s5+$0xFFFFFF90];
	v28 =	vmul.bf16 v17, v1;
	[tilespmem:s0+$0x0] =	vst v25  }
0xfe: {  	v62 =	vbroadcast v9, $0x0;
	v39 =	vld [tilespmem:s5+$0xFFFFFFB0];
	v30 =	vmul.bf16 v18, v0;
	[tilespmem:s0+$0x10] =	vst v27  }
0xff: {  	v14 =	vmov s7;
	v52 =	vld [tilespmem:s5+$0x50];
	v32 =	vmul.bf16 v63, v0;
	[tilespmem:s0+$0x20] =	vst v28  }
0x100: {  	v14 =	vadd.s32 $0x26C0, v14;
	v34 =	vmul.bf16 v19, v0;
	v24 =	vld.idx.msk [tilespmem:v12+s14+$0x0], $0xffff;
	[tilespmem:s1+$0x50] =	vst v30  }
0x101: {  	v54 =	vld [tilespmem:s5+$0x60];
	v14 =	vand.u32 $0xFFFFFFFE, v14;
	v0 =	vmul.bf16 v21, v0;
	[tilespmem:s1+$0x60] =	vst v32;
	v38 =	vpack.i.f32.bf16 v23, v23  }
0x102: {  	v56 =	vld [tilespmem:s5+$0x70];
	v14 =	vbroadcast v14, $0x0;
	[tilespmem:s1+$0x70] =	vst v34;
	v40 =	vmul.bf16 v31, v38  }
0x103: {  	v58 =	vld [tilespmem:s5+$0x80];
	[tilespmem:s1+$0x80] =	vst v0;
	v9 =	vmul.bf16 v33, v38  }
0x104: {  	v7 =	vld.idx.msk [tilespmem:v62+s14+$0x0], $0xffff;
	v43 =	vmul.bf16 v35, v38;
	[tilespmem:s5+$0xFFFFFF60] =	vst v40  }
0x105: {  	v41 =	vld [tilespmem:s5+$0xFFFFFFC0];
	v4 =	vpack.i.f32.bf16 v24, v24;
	v1 =	vmul.bf16 v36, v38;
	[tilespmem:s5+$0xFFFFFF70] =	vst v9  }
0x106: {  	v42 =	vld [tilespmem:s5+$0xFFFFFFD0];
	v60 =	vmul.bf16 v52, v4;
	[tilespmem:s5+$0xFFFFFF80] =	vst v43  }
0x107: {  	v44 =	vld [tilespmem:s5+$0xFFFFFFE0];
	v61 =	vmul.bf16 v54, v4;
	[tilespmem:s5+$0xFFFFFF90] =	vst v1  }
0x108: {  	v26 =	vld.idx.msk [tilespmem:v14+s14+$0x0], $0xffff;
	v62 =	vmul.bf16 v56, v4;
	[tilespmem:s5+$0x50] =	vst v60  }
0x109: {  	v29 =	vld [tilespmem:s5+$0x30];
	v45 =	vpack.i.f32.bf16 v7, v7;
	v63 =	vmul.bf16 v58, v4;
	[tilespmem:s5+$0x60] =	vst v61  }
0x10a: {  	v46 =	vld [tilespmem:s5+$0x0];
	v47 =	vmul.bf16 v39, v45;
	[tilespmem:s5+$0x70] =	vst v62  }
0x10b: {  	v48 =	vld [tilespmem:s5+$0x10];
	v49 =	vmul.bf16 v41, v45;
	[tilespmem:s5+$0x80] =	vst v63  }
0x10c: {  	v50 =	vld [tilespmem:s5+$0x20];
	v51 =	vmul.bf16 v42, v45;
	[tilespmem:s5+$0xFFFFFFB0] =	vst v47  }
0x10d: {  	v53 =	vmul.bf16 v44, v45;
	v37 =	vpack.i.f32.bf16 v26, v26;
	[tilespmem:s5+$0xFFFFFFC0] =	vst v49  }
0x10e: {  	v3 =	vmul.bf16 v29, v37;
	[tilespmem:s5+$0xFFFFFFD0] =	vst v51  }
0x10f: {  	v55 =	vmul.bf16 v46, v37;
	[tilespmem:s5+$0xFFFFFFE0] =	vst v53  }
0x110: {  	v57 =	vmul.bf16 v48, v37;
	[tilespmem:s5+$0x30] =	vst v3  }
0x111: {  	v59 =	vmul.bf16 v50, v37;
	[tilespmem:s5+$0x0] =	vst v55  }
0x112: {  	[tilespmem:s5+$0x10] =	vst v57  }
0x113: {  	[tilespmem:s5+$0x20] =	vst v59  }
0x114: {  	[spmem:s2] =	stream.indirect.scatter.add.bf16 [tilespmem:s18], [sflag:$0x5], $0x50, s19, s17, $0xb8;
	[tilespmem:$0x14410] =	vst v63  }
0x115: {  	_ =	swait.ge [sflag:s26], $0x1900  }
0x116: {  	[sflag:s26] =	ssyncset.done $0x0  }
0x117: {  	s29 =	sadd.s32 $0x1, s29;
	[sflag:s26] =	ssyncadd.s32 $0xFFFFE700  }
0x118: {  	p0 =	sne.s32 s29, s12;
	[bflag:$0x0] =	sbarrier.arrive $0xFFFF  }
.Ltmp4:
0x119: {  	s31 =	rddreg [dreg:$0x8];
	(pc) =	sbr.rel @p0 .LBB2_1-.Ltmp4, $4  }
0x11a: {  	[hbm:s31], [sflag:s15] =	dma.local [spmem:s16], $0x186A  }
0x11b: {  	_ =	swait.ge [sflag:s13], $0x186A  }
0x11c: {  	[sflag:s13] =	ssyncset.done $0x0  }
0x11d: {  	[sflag:s13] =	ssyncadd.s32 $0xFFFFE796  }
0x11e: {  	_ =	sfence.sel $0x180000  }
0x11f: {  	[bflag:$0x0] =	sbarrier.arrive $0xFFFF  }
0x120: {  	_ =	strace $0x9000004A  }
0x121: {  	s0 =	stileid.u32;
	[bflag:$0x2] =	sbarrier.arrive $0xFFFF  }
0x122: {  	p0 =	sne.s32 s0, $0x0;
	s0 =	rddreg [dreg:$0x3]  }
0x123: {  	s0 =	sadd.s32 @!p0 $0x100000, s0  }
0x124: {  	[sflag:s0] =	ssyncadd.tile.s32 @!p0 $0x1;
	_ =	shalt  }
.Lfunc_end2:
_tile_overlayer_lowered:
.L_overlay_start_2:
0x125: {  	(tag) =	ssettag $0x2  }
0x126: {  	s0 =	rddreg [dreg:$0x0];
	s2 =	stileid.u32  }
0x127: {  	s1 =	rddreg [dreg:$0x1];
	p0 =	sne.s32 s2, $0x0  }
0x128: {  	s3 =	rddreg [dreg:$0x2];
	[bflag:$0x3] =	sbarrier.arrive $0xFFFF;
	s2 =	simm.s32 @!p0 $0x1C07  }
0x129: {  	[timem:s3], [sflag:s2] =	dma.local @!p0 [hbm:s0], s1  }
0x12a: {  	s0 =	simm.s32 @!p0 $0x7  }
0x12b: {  	_ =	swait.ge @!p0 [sflag:s0], s1  }
0x12c: {  	s1 =	ssub.s32 @!p0 $0x0, s1;
	[sflag:s0] =	ssyncset.done @!p0 $0x0  }
0x12d: {  	[sflag:s0] =	ssyncadd.s32 @!p0 s1  }
0x12e: {  	[bflag:$0x3] =	sbarrier.arrive $0xFFFF  }
0x12f: {  	_ =	shalt  }

</sc_bundles>
